<compile_context>
chip_gen: v7x
topology: tpu7x:2x2x1
jax: 0.10.2.dev20260603
libtpu: 0.0.44.dev20260713+nightly
codegen_flags: <defaults>
</compile_context>

<pallas_src>
import functools

import jax
import jax.numpy as jnp
from jax import lax
from jax.experimental import pallas as pl
from jax.experimental.pallas import tpu as pltpu
from jax.experimental.pallas import tpu_sc as plsc

N = 10000
E = 320000
D = 128
ED = 16

NC = 2
NS = 16
NW = NC * NS
EPW = E // NW
B = 80
NBLK = EPW // B
NP = 10240
RPT = NP // NS
NSL = D // 16

_K0 = 1.5957691216057308
_K1 = 0.044715


def _gelu_tanh_tc(t):
    return 0.5 * t * (1.0 + jnp.tanh(0.5 * _K0 * (t + _K1 * t * t * t)))


def _p_body(x_ref, wsd_ref, ps_ref, pd_ref):
    p = jnp.dot(x_ref[...], wsd_ref[...], preferred_element_type=jnp.float32)
    ps_ref[...] = p[:, :D]
    pd_ref[...] = p[:, D:]


def _make_p(x, wsd):
    blk = 2000
    return pl.pallas_call(
        _p_body,
        grid=(N // blk,),
        in_specs=[
            pl.BlockSpec((blk, D), lambda i: (i, 0)),
            pl.BlockSpec((D, 2 * D), lambda i: (0, 0)),
        ],
        out_specs=[
            pl.BlockSpec((blk, D), lambda i: (i, 0)),
            pl.BlockSpec((blk, D), lambda i: (i, 0)),
        ],
        out_shape=[
            jax.ShapeDtypeStruct((N, D), jnp.float32),
            jax.ShapeDtypeStruct((N, D), jnp.float32),
        ],
    )(x, wsd)


def _q_body(ea_ref, w_ref, b_ref, q_ref):
    q_ref[...] = (
        jnp.dot(ea_ref[...], w_ref[...], preferred_element_type=jnp.float32)
        + b_ref[...]
    )


EQ = E + 4000


def _make_q(ea_p, w1et, b1):
    blk = 4000
    return pl.pallas_call(
        _q_body,
        grid=(EQ // blk,),
        in_specs=[
            pl.BlockSpec((blk, ED), lambda i: (i, 0)),
            pl.BlockSpec((ED, D), lambda i: (0, 0)),
            pl.BlockSpec((1, D), lambda i: (0, 0)),
        ],
        out_specs=pl.BlockSpec((blk, D), lambda i: (i, 0)),
        out_shape=jax.ShapeDtypeStruct((EQ, D), jnp.float32),
    )(ea_p, w1et, b1)


H1 = 48
H2 = 32


def _edge_body(ps_hbm, pd_hbm, q_hbm, src_hbm, dst_hbm, g_out,
               src_a, dst_a, src_b, dst_b, ps_v, pd_v, q_v, g_sh,
               sem_ga, sem_gb, sem_q, sem_sa, sem_sb):
    cid = lax.axis_index("c")
    sid = lax.axis_index("s")
    wid = cid * NS + sid

    zero16 = jnp.zeros((16,), jnp.float32)

    def zrow(e, carry):
        for j in range(NSL):
            ps_v[e, pl.ds(16 * j, 16)] = zero16
        return carry

    lax.fori_loop(0, B, zrow, 0)

    row0 = sid * RPT
    for k in range(RPT // B):
        pltpu.sync_copy(ps_v, g_sh.at[pl.ds(row0 + k * B, B)])
    plsc.subcore_barrier()

    ebase = wid * EPW

    def comp_rows(lo, n):
        def comp(e, c2):
            for j in range(NSL):
                sl = pl.ds(16 * j, 16)
                v = ps_v[e, sl] + pd_v[e, sl] + q_v[e, sl]
                u = -_K0 * (v + _K1 * (v * v * v))
                ps_v[e, sl] = v / (1.0 + jnp.exp(u))
            return c2
        lax.fori_loop(lo, lo + n, comp, 0)

    def issue_g48(base):
        pltpu.async_copy(ps_hbm.at[src_a], ps_v.at[pl.ds(0, H1)], sem_ga)
        pltpu.async_copy(pd_hbm.at[dst_a], pd_v.at[pl.ds(0, H1)], sem_ga)

    def issue_g32(base):
        pltpu.async_copy(ps_hbm.at[src_b], ps_v.at[pl.ds(H1, H2)], sem_gb)
        pltpu.async_copy(pd_hbm.at[dst_b], pd_v.at[pl.ds(H1, H2)], sem_gb)

    def wait_g48():
        pltpu.make_async_copy(ps_hbm.at[src_a], ps_v.at[pl.ds(0, H1)], sem_ga).wait()
        pltpu.make_async_copy(pd_hbm.at[dst_a], pd_v.at[pl.ds(0, H1)], sem_ga).wait()

    def wait_g32():
        pltpu.make_async_copy(ps_hbm.at[src_b], ps_v.at[pl.ds(H1, H2)], sem_gb).wait()
        pltpu.make_async_copy(pd_hbm.at[dst_b], pd_v.at[pl.ds(H1, H2)], sem_gb).wait()

    pltpu.sync_copy(src_hbm.at[pl.ds(ebase, H1)], src_a)
    pltpu.sync_copy(dst_hbm.at[pl.ds(ebase, H1)], dst_a)
    pltpu.sync_copy(src_hbm.at[pl.ds(ebase + H1, H2)], src_b)
    pltpu.sync_copy(dst_hbm.at[pl.ds(ebase + H1, H2)], dst_b)
    issue_g48(ebase)
    issue_g32(ebase)
    pltpu.async_copy(q_hbm.at[pl.ds(ebase, B)], q_v, sem_q)

    def block(i, carry):
        base = ebase + i * B
        nbase = base + B
        pltpu.make_async_copy(q_hbm.at[pl.ds(base, B)], q_v, sem_q).wait()
        wait_g48()
        comp_rows(0, H1)
        sct48 = pltpu.async_copy(ps_v.at[pl.ds(0, H1)], g_sh.at[dst_a],
                                 sem_sa, add=True)
        wait_g32()
        comp_rows(H1, H2)
        sct32 = pltpu.async_copy(ps_v.at[pl.ds(H1, H2)], g_sh.at[dst_b],
                                 sem_sb, add=True)
        pltpu.async_copy(q_hbm.at[pl.ds(nbase, B)], q_v, sem_q)
        sct48.wait()
        pltpu.sync_copy(src_hbm.at[pl.ds(nbase, H1)], src_a)
        pltpu.sync_copy(dst_hbm.at[pl.ds(nbase, H1)], dst_a)
        issue_g48(nbase)
        sct32.wait()
        pltpu.sync_copy(src_hbm.at[pl.ds(nbase + H1, H2)], src_b)
        pltpu.sync_copy(dst_hbm.at[pl.ds(nbase + H1, H2)], dst_b)
        issue_g32(nbase)
        return carry

    lax.fori_loop(0, NBLK, block, 0)
    wait_g48()
    wait_g32()
    pltpu.make_async_copy(q_hbm.at[pl.ds(0, B)], q_v, sem_q).wait()

    plsc.subcore_barrier()

    obase = cid * NP + row0
    for k in range(RPT // B):
        pltpu.sync_copy(g_sh.at[pl.ds(row0 + k * B, B)],
                        g_out.at[pl.ds(obase + k * B, B)])


_edge_call = functools.partial(
    pl.kernel,
    out_type=jax.ShapeDtypeStruct((NC * NP, D), jnp.float32),
    mesh=plsc.VectorSubcoreMesh(core_axis_name="c", subcore_axis_name="s"),
    scratch_types=[
        pltpu.VMEM((H1,), jnp.int32),
        pltpu.VMEM((H1,), jnp.int32),
        pltpu.VMEM((H2,), jnp.int32),
        pltpu.VMEM((H2,), jnp.int32),
        pltpu.VMEM((B, D), jnp.float32),
        pltpu.VMEM((B, D), jnp.float32),
        pltpu.VMEM((B, D), jnp.float32),
        pltpu.VMEM_SHARED((NP, D), jnp.float32),
        pltpu.SemaphoreType.DMA,
        pltpu.SemaphoreType.DMA,
        pltpu.SemaphoreType.DMA,
        pltpu.SemaphoreType.DMA,
        pltpu.SemaphoreType.DMA,
    ],
)(_edge_body)


def _cnt_body(dst_hbm, c_out, dst_a, dst_b, ones_v, c_sh, sem_a, sem_b):
    cid = lax.axis_index("c")
    sid = lax.axis_index("s")
    wid = cid * NS + sid

    zero16 = jnp.zeros((16,), jnp.float32)

    def zrow(e, carry):
        for j in range(NSL):
            ones_v[e, pl.ds(16 * j, 16)] = zero16
        return carry

    lax.fori_loop(0, B, zrow, 0)
    row0 = sid * RPT
    for k in range(RPT // B):
        pltpu.sync_copy(ones_v, c_sh.at[pl.ds(row0 + k * B, B)])

    one16 = jnp.full((16,), 1.0, jnp.float32)

    def onerow(e, carry):
        for j in range(NSL):
            ones_v[e, pl.ds(16 * j, 16)] = one16
        return carry

    lax.fori_loop(0, B, onerow, 0)
    plsc.subcore_barrier()

    ebase = wid * EPW

    pltpu.sync_copy(dst_hbm.at[pl.ds(ebase, B)], dst_a)
    pltpu.async_copy(ones_v, c_sh.at[dst_a], sem_a, add=True)
    pltpu.sync_copy(dst_hbm.at[pl.ds(ebase + B, B)], dst_b)
    pltpu.async_copy(ones_v, c_sh.at[dst_b], sem_b, add=True)

    def pair(t, carry):
        base = ebase + 2 * t * B
        pltpu.make_async_copy(ones_v, c_sh.at[dst_a], sem_a).wait()
        pltpu.sync_copy(dst_hbm.at[pl.ds(base, B)], dst_a)
        pltpu.async_copy(ones_v, c_sh.at[dst_a], sem_a, add=True)
        pltpu.make_async_copy(ones_v, c_sh.at[dst_b], sem_b).wait()
        pltpu.sync_copy(dst_hbm.at[pl.ds(base + B, B)], dst_b)
        pltpu.async_copy(ones_v, c_sh.at[dst_b], sem_b, add=True)
        return carry

    lax.fori_loop(1, NBLK // 2, pair, 0)
    pltpu.make_async_copy(ones_v, c_sh.at[dst_a], sem_a).wait()
    pltpu.sync_copy(dst_hbm.at[pl.ds(ebase + (NBLK - 1) * B, B)], dst_a)
    pltpu.async_copy(ones_v, c_sh.at[dst_a], sem_a, add=True)
    pltpu.make_async_copy(ones_v, c_sh.at[dst_a], sem_a).wait()
    pltpu.make_async_copy(ones_v, c_sh.at[dst_b], sem_b).wait()

    plsc.subcore_barrier()

    obase = cid * NP + row0
    for k in range(RPT // B):
        pltpu.sync_copy(c_sh.at[pl.ds(row0 + k * B, B)],
                        c_out.at[pl.ds(obase + k * B, B)])


_cnt_call = functools.partial(
    pl.kernel,
    out_type=jax.ShapeDtypeStruct((NC * NP, D), jnp.float32),
    mesh=plsc.VectorSubcoreMesh(core_axis_name="c", subcore_axis_name="s"),
    scratch_types=[
        pltpu.VMEM((B,), jnp.int32),
        pltpu.VMEM((B,), jnp.int32),
        pltpu.VMEM((B, D), jnp.float32),
        pltpu.VMEM_SHARED((NP, D), jnp.float32),
        pltpu.SemaphoreType.DMA,
        pltpu.SemaphoreType.DMA,
    ],
)(_cnt_body)


def _fin_body(g2_ref, c2_ref, x_ref, we2t_ref, wn1xt_ref, wn1at_ref,
              wn2t_ref, be2_ref, bn1_ref, bn2_ref, gamma_ref, beta_ref,
              o_ref):
    G = g2_ref[0] + g2_ref[1]
    cnt = c2_ref[0, :, 0:1] + c2_ref[1, :, 0:1]
    S = jnp.dot(G, we2t_ref[...], preferred_element_type=jnp.float32) \
        + cnt * be2_ref[...]
    agg = S / (cnt + 1e-8)
    xb = x_ref[...]
    t = (jnp.dot(xb, wn1xt_ref[...], preferred_element_type=jnp.float32)
         + jnp.dot(agg, wn1at_ref[...], preferred_element_type=jnp.float32)
         + bn1_ref[...])
    t = _gelu_tanh_tc(t)
    out = jnp.dot(t, wn2t_ref[...], preferred_element_type=jnp.float32) \
        + bn2_ref[...]
    y = out + xb
    mu = jnp.mean(y, axis=1, keepdims=True)
    yc = y - mu
    var = jnp.mean(yc * yc, axis=1, keepdims=True)
    o_ref[...] = yc * lax.rsqrt(var + 1e-5) * gamma_ref[...] + beta_ref[...]


def _make_fin(g2, c2, xp, we2t, wn1xt, wn1at, wn2t, be2, bn1, bn2, gm, bt):
    blk = 2048
    wspec = pl.BlockSpec((D, D), lambda i: (0, 0))
    vspec = pl.BlockSpec((1, D), lambda i: (0, 0))
    return pl.pallas_call(
        _fin_body,
        grid=(NP // blk,),
        in_specs=[
            pl.BlockSpec((NC, blk, D), lambda i: (0, i, 0)),
            pl.BlockSpec((NC, blk, D), lambda i: (0, i, 0)),
            pl.BlockSpec((blk, D), lambda i: (i, 0)),
            wspec, wspec, wspec, wspec,
            vspec, vspec, vspec, vspec, vspec,
        ],
        out_specs=pl.BlockSpec((blk, D), lambda i: (i, 0)),
        out_shape=jax.ShapeDtypeStruct((NP, D), jnp.float32),
    )(g2, c2, xp, we2t, wn1xt, wn1at, wn2t, be2, bn1, bn2, gm, bt)


def kernel(x, edge_index, edge_attr, W_e1, b_e1, W_e2, b_e2,
           W_n1, b_n1, W_n2, b_n2, gamma, beta):
    src = jnp.pad(edge_index[0], (0, B))
    dst = jnp.pad(edge_index[1], (0, B))
    wsd = jnp.concatenate([W_e1[:, :D].T, W_e1[:, D:2 * D].T], axis=1)
    w1et = W_e1[:, 2 * D:].T
    b1 = b_e1.reshape(1, D)

    ps, pd = _make_p(x, wsd)
    q = _make_q(jnp.pad(edge_attr, ((0, EQ - E), (0, 0))), w1et, b1)
    g2 = _edge_call(ps, pd, q, src, dst).reshape(NC, NP, D)
    c2 = _cnt_call(dst).reshape(NC, NP, D)
    xp = jnp.pad(x, ((0, NP - N), (0, 0)))
    out = _make_fin(
        g2, c2, xp, W_e2.T, W_n1[:, :D].T, W_n1[:, D:].T, W_n2.T,
        b_e2.reshape(1, D), b_n1.reshape(1, D), b_n2.reshape(1, D),
        gamma.reshape(1, D), beta.reshape(1, D),
    )
    return out[:N]

# --- scband reference (transcript-rebuilt; emitter-appended) ---
"""Pipeline reference for scband-mpnnblock-14121852469811 (READ-ONLY COPY).

The authoritative reference and input builder live on the scoring server;
editing this copy changes nothing except your own understanding.
"""

import jax, jax.numpy as jnp
import numpy as np

N = 10000
E = 320000
D = 128
ED = 16

def setup_inputs(seed: int = 0) -> dict:
    key = jax.random.key(seed)
    ks = jax.random.split(key, 16)
    x = jax.random.normal(ks[0], (N, D), dtype=jnp.float32)
    edge_index = jax.random.randint(ks[1], (2, E), 0, N, dtype=jnp.int32)
    edge_attr = jax.random.normal(ks[2], (E, ED), dtype=jnp.float32)
    def lin(k, out_d, in_d):
        return jax.random.normal(k, (out_d, in_d), dtype=jnp.float32) / jnp.sqrt(in_d)
    W_e1 = lin(ks[3], D, 2 * D + ED)
    b_e1 = jnp.zeros((D,), jnp.float32)
    W_e2 = lin(ks[4], D, D)
    b_e2 = jnp.zeros((D,), jnp.float32)
    W_n1 = lin(ks[5], D, 2 * D)
    b_n1 = jnp.zeros((D,), jnp.float32)
    W_n2 = lin(ks[6], D, D)
    b_n2 = jnp.zeros((D,), jnp.float32)
    gamma = jnp.ones((D,), jnp.float32)
    beta = jnp.zeros((D,), jnp.float32)
    return {"x": x, "edge_index": edge_index, "edge_attr": edge_attr,
            "W_e1": W_e1, "b_e1": b_e1, "W_e2": W_e2, "b_e2": b_e2,
            "W_n1": W_n1, "b_n1": b_n1, "W_n2": W_n2, "b_n2": b_n2,
            "gamma": gamma, "beta": beta}

def reference(x, edge_index, edge_attr, W_e1, b_e1, W_e2, b_e2, W_n1, b_n1, W_n2, b_n2, gamma, beta):
    src = edge_index[0]
    dst = edge_index[1]
    h = jnp.concatenate([x[src], x[dst], edge_attr], axis=-1)
    m = jax.nn.gelu(h @ W_e1.T + b_e1, approximate=False) @ W_e2.T + b_e2
    agg = jax.ops.segment_sum(m, dst, num_segments=N)
    cnt = jax.ops.segment_sum(jnp.ones((E, 1), jnp.float32), dst, num_segments=N)
    agg = agg / (cnt + 1e-8)
    h2 = jnp.concatenate([x, agg], axis=-1)
    out = jax.nn.gelu(h2 @ W_n1.T + b_n1, approximate=False) @ W_n2.T + b_n2
    y = out + x
    mu = jnp.mean(y, axis=-1, keepdims=True)
    var = jnp.var(y, axis=-1, keepdims=True)
    return (y - mu) / jnp.sqrt(var + 1e-5) * gamma + beta

if __name__ == "__main__":
    import jax
    _d = setup_inputs()
    print(jax.jit(kernel)(*tuple(_d.values())))

</pallas_src>

<mosaic_0001>
#map = affine_map<(d0, d1) -> (0)>
#map1 = affine_map<(d0, d1) -> (0, 0)>
module attributes {stable_mosaic.version = 14 : i64} {
  func.func @_cnt_body(%arg0: i32, %arg1: i32, %arg2: memref<320080xi32, #tpu.memory_space<hbm>>, %arg3: memref<20480x128xf32, #tpu.memory_space<hbm>>, %arg4: memref<80xi32, #tpu.memory_space<vmem>>, %arg5: memref<80xi32, #tpu.memory_space<vmem>>, %arg6: memref<80x128xf32, #tpu.memory_space<vmem>>, %arg7: memref<10240x128xf32, #tpu.memory_space<vmem_shared>>, %arg8: memref<!tpu.dma_semaphore, #tpu.memory_space<semaphore_mem>>, %arg9: memref<!tpu.dma_semaphore, #tpu.memory_space<semaphore_mem>>) attributes {dimension_semantics = [#tpu.dimension_semantics<core_parallel>, #tpu.dimension_semantics<subcore_parallel>], iteration_bounds = array<i64: 2, 16>, scalar_prefetch = 0 : i64, scratch_operands = 6 : i64, tpu.core_type = #tpu.core_type<sc_vector_subcore>, window_params = [{transform_indices = #map}, {transform_indices = #map1}]} {
    %mul3A = arith.constant 16 : i32
    %mul3A_0 = arith.muli %arg0, %mul3A : i32
    %add3A = arith.addi %mul3A_0, %arg1 : i32
    %broadcast_in_dim3A = arith.constant 0.000000e+00 : f32
    %broadcast_in_dim3A_1 = vector.broadcast %broadcast_in_dim3A : f32 to vector<16xf32>
    %scan3A = arith.constant 0 : i32
    %scan3A_2 = arith.constant 0 : i32
    %scan3A_3 = arith.constant 80 : i32
    %scan3A_4 = arith.addi %scan3A_2, %scan3A_3 : i32
    %scan3A_5 = arith.constant 1 : i32
    scf.for %scan3A_97 = %scan3A_2 to %scan3A_4 step %scan3A_5  : i32 {
      %swap3A = arith.index_cast %scan3A_97 : i32 to index
      %swap3A_98 = arith.constant 0 : index
      %swap3A_99 = tpu.vector_load %arg6[%swap3A, %swap3A_98] {strides = array<i32>} : memref<80x128xf32, #tpu.memory_space<vmem>>, vector<1x16xf32>,
      %swap3A_100 = vector.shape_cast %swap3A_99 : vector<1x16xf32> to vector<16xf32>
      %swap3A_101 = vector.shape_cast %broadcast_in_dim3A_1 : vector<16xf32> to vector<1x16xf32>
      tpu.vector_store %arg6[%swap3A, %swap3A_98], %swap3A_101 {strides = array<i32>} : memref<80x128xf32, #tpu.memory_space<vmem>>, vector<1x16xf32>,
      %swap3A_102 = arith.index_cast %scan3A_97 : i32 to index
      %swap3A_103 = arith.constant 16 : index
      %swap3A_104 = tpu.vector_load %arg6[%swap3A_102, %swap3A_103] {strides = array<i32>} : memref<80x128xf32, #tpu.memory_space<vmem>>, vector<1x16xf32>,
      %swap3A_105 = vector.shape_cast %swap3A_104 : vector<1x16xf32> to vector<16xf32>
      %swap3A_106 = vector.shape_cast %broadcast_in_dim3A_1 : vector<16xf32> to vector<1x16xf32>
      tpu.vector_store %arg6[%swap3A_102, %swap3A_103], %swap3A_106 {strides = array<i32>} : memref<80x128xf32, #tpu.memory_space<vmem>>, vector<1x16xf32>,
      %swap3A_107 = arith.index_cast %scan3A_97 : i32 to index
      %swap3A_108 = arith.constant 32 : index
      %swap3A_109 = tpu.vector_load %arg6[%swap3A_107, %swap3A_108] {strides = array<i32>} : memref<80x128xf32, #tpu.memory_space<vmem>>, vector<1x16xf32>,
      %swap3A_110 = vector.shape_cast %swap3A_109 : vector<1x16xf32> to vector<16xf32>
      %swap3A_111 = vector.shape_cast %broadcast_in_dim3A_1 : vector<16xf32> to vector<1x16xf32>
      tpu.vector_store %arg6[%swap3A_107, %swap3A_108], %swap3A_111 {strides = array<i32>} : memref<80x128xf32, #tpu.memory_space<vmem>>, vector<1x16xf32>,
      %swap3A_112 = arith.index_cast %scan3A_97 : i32 to index
      %swap3A_113 = arith.constant 48 : index
      %swap3A_114 = tpu.vector_load %arg6[%swap3A_112, %swap3A_113] {strides = array<i32>} : memref<80x128xf32, #tpu.memory_space<vmem>>, vector<1x16xf32>,
      %swap3A_115 = vector.shape_cast %swap3A_114 : vector<1x16xf32> to vector<16xf32>
      %swap3A_116 = vector.shape_cast %broadcast_in_dim3A_1 : vector<16xf32> to vector<1x16xf32>
      tpu.vector_store %arg6[%swap3A_112, %swap3A_113], %swap3A_116 {strides = array<i32>} : memref<80x128xf32, #tpu.memory_space<vmem>>, vector<1x16xf32>,
      %swap3A_117 = arith.index_cast %scan3A_97 : i32 to index
      %swap3A_118 = arith.constant 64 : index
      %swap3A_119 = tpu.vector_load %arg6[%swap3A_117, %swap3A_118] {strides = array<i32>} : memref<80x128xf32, #tpu.memory_space<vmem>>, vector<1x16xf32>,
      %swap3A_120 = vector.shape_cast %swap3A_119 : vector<1x16xf32> to vector<16xf32>
      %swap3A_121 = vector.shape_cast %broadcast_in_dim3A_1 : vector<16xf32> to vector<1x16xf32>
      tpu.vector_store %arg6[%swap3A_117, %swap3A_118], %swap3A_121 {strides = array<i32>} : memref<80x128xf32, #tpu.memory_space<vmem>>, vector<1x16xf32>,
      %swap3A_122 = arith.index_cast %scan3A_97 : i32 to index
      %swap3A_123 = arith.constant 80 : index
      %swap3A_124 = tpu.vector_load %arg6[%swap3A_122, %swap3A_123] {strides = array<i32>} : memref<80x128xf32, #tpu.memory_space<vmem>>, vector<1x16xf32>,
      %swap3A_125 = vector.shape_cast %swap3A_124 : vector<1x16xf32> to vector<16xf32>
      %swap3A_126 = vector.shape_cast %broadcast_in_dim3A_1 : vector<16xf32> to vector<1x16xf32>
      tpu.vector_store %arg6[%swap3A_122, %swap3A_123], %swap3A_126 {strides = array<i32>} : memref<80x128xf32, #tpu.memory_space<vmem>>, vector<1x16xf32>,
      %swap3A_127 = arith.index_cast %scan3A_97 : i32 to index
      %swap3A_128 = arith.constant 96 : index
      %swap3A_129 = tpu.vector_load %arg6[%swap3A_127, %swap3A_128] {strides = array<i32>} : memref<80x128xf32, #tpu.memory_space<vmem>>, vector<1x16xf32>,
      %swap3A_130 = vector.shape_cast %swap3A_129 : vector<1x16xf32> to vector<16xf32>
      %swap3A_131 = vector.shape_cast %broadcast_in_dim3A_1 : vector<16xf32> to vector<1x16xf32>
      tpu.vector_store %arg6[%swap3A_127, %swap3A_128], %swap3A_131 {strides = array<i32>} : memref<80x128xf32, #tpu.memory_space<vmem>>, vector<1x16xf32>,
      %swap3A_132 = arith.index_cast %scan3A_97 : i32 to index
      %swap3A_133 = arith.constant 112 : index
      %swap3A_134 = tpu.vector_load %arg6[%swap3A_132, %swap3A_133] {strides = array<i32>} : memref<80x128xf32, #tpu.memory_space<vmem>>, vector<1x16xf32>,
      %swap3A_135 = vector.shape_cast %swap3A_134 : vector<1x16xf32> to vector<16xf32>
      %swap3A_136 = vector.shape_cast %broadcast_in_dim3A_1 : vector<16xf32> to vector<1x16xf32>
      tpu.vector_store %arg6[%swap3A_132, %swap3A_133], %swap3A_136 {strides = array<i32>} : memref<80x128xf32, #tpu.memory_space<vmem>>, vector<1x16xf32>,
    }
    %scan3A_6 = arith.constant 80 : i32
    %mul3A_7 = arith.constant 640 : i32
    %mul3A_8 = arith.muli %arg1, %mul3A_7 : i32
    %add3A_9 = arith.constant 0 : i32
    %add3A_10 = arith.addi %mul3A_8, %add3A_9 : i32
    "tpu.region"() ({
      %run_scoped3A = tpu.sem_alloc : memref<!tpu.dma_semaphore, #tpu.memory_space<semaphore_mem>>
      %dma_start3A_97 = arith.constant 0 : i32
      %dma_start3A_98 = tpu.memref_slice %arg7[%add3A_10, %dma_start3A_97] : memref<10240x128xf32, #tpu.memory_space<vmem_shared>> -> memref<80x128xf32, #tpu.memory_space<vmem_shared>>
      %dma_start3A_99 = arith.constant 0 : i32
      %dma_start3A_100 = tpu.memref_slice %arg7[%add3A_10, %dma_start3A_99] : memref<10240x128xf32, #tpu.memory_space<vmem_shared>> -> memref<80x128xf32, #tpu.memory_space<vmem_shared>>
      tpu.enqueue_dma source(%arg6 : memref<80x128xf32, #tpu.memory_space<vmem>>) target(%dma_start3A_100 : memref<80x128xf32, #tpu.memory_space<vmem_shared>>) target_semaphore(%run_scoped3A : memref<!tpu.dma_semaphore, #tpu.memory_space<semaphore_mem>>)
      %dma_wait3A_101 = arith.constant 0 : i32
      %dma_wait3A_102 = tpu.memref_slice %arg7[%add3A_10, %dma_wait3A_101] : memref<10240x128xf32, #tpu.memory_space<vmem_shared>> -> memref<80x128xf32, #tpu.memory_space<vmem_shared>>
      %dma_wait3A_103 = arith.constant 0 : i32
      %dma_wait3A_104 = tpu.memref_slice %arg7[%add3A_10, %dma_wait3A_103] : memref<10240x128xf32, #tpu.memory_space<vmem_shared>> -> memref<80x128xf32, #tpu.memory_space<vmem_shared>>
      tpu.wait_dma2 semaphore(%run_scoped3A : memref<!tpu.dma_semaphore, #tpu.memory_space<semaphore_mem>>) src(%arg6 : memref<80x128xf32, #tpu.memory_space<vmem>>) dst(%dma_wait3A_104 : memref<80x128xf32, #tpu.memory_space<vmem_shared>>)
      tpu.yield
    }) : () -> ()
    %add3A_11 = arith.constant 80 : i32
    %add3A_12 = arith.addi %mul3A_8, %add3A_11 : i32
    "tpu.region"() ({
      %run_scoped3A = tpu.sem_alloc : memref<!tpu.dma_semaphore, #tpu.memory_space<semaphore_mem>>
      %dma_start3A_97 = arith.constant 0 : i32
      %dma_start3A_98 = tpu.memref_slice %arg7[%add3A_12, %dma_start3A_97] : memref<10240x128xf32, #tpu.memory_space<vmem_shared>> -> memref<80x128xf32, #tpu.memory_space<vmem_shared>>
      %dma_start3A_99 = arith.constant 0 : i32
      %dma_start3A_100 = tpu.memref_slice %arg7[%add3A_12, %dma_start3A_99] : memref<10240x128xf32, #tpu.memory_space<vmem_shared>> -> memref<80x128xf32, #tpu.memory_space<vmem_shared>>
      tpu.enqueue_dma source(%arg6 : memref<80x128xf32, #tpu.memory_space<vmem>>) target(%dma_start3A_100 : memref<80x128xf32, #tpu.memory_space<vmem_shared>>) target_semaphore(%run_scoped3A : memref<!tpu.dma_semaphore, #tpu.memory_space<semaphore_mem>>)
      %dma_wait3A_101 = arith.constant 0 : i32
      %dma_wait3A_102 = tpu.memref_slice %arg7[%add3A_12, %dma_wait3A_101] : memref<10240x128xf32, #tpu.memory_space<vmem_shared>> -> memref<80x128xf32, #tpu.memory_space<vmem_shared>>
      %dma_wait3A_103 = arith.constant 0 : i32
      %dma_wait3A_104 = tpu.memref_slice %arg7[%add3A_12, %dma_wait3A_103] : memref<10240x128xf32, #tpu.memory_space<vmem_shared>> -> memref<80x128xf32, #tpu.memory_space<vmem_shared>>
      tpu.wait_dma2 semaphore(%run_scoped3A : memref<!tpu.dma_semaphore, #tpu.memory_space<semaphore_mem>>) src(%arg6 : memref<80x128xf32, #tpu.memory_space<vmem>>) dst(%dma_wait3A_104 : memref<80x128xf32, #tpu.memory_space<vmem_shared>>)
      tpu.yield
    }) : () -> ()
    %add3A_13 = arith.constant 160 : i32
    %add3A_14 = arith.addi %mul3A_8, %add3A_13 : i32
    "tpu.region"() ({
      %run_scoped3A = tpu.sem_alloc : memref<!tpu.dma_semaphore, #tpu.memory_space<semaphore_mem>>
      %dma_start3A_97 = arith.constant 0 : i32
      %dma_start3A_98 = tpu.memref_slice %arg7[%add3A_14, %dma_start3A_97] : memref<10240x128xf32, #tpu.memory_space<vmem_shared>> -> memref<80x128xf32, #tpu.memory_space<vmem_shared>>
      %dma_start3A_99 = arith.constant 0 : i32
      %dma_start3A_100 = tpu.memref_slice %arg7[%add3A_14, %dma_start3A_99] : memref<10240x128xf32, #tpu.memory_space<vmem_shared>> -> memref<80x128xf32, #tpu.memory_space<vmem_shared>>
      tpu.enqueue_dma source(%arg6 : memref<80x128xf32, #tpu.memory_space<vmem>>) target(%dma_start3A_100 : memref<80x128xf32, #tpu.memory_space<vmem_shared>>) target_semaphore(%run_scoped3A : memref<!tpu.dma_semaphore, #tpu.memory_space<semaphore_mem>>)
      %dma_wait3A_101 = arith.constant 0 : i32
      %dma_wait3A_102 = tpu.memref_slice %arg7[%add3A_14, %dma_wait3A_101] : memref<10240x128xf32, #tpu.memory_space<vmem_shared>> -> memref<80x128xf32, #tpu.memory_space<vmem_shared>>
      %dma_wait3A_103 = arith.constant 0 : i32
      %dma_wait3A_104 = tpu.memref_slice %arg7[%add3A_14, %dma_wait3A_103] : memref<10240x128xf32, #tpu.memory_space<vmem_shared>> -> memref<80x128xf32, #tpu.memory_space<vmem_shared>>
      tpu.wait_dma2 semaphore(%run_scoped3A : memref<!tpu.dma_semaphore, #tpu.memory_space<semaphore_mem>>) src(%arg6 : memref<80x128xf32, #tpu.memory_space<vmem>>) dst(%dma_wait3A_104 : memref<80x128xf32, #tpu.memory_space<vmem_shared>>)
      tpu.yield
    }) : () -> ()
    %add3A_15 = arith.constant 240 : i32
    %add3A_16 = arith.addi %mul3A_8, %add3A_15 : i32
    "tpu.region"() ({
      %run_scoped3A = tpu.sem_alloc : memref<!tpu.dma_semaphore, #tpu.memory_space<semaphore_mem>>
      %dma_start3A_97 = arith.constant 0 : i32
      %dma_start3A_98 = tpu.memref_slice %arg7[%add3A_16, %dma_start3A_97] : memref<10240x128xf32, #tpu.memory_space<vmem_shared>> -> memref<80x128xf32, #tpu.memory_space<vmem_shared>>
      %dma_start3A_99 = arith.constant 0 : i32
      %dma_start3A_100 = tpu.memref_slice %arg7[%add3A_16, %dma_start3A_99] : memref<10240x128xf32, #tpu.memory_space<vmem_shared>> -> memref<80x128xf32, #tpu.memory_space<vmem_shared>>
      tpu.enqueue_dma source(%arg6 : memref<80x128xf32, #tpu.memory_space<vmem>>) target(%dma_start3A_100 : memref<80x128xf32, #tpu.memory_space<vmem_shared>>) target_semaphore(%run_scoped3A : memref<!tpu.dma_semaphore, #tpu.memory_space<semaphore_mem>>)
      %dma_wait3A_101 = arith.constant 0 : i32
      %dma_wait3A_102 = tpu.memref_slice %arg7[%add3A_16, %dma_wait3A_101] : memref<10240x128xf32, #tpu.memory_space<vmem_shared>> -> memref<80x128xf32, #tpu.memory_space<vmem_shared>>
      %dma_wait3A_103 = arith.constant 0 : i32
      %dma_wait3A_104 = tpu.memref_slice %arg7[%add3A_16, %dma_wait3A_103] : memref<10240x128xf32, #tpu.memory_space<vmem_shared>> -> memref<80x128xf32, #tpu.memory_space<vmem_shared>>
      tpu.wait_dma2 semaphore(%run_scoped3A : memref<!tpu.dma_semaphore, #tpu.memory_space<semaphore_mem>>) src(%arg6 : memref<80x128xf32, #tpu.memory_space<vmem>>) dst(%dma_wait3A_104 : memref<80x128xf32, #tpu.memory_space<vmem_shared>>)
      tpu.yield
    }) : () -> ()
    %add3A_17 = arith.constant 320 : i32
    %add3A_18 = arith.addi %mul3A_8, %add3A_17 : i32
    "tpu.region"() ({
      %run_scoped3A = tpu.sem_alloc : memref<!tpu.dma_semaphore, #tpu.memory_space<semaphore_mem>>
      %dma_start3A_97 = arith.constant 0 : i32
      %dma_start3A_98 = tpu.memref_slice %arg7[%add3A_18, %dma_start3A_97] : memref<10240x128xf32, #tpu.memory_space<vmem_shared>> -> memref<80x128xf32, #tpu.memory_space<vmem_shared>>
      %dma_start3A_99 = arith.constant 0 : i32
      %dma_start3A_100 = tpu.memref_slice %arg7[%add3A_18, %dma_start3A_99] : memref<10240x128xf32, #tpu.memory_space<vmem_shared>> -> memref<80x128xf32, #tpu.memory_space<vmem_shared>>
      tpu.enqueue_dma source(%arg6 : memref<80x128xf32, #tpu.memory_space<vmem>>) target(%dma_start3A_100 : memref<80x128xf32, #tpu.memory_space<vmem_shared>>) target_semaphore(%run_scoped3A : memref<!tpu.dma_semaphore, #tpu.memory_space<semaphore_mem>>)
      %dma_wait3A_101 = arith.constant 0 : i32
      %dma_wait3A_102 = tpu.memref_slice %arg7[%add3A_18, %dma_wait3A_101] : memref<10240x128xf32, #tpu.memory_space<vmem_shared>> -> memref<80x128xf32, #tpu.memory_space<vmem_shared>>
      %dma_wait3A_103 = arith.constant 0 : i32
      %dma_wait3A_104 = tpu.memref_slice %arg7[%add3A_18, %dma_wait3A_103] : memref<10240x128xf32, #tpu.memory_space<vmem_shared>> -> memref<80x128xf32, #tpu.memory_space<vmem_shared>>
      tpu.wait_dma2 semaphore(%run_scoped3A : memref<!tpu.dma_semaphore, #tpu.memory_space<semaphore_mem>>) src(%arg6 : memref<80x128xf32, #tpu.memory_space<vmem>>) dst(%dma_wait3A_104 : memref<80x128xf32, #tpu.memory_space<vmem_shared>>)
      tpu.yield
    }) : () -> ()
    %add3A_19 = arith.constant 400 : i32
    %add3A_20 = arith.addi %mul3A_8, %add3A_19 : i32
    "tpu.region"() ({
      %run_scoped3A = tpu.sem_alloc : memref<!tpu.dma_semaphore, #tpu.memory_space<semaphore_mem>>
      %dma_start3A_97 = arith.constant 0 : i32
      %dma_start3A_98 = tpu.memref_slice %arg7[%add3A_20, %dma_start3A_97] : memref<10240x128xf32, #tpu.memory_space<vmem_shared>> -> memref<80x128xf32, #tpu.memory_space<vmem_shared>>
      %dma_start3A_99 = arith.constant 0 : i32
      %dma_start3A_100 = tpu.memref_slice %arg7[%add3A_20, %dma_start3A_99] : memref<10240x128xf32, #tpu.memory_space<vmem_shared>> -> memref<80x128xf32, #tpu.memory_space<vmem_shared>>
      tpu.enqueue_dma source(%arg6 : memref<80x128xf32, #tpu.memory_space<vmem>>) target(%dma_start3A_100 : memref<80x128xf32, #tpu.memory_space<vmem_shared>>) target_semaphore(%run_scoped3A : memref<!tpu.dma_semaphore, #tpu.memory_space<semaphore_mem>>)
      %dma_wait3A_101 = arith.constant 0 : i32
      %dma_wait3A_102 = tpu.memref_slice %arg7[%add3A_20, %dma_wait3A_101] : memref<10240x128xf32, #tpu.memory_space<vmem_shared>> -> memref<80x128xf32, #tpu.memory_space<vmem_shared>>
      %dma_wait3A_103 = arith.constant 0 : i32
      %dma_wait3A_104 = tpu.memref_slice %arg7[%add3A_20, %dma_wait3A_103] : memref<10240x128xf32, #tpu.memory_space<vmem_shared>> -> memref<80x128xf32, #tpu.memory_space<vmem_shared>>
      tpu.wait_dma2 semaphore(%run_scoped3A : memref<!tpu.dma_semaphore, #tpu.memory_space<semaphore_mem>>) src(%arg6 : memref<80x128xf32, #tpu.memory_space<vmem>>) dst(%dma_wait3A_104 : memref<80x128xf32, #tpu.memory_space<vmem_shared>>)
      tpu.yield
    }) : () -> ()
    %add3A_21 = arith.constant 480 : i32
    %add3A_22 = arith.addi %mul3A_8, %add3A_21 : i32
    "tpu.region"() ({
      %run_scoped3A = tpu.sem_alloc : memref<!tpu.dma_semaphore, #tpu.memory_space<semaphore_mem>>
      %dma_start3A_97 = arith.constant 0 : i32
      %dma_start3A_98 = tpu.memref_slice %arg7[%add3A_22, %dma_start3A_97] : memref<10240x128xf32, #tpu.memory_space<vmem_shared>> -> memref<80x128xf32, #tpu.memory_space<vmem_shared>>
      %dma_start3A_99 = arith.constant 0 : i32
      %dma_start3A_100 = tpu.memref_slice %arg7[%add3A_22, %dma_start3A_99] : memref<10240x128xf32, #tpu.memory_space<vmem_shared>> -> memref<80x128xf32, #tpu.memory_space<vmem_shared>>
      tpu.enqueue_dma source(%arg6 : memref<80x128xf32, #tpu.memory_space<vmem>>) target(%dma_start3A_100 : memref<80x128xf32, #tpu.memory_space<vmem_shared>>) target_semaphore(%run_scoped3A : memref<!tpu.dma_semaphore, #tpu.memory_space<semaphore_mem>>)
      %dma_wait3A_101 = arith.constant 0 : i32
      %dma_wait3A_102 = tpu.memref_slice %arg7[%add3A_22, %dma_wait3A_101] : memref<10240x128xf32, #tpu.memory_space<vmem_shared>> -> memref<80x128xf32, #tpu.memory_space<vmem_shared>>
      %dma_wait3A_103 = arith.constant 0 : i32
      %dma_wait3A_104 = tpu.memref_slice %arg7[%add3A_22, %dma_wait3A_103] : memref<10240x128xf32, #tpu.memory_space<vmem_shared>> -> memref<80x128xf32, #tpu.memory_space<vmem_shared>>
      tpu.wait_dma2 semaphore(%run_scoped3A : memref<!tpu.dma_semaphore, #tpu.memory_space<semaphore_mem>>) src(%arg6 : memref<80x128xf32, #tpu.memory_space<vmem>>) dst(%dma_wait3A_104 : memref<80x128xf32, #tpu.memory_space<vmem_shared>>)
      tpu.yield
    }) : () -> ()
    %add3A_23 = arith.constant 560 : i32
    %add3A_24 = arith.addi %mul3A_8, %add3A_23 : i32
    "tpu.region"() ({
      %run_scoped3A = tpu.sem_alloc : memref<!tpu.dma_semaphore, #tpu.memory_space<semaphore_mem>>
      %dma_start3A_97 = arith.constant 0 : i32
      %dma_start3A_98 = tpu.memref_slice %arg7[%add3A_24, %dma_start3A_97] : memref<10240x128xf32, #tpu.memory_space<vmem_shared>> -> memref<80x128xf32, #tpu.memory_space<vmem_shared>>
      %dma_start3A_99 = arith.constant 0 : i32
      %dma_start3A_100 = tpu.memref_slice %arg7[%add3A_24, %dma_start3A_99] : memref<10240x128xf32, #tpu.memory_space<vmem_shared>> -> memref<80x128xf32, #tpu.memory_space<vmem_shared>>
      tpu.enqueue_dma source(%arg6 : memref<80x128xf32, #tpu.memory_space<vmem>>) target(%dma_start3A_100 : memref<80x128xf32, #tpu.memory_space<vmem_shared>>) target_semaphore(%run_scoped3A : memref<!tpu.dma_semaphore, #tpu.memory_space<semaphore_mem>>)
      %dma_wait3A_101 = arith.constant 0 : i32
      %dma_wait3A_102 = tpu.memref_slice %arg7[%add3A_24, %dma_wait3A_101] : memref<10240x128xf32, #tpu.memory_space<vmem_shared>> -> memref<80x128xf32, #tpu.memory_space<vmem_shared>>
      %dma_wait3A_103 = arith.constant 0 : i32
      %dma_wait3A_104 = tpu.memref_slice %arg7[%add3A_24, %dma_wait3A_103] : memref<10240x128xf32, #tpu.memory_space<vmem_shared>> -> memref<80x128xf32, #tpu.memory_space<vmem_shared>>
      tpu.wait_dma2 semaphore(%run_scoped3A : memref<!tpu.dma_semaphore, #tpu.memory_space<semaphore_mem>>) src(%arg6 : memref<80x128xf32, #tpu.memory_space<vmem>>) dst(%dma_wait3A_104 : memref<80x128xf32, #tpu.memory_space<vmem_shared>>)
      tpu.yield
    }) : () -> ()
    %broadcast_in_dim3A_25 = arith.constant 1.000000e+00 : f32
    %broadcast_in_dim3A_26 = vector.broadcast %broadcast_in_dim3A_25 : f32 to vector<16xf32>
    %scan3A_27 = arith.constant 0 : i32
    %scan3A_28 = arith.constant 0 : i32
    %scan3A_29 = arith.constant 80 : i32
    %scan3A_30 = arith.addi %scan3A_28, %scan3A_29 : i32
    %scan3A_31 = arith.constant 1 : i32
    scf.for %scan3A_97 = %scan3A_28 to %scan3A_30 step %scan3A_31  : i32 {
      %swap3A = arith.index_cast %scan3A_97 : i32 to index
      %swap3A_98 = arith.constant 0 : index
      %swap3A_99 = tpu.vector_load %arg6[%swap3A, %swap3A_98] {strides = array<i32>} : memref<80x128xf32, #tpu.memory_space<vmem>>, vector<1x16xf32>,
      %swap3A_100 = vector.shape_cast %swap3A_99 : vector<1x16xf32> to vector<16xf32>
      %swap3A_101 = vector.shape_cast %broadcast_in_dim3A_26 : vector<16xf32> to vector<1x16xf32>
      tpu.vector_store %arg6[%swap3A, %swap3A_98], %swap3A_101 {strides = array<i32>} : memref<80x128xf32, #tpu.memory_space<vmem>>, vector<1x16xf32>,
      %swap3A_102 = arith.index_cast %scan3A_97 : i32 to index
      %swap3A_103 = arith.constant 16 : index
      %swap3A_104 = tpu.vector_load %arg6[%swap3A_102, %swap3A_103] {strides = array<i32>} : memref<80x128xf32, #tpu.memory_space<vmem>>, vector<1x16xf32>,
      %swap3A_105 = vector.shape_cast %swap3A_104 : vector<1x16xf32> to vector<16xf32>
      %swap3A_106 = vector.shape_cast %broadcast_in_dim3A_26 : vector<16xf32> to vector<1x16xf32>
      tpu.vector_store %arg6[%swap3A_102, %swap3A_103], %swap3A_106 {strides = array<i32>} : memref<80x128xf32, #tpu.memory_space<vmem>>, vector<1x16xf32>,
      %swap3A_107 = arith.index_cast %scan3A_97 : i32 to index
      %swap3A_108 = arith.constant 32 : index
      %swap3A_109 = tpu.vector_load %arg6[%swap3A_107, %swap3A_108] {strides = array<i32>} : memref<80x128xf32, #tpu.memory_space<vmem>>, vector<1x16xf32>,
      %swap3A_110 = vector.shape_cast %swap3A_109 : vector<1x16xf32> to vector<16xf32>
      %swap3A_111 = vector.shape_cast %broadcast_in_dim3A_26 : vector<16xf32> to vector<1x16xf32>
      tpu.vector_store %arg6[%swap3A_107, %swap3A_108], %swap3A_111 {strides = array<i32>} : memref<80x128xf32, #tpu.memory_space<vmem>>, vector<1x16xf32>,
      %swap3A_112 = arith.index_cast %scan3A_97 : i32 to index
      %swap3A_113 = arith.constant 48 : index
      %swap3A_114 = tpu.vector_load %arg6[%swap3A_112, %swap3A_113] {strides = array<i32>} : memref<80x128xf32, #tpu.memory_space<vmem>>, vector<1x16xf32>,
      %swap3A_115 = vector.shape_cast %swap3A_114 : vector<1x16xf32> to vector<16xf32>
      %swap3A_116 = vector.shape_cast %broadcast_in_dim3A_26 : vector<16xf32> to vector<1x16xf32>
      tpu.vector_store %arg6[%swap3A_112, %swap3A_113], %swap3A_116 {strides = array<i32>} : memref<80x128xf32, #tpu.memory_space<vmem>>, vector<1x16xf32>,
      %swap3A_117 = arith.index_cast %scan3A_97 : i32 to index
      %swap3A_118 = arith.constant 64 : index
      %swap3A_119 = tpu.vector_load %arg6[%swap3A_117, %swap3A_118] {strides = array<i32>} : memref<80x128xf32, #tpu.memory_space<vmem>>, vector<1x16xf32>,
      %swap3A_120 = vector.shape_cast %swap3A_119 : vector<1x16xf32> to vector<16xf32>
      %swap3A_121 = vector.shape_cast %broadcast_in_dim3A_26 : vector<16xf32> to vector<1x16xf32>
      tpu.vector_store %arg6[%swap3A_117, %swap3A_118], %swap3A_121 {strides = array<i32>} : memref<80x128xf32, #tpu.memory_space<vmem>>, vector<1x16xf32>,
      %swap3A_122 = arith.index_cast %scan3A_97 : i32 to index
      %swap3A_123 = arith.constant 80 : index
      %swap3A_124 = tpu.vector_load %arg6[%swap3A_122, %swap3A_123] {strides = array<i32>} : memref<80x128xf32, #tpu.memory_space<vmem>>, vector<1x16xf32>,
      %swap3A_125 = vector.shape_cast %swap3A_124 : vector<1x16xf32> to vector<16xf32>
      %swap3A_126 = vector.shape_cast %broadcast_in_dim3A_26 : vector<16xf32> to vector<1x16xf32>
      tpu.vector_store %arg6[%swap3A_122, %swap3A_123], %swap3A_126 {strides = array<i32>} : memref<80x128xf32, #tpu.memory_space<vmem>>, vector<1x16xf32>,
      %swap3A_127 = arith.index_cast %scan3A_97 : i32 to index
      %swap3A_128 = arith.constant 96 : index
      %swap3A_129 = tpu.vector_load %arg6[%swap3A_127, %swap3A_128] {strides = array<i32>} : memref<80x128xf32, #tpu.memory_space<vmem>>, vector<1x16xf32>,
      %swap3A_130 = vector.shape_cast %swap3A_129 : vector<1x16xf32> to vector<16xf32>
      %swap3A_131 = vector.shape_cast %broadcast_in_dim3A_26 : vector<16xf32> to vector<1x16xf32>
      tpu.vector_store %arg6[%swap3A_127, %swap3A_128], %swap3A_131 {strides = array<i32>} : memref<80x128xf32, #tpu.memory_space<vmem>>, vector<1x16xf32>,
      %swap3A_132 = arith.index_cast %scan3A_97 : i32 to index
      %swap3A_133 = arith.constant 112 : index
      %swap3A_134 = tpu.vector_load %arg6[%swap3A_132, %swap3A_133] {strides = array<i32>} : memref<80x128xf32, #tpu.memory_space<vmem>>, vector<1x16xf32>,
      %swap3A_135 = vector.shape_cast %swap3A_134 : vector<1x16xf32> to vector<16xf32>
      %swap3A_136 = vector.shape_cast %broadcast_in_dim3A_26 : vector<16xf32> to vector<1x16xf32>
      tpu.vector_store %arg6[%swap3A_132, %swap3A_133], %swap3A_136 {strides = array<i32>} : memref<80x128xf32, #tpu.memory_space<vmem>>, vector<1x16xf32>,
    }
    %scan3A_32 = arith.constant 80 : i32
    %barrier3A = arith.constant 0 : index
    tpu.barrier barrier_id(%barrier3A)
    %mul3A_33 = arith.constant 10000 : i32
    %mul3A_34 = arith.muli %add3A, %mul3A_33 : i32
    "tpu.region"() ({
      %run_scoped3A = tpu.sem_alloc : memref<!tpu.dma_semaphore, #tpu.memory_space<semaphore_mem>>
      %dma_start3A_97 = tpu.memref_slice %arg2[%mul3A_34] : memref<320080xi32, #tpu.memory_space<hbm>> -> memref<80xi32, #tpu.memory_space<hbm>>
      %dma_start3A_98 = tpu.memref_slice %arg2[%mul3A_34] : memref<320080xi32, #tpu.memory_space<hbm>> -> memref<80xi32, #tpu.memory_space<hbm>>
      tpu.enqueue_dma source(%dma_start3A_98 : memref<80xi32, #tpu.memory_space<hbm>>) target(%arg4 : memref<80xi32, #tpu.memory_space<vmem>>) target_semaphore(%run_scoped3A : memref<!tpu.dma_semaphore, #tpu.memory_space<semaphore_mem>>)
      %dma_wait3A_99 = tpu.memref_slice %arg2[%mul3A_34] : memref<320080xi32, #tpu.memory_space<hbm>> -> memref<80xi32, #tpu.memory_space<hbm>>
      %dma_wait3A_100 = tpu.memref_slice %arg2[%mul3A_34] : memref<320080xi32, #tpu.memory_space<hbm>> -> memref<80xi32, #tpu.memory_space<hbm>>
      tpu.wait_dma2 semaphore(%run_scoped3A : memref<!tpu.dma_semaphore, #tpu.memory_space<semaphore_mem>>) src(%dma_wait3A_100 : memref<80xi32, #tpu.memory_space<hbm>>) dst(%arg4 : memref<80xi32, #tpu.memory_space<vmem>>)
      tpu.yield
    }) : () -> ()
    %dma_start3A = arith.constant 0 : i32
    %dma_start3A_35 = arith.constant 0 : i32
    %dma_start3A_36 = tpu.memref_slice %arg7[%dma_start3A, %dma_start3A_35] : memref<10240x128xf32, #tpu.memory_space<vmem_shared>> -> memref<10240x128xf32, #tpu.memory_space<vmem_shared>>
    tpu.enqueue_indirect_dma source(%arg6 : memref<80x128xf32, #tpu.memory_space<vmem>>) target(%dma_start3A_36 : memref<10240x128xf32, #tpu.memory_space<vmem_shared>>) offsets(%arg4 : memref<80xi32, #tpu.memory_space<vmem>>) semaphore(%arg8 : memref<!tpu.dma_semaphore, #tpu.memory_space<semaphore_mem>>) {add = true}
    %add3A_37 = arith.constant 80 : i32
    %add3A_38 = arith.addi %mul3A_34, %add3A_37 : i32
    "tpu.region"() ({
      %run_scoped3A = tpu.sem_alloc : memref<!tpu.dma_semaphore, #tpu.memory_space<semaphore_mem>>
      %dma_start3A_97 = tpu.memref_slice %arg2[%add3A_38] : memref<320080xi32, #tpu.memory_space<hbm>> -> memref<80xi32, #tpu.memory_space<hbm>>
      %dma_start3A_98 = tpu.memref_slice %arg2[%add3A_38] : memref<320080xi32, #tpu.memory_space<hbm>> -> memref<80xi32, #tpu.memory_space<hbm>>
      tpu.enqueue_dma source(%dma_start3A_98 : memref<80xi32, #tpu.memory_space<hbm>>) target(%arg5 : memref<80xi32, #tpu.memory_space<vmem>>) target_semaphore(%run_scoped3A : memref<!tpu.dma_semaphore, #tpu.memory_space<semaphore_mem>>)
      %dma_wait3A_99 = tpu.memref_slice %arg2[%add3A_38] : memref<320080xi32, #tpu.memory_space<hbm>> -> memref<80xi32, #tpu.memory_space<hbm>>
      %dma_wait3A_100 = tpu.memref_slice %arg2[%add3A_38] : memref<320080xi32, #tpu.memory_space<hbm>> -> memref<80xi32, #tpu.memory_space<hbm>>
      tpu.wait_dma2 semaphore(%run_scoped3A : memref<!tpu.dma_semaphore, #tpu.memory_space<semaphore_mem>>) src(%dma_wait3A_100 : memref<80xi32, #tpu.memory_space<hbm>>) dst(%arg5 : memref<80xi32, #tpu.memory_space<vmem>>)
      tpu.yield
    }) : () -> ()
    %dma_start3A_39 = arith.constant 0 : i32
    %dma_start3A_40 = arith.constant 0 : i32
    %dma_start3A_41 = tpu.memref_slice %arg7[%dma_start3A_39, %dma_start3A_40] : memref<10240x128xf32, #tpu.memory_space<vmem_shared>> -> memref<10240x128xf32, #tpu.memory_space<vmem_shared>>
    tpu.enqueue_indirect_dma source(%arg6 : memref<80x128xf32, #tpu.memory_space<vmem>>) target(%dma_start3A_41 : memref<10240x128xf32, #tpu.memory_space<vmem_shared>>) offsets(%arg5 : memref<80xi32, #tpu.memory_space<vmem>>) semaphore(%arg9 : memref<!tpu.dma_semaphore, #tpu.memory_space<semaphore_mem>>) {add = true}
    %scan3A_42 = arith.constant 0 : i32
    %scan3A_43 = arith.constant 1 : i32
    %scan3A_44 = arith.constant 61 : i32
    %scan3A_45 = arith.addi %scan3A_43, %scan3A_44 : i32
    %scan3A_46 = arith.constant 1 : i32
    scf.for %scan3A_97 = %scan3A_43 to %scan3A_45 step %scan3A_46  : i32 {
      %mul3A_98 = arith.constant 2 : i32
      %mul3A_99 = arith.muli %mul3A_98, %scan3A_97 : i32
      %mul3A_100 = arith.constant 80 : i32
      %mul3A_101 = arith.muli %mul3A_99, %mul3A_100 : i32
      %add3A_102 = arith.addi %mul3A_34, %mul3A_101 : i32
      %dma_wait3A_103 = arith.constant 0 : i32
      %dma_wait3A_104 = arith.constant 0 : i32
      %dma_wait3A_105 = tpu.memref_slice %arg7[%dma_wait3A_103, %dma_wait3A_104] : memref<10240x128xf32, #tpu.memory_space<vmem_shared>> -> memref<10240x128xf32, #tpu.memory_space<vmem_shared>>
      tpu.wait_indirect_dma semaphore(%arg8 : memref<!tpu.dma_semaphore, #tpu.memory_space<semaphore_mem>>) src(%arg6 : memref<80x128xf32, #tpu.memory_space<vmem>>) dst(%dma_wait3A_105 : memref<10240x128xf32, #tpu.memory_space<vmem_shared>>)
      "tpu.region"() ({
        %run_scoped3A = tpu.sem_alloc : memref<!tpu.dma_semaphore, #tpu.memory_space<semaphore_mem>>
        %dma_start3A_117 = tpu.memref_slice %arg2[%add3A_102] : memref<320080xi32, #tpu.memory_space<hbm>> -> memref<80xi32, #tpu.memory_space<hbm>>
        %dma_start3A_118 = tpu.memref_slice %arg2[%add3A_102] : memref<320080xi32, #tpu.memory_space<hbm>> -> memref<80xi32, #tpu.memory_space<hbm>>
        tpu.enqueue_dma source(%dma_start3A_118 : memref<80xi32, #tpu.memory_space<hbm>>) target(%arg4 : memref<80xi32, #tpu.memory_space<vmem>>) target_semaphore(%run_scoped3A : memref<!tpu.dma_semaphore, #tpu.memory_space<semaphore_mem>>)
        %dma_wait3A_119 = tpu.memref_slice %arg2[%add3A_102] : memref<320080xi32, #tpu.memory_space<hbm>> -> memref<80xi32, #tpu.memory_space<hbm>>
        %dma_wait3A_120 = tpu.memref_slice %arg2[%add3A_102] : memref<320080xi32, #tpu.memory_space<hbm>> -> memref<80xi32, #tpu.memory_space<hbm>>
        tpu.wait_dma2 semaphore(%run_scoped3A : memref<!tpu.dma_semaphore, #tpu.memory_space<semaphore_mem>>) src(%dma_wait3A_120 : memref<80xi32, #tpu.memory_space<hbm>>) dst(%arg4 : memref<80xi32, #tpu.memory_space<vmem>>)
        tpu.yield
      }) : () -> ()
      %dma_start3A_106 = arith.constant 0 : i32
      %dma_start3A_107 = arith.constant 0 : i32
      %dma_start3A_108 = tpu.memref_slice %arg7[%dma_start3A_106, %dma_start3A_107] : memref<10240x128xf32, #tpu.memory_space<vmem_shared>> -> memref<10240x128xf32, #tpu.memory_space<vmem_shared>>
      tpu.enqueue_indirect_dma source(%arg6 : memref<80x128xf32, #tpu.memory_space<vmem>>) target(%dma_start3A_108 : memref<10240x128xf32, #tpu.memory_space<vmem_shared>>) offsets(%arg4 : memref<80xi32, #tpu.memory_space<vmem>>) semaphore(%arg8 : memref<!tpu.dma_semaphore, #tpu.memory_space<semaphore_mem>>) {add = true}
      %dma_wait3A_109 = arith.constant 0 : i32
      %dma_wait3A_110 = arith.constant 0 : i32
      %dma_wait3A_111 = tpu.memref_slice %arg7[%dma_wait3A_109, %dma_wait3A_110] : memref<10240x128xf32, #tpu.memory_space<vmem_shared>> -> memref<10240x128xf32, #tpu.memory_space<vmem_shared>>
      tpu.wait_indirect_dma semaphore(%arg9 : memref<!tpu.dma_semaphore, #tpu.memory_space<semaphore_mem>>) src(%arg6 : memref<80x128xf32, #tpu.memory_space<vmem>>) dst(%dma_wait3A_111 : memref<10240x128xf32, #tpu.memory_space<vmem_shared>>)
      %add3A_112 = arith.constant 80 : i32
      %add3A_113 = arith.addi %add3A_102, %add3A_112 : i32
      "tpu.region"() ({
        %run_scoped3A = tpu.sem_alloc : memref<!tpu.dma_semaphore, #tpu.memory_space<semaphore_mem>>
        %dma_start3A_117 = tpu.memref_slice %arg2[%add3A_113] : memref<320080xi32, #tpu.memory_space<hbm>> -> memref<80xi32, #tpu.memory_space<hbm>>
        %dma_start3A_118 = tpu.memref_slice %arg2[%add3A_113] : memref<320080xi32, #tpu.memory_space<hbm>> -> memref<80xi32, #tpu.memory_space<hbm>>
        tpu.enqueue_dma source(%dma_start3A_118 : memref<80xi32, #tpu.memory_space<hbm>>) target(%arg5 : memref<80xi32, #tpu.memory_space<vmem>>) target_semaphore(%run_scoped3A : memref<!tpu.dma_semaphore, #tpu.memory_space<semaphore_mem>>)
        %dma_wait3A_119 = tpu.memref_slice %arg2[%add3A_113] : memref<320080xi32, #tpu.memory_space<hbm>> -> memref<80xi32, #tpu.memory_space<hbm>>
        %dma_wait3A_120 = tpu.memref_slice %arg2[%add3A_113] : memref<320080xi32, #tpu.memory_space<hbm>> -> memref<80xi32, #tpu.memory_space<hbm>>
        tpu.wait_dma2 semaphore(%run_scoped3A : memref<!tpu.dma_semaphore, #tpu.memory_space<semaphore_mem>>) src(%dma_wait3A_120 : memref<80xi32, #tpu.memory_space<hbm>>) dst(%arg5 : memref<80xi32, #tpu.memory_space<vmem>>)
        tpu.yield
      }) : () -> ()
      %dma_start3A_114 = arith.constant 0 : i32
      %dma_start3A_115 = arith.constant 0 : i32
      %dma_start3A_116 = tpu.memref_slice %arg7[%dma_start3A_114, %dma_start3A_115] : memref<10240x128xf32, #tpu.memory_space<vmem_shared>> -> memref<10240x128xf32, #tpu.memory_space<vmem_shared>>
      tpu.enqueue_indirect_dma source(%arg6 : memref<80x128xf32, #tpu.memory_space<vmem>>) target(%dma_start3A_116 : memref<10240x128xf32, #tpu.memory_space<vmem_shared>>) offsets(%arg5 : memref<80xi32, #tpu.memory_space<vmem>>) semaphore(%arg9 : memref<!tpu.dma_semaphore, #tpu.memory_space<semaphore_mem>>) {add = true}
    }
    %scan3A_47 = arith.constant 61 : i32
    %dma_wait3A = arith.constant 0 : i32
    %dma_wait3A_48 = arith.constant 0 : i32
    %dma_wait3A_49 = tpu.memref_slice %arg7[%dma_wait3A, %dma_wait3A_48] : memref<10240x128xf32, #tpu.memory_space<vmem_shared>> -> memref<10240x128xf32, #tpu.memory_space<vmem_shared>>
    tpu.wait_indirect_dma semaphore(%arg8 : memref<!tpu.dma_semaphore, #tpu.memory_space<semaphore_mem>>) src(%arg6 : memref<80x128xf32, #tpu.memory_space<vmem>>) dst(%dma_wait3A_49 : memref<10240x128xf32, #tpu.memory_space<vmem_shared>>)
    %add3A_50 = arith.constant 9920 : i32
    %add3A_51 = arith.addi %mul3A_34, %add3A_50 : i32
    "tpu.region"() ({
      %run_scoped3A = tpu.sem_alloc : memref<!tpu.dma_semaphore, #tpu.memory_space<semaphore_mem>>
      %dma_start3A_97 = tpu.memref_slice %arg2[%add3A_51] : memref<320080xi32, #tpu.memory_space<hbm>> -> memref<80xi32, #tpu.memory_space<hbm>>
      %dma_start3A_98 = tpu.memref_slice %arg2[%add3A_51] : memref<320080xi32, #tpu.memory_space<hbm>> -> memref<80xi32, #tpu.memory_space<hbm>>
      tpu.enqueue_dma source(%dma_start3A_98 : memref<80xi32, #tpu.memory_space<hbm>>) target(%arg4 : memref<80xi32, #tpu.memory_space<vmem>>) target_semaphore(%run_scoped3A : memref<!tpu.dma_semaphore, #tpu.memory_space<semaphore_mem>>)
      %dma_wait3A_99 = tpu.memref_slice %arg2[%add3A_51] : memref<320080xi32, #tpu.memory_space<hbm>> -> memref<80xi32, #tpu.memory_space<hbm>>
      %dma_wait3A_100 = tpu.memref_slice %arg2[%add3A_51] : memref<320080xi32, #tpu.memory_space<hbm>> -> memref<80xi32, #tpu.memory_space<hbm>>
      tpu.wait_dma2 semaphore(%run_scoped3A : memref<!tpu.dma_semaphore, #tpu.memory_space<semaphore_mem>>) src(%dma_wait3A_100 : memref<80xi32, #tpu.memory_space<hbm>>) dst(%arg4 : memref<80xi32, #tpu.memory_space<vmem>>)
      tpu.yield
    }) : () -> ()
    %dma_start3A_52 = arith.constant 0 : i32
    %dma_start3A_53 = arith.constant 0 : i32
    %dma_start3A_54 = tpu.memref_slice %arg7[%dma_start3A_52, %dma_start3A_53] : memref<10240x128xf32, #tpu.memory_space<vmem_shared>> -> memref<10240x128xf32, #tpu.memory_space<vmem_shared>>
    tpu.enqueue_indirect_dma source(%arg6 : memref<80x128xf32, #tpu.memory_space<vmem>>) target(%dma_start3A_54 : memref<10240x128xf32, #tpu.memory_space<vmem_shared>>) offsets(%arg4 : memref<80xi32, #tpu.memory_space<vmem>>) semaphore(%arg8 : memref<!tpu.dma_semaphore, #tpu.memory_space<semaphore_mem>>) {add = true}
    %dma_wait3A_55 = arith.constant 0 : i32
    %dma_wait3A_56 = arith.constant 0 : i32
    %dma_wait3A_57 = tpu.memref_slice %arg7[%dma_wait3A_55, %dma_wait3A_56] : memref<10240x128xf32, #tpu.memory_space<vmem_shared>> -> memref<10240x128xf32, #tpu.memory_space<vmem_shared>>
    tpu.wait_indirect_dma semaphore(%arg8 : memref<!tpu.dma_semaphore, #tpu.memory_space<semaphore_mem>>) src(%arg6 : memref<80x128xf32, #tpu.memory_space<vmem>>) dst(%dma_wait3A_57 : memref<10240x128xf32, #tpu.memory_space<vmem_shared>>)
    %dma_wait3A_58 = arith.constant 0 : i32
    %dma_wait3A_59 = arith.constant 0 : i32
    %dma_wait3A_60 = tpu.memref_slice %arg7[%dma_wait3A_58, %dma_wait3A_59] : memref<10240x128xf32, #tpu.memory_space<vmem_shared>> -> memref<10240x128xf32, #tpu.memory_space<vmem_shared>>
    tpu.wait_indirect_dma semaphore(%arg9 : memref<!tpu.dma_semaphore, #tpu.memory_space<semaphore_mem>>) src(%arg6 : memref<80x128xf32, #tpu.memory_space<vmem>>) dst(%dma_wait3A_60 : memref<10240x128xf32, #tpu.memory_space<vmem_shared>>)
    %barrier3A_61 = arith.constant 0 : index
    tpu.barrier barrier_id(%barrier3A_61)
    %mul3A_62 = arith.constant 10240 : i32
    %mul3A_63 = arith.muli %arg0, %mul3A_62 : i32
    %add3A_64 = arith.addi %mul3A_63, %mul3A_8 : i32
    %add3A_65 = arith.constant 0 : i32
    %add3A_66 = arith.addi %mul3A_8, %add3A_65 : i32
    %add3A_67 = arith.constant 0 : i32
    %add3A_68 = arith.addi %add3A_64, %add3A_67 : i32
    "tpu.region"() ({
      %run_scoped3A = tpu.sem_alloc : memref<!tpu.dma_semaphore, #tpu.memory_space<semaphore_mem>>
      %dma_start3A_97 = arith.constant 0 : i32
      %dma_start3A_98 = tpu.memref_slice %arg3[%add3A_68, %dma_start3A_97] : memref<20480x128xf32, #tpu.memory_space<hbm>> -> memref<80x128xf32, #tpu.memory_space<hbm>>
      %dma_start3A_99 = arith.constant 0 : i32
      %dma_start3A_100 = tpu.memref_slice %arg7[%add3A_66, %dma_start3A_99] : memref<10240x128xf32, #tpu.memory_space<vmem_shared>> -> memref<80x128xf32, #tpu.memory_space<vmem_shared>>
      tpu.enqueue_dma source(%dma_start3A_100 : memref<80x128xf32, #tpu.memory_space<vmem_shared>>) target(%dma_start3A_98 : memref<80x128xf32, #tpu.memory_space<hbm>>) target_semaphore(%run_scoped3A : memref<!tpu.dma_semaphore, #tpu.memory_space<semaphore_mem>>)
      %dma_wait3A_101 = arith.constant 0 : i32
      %dma_wait3A_102 = tpu.memref_slice %arg3[%add3A_68, %dma_wait3A_101] : memref<20480x128xf32, #tpu.memory_space<hbm>> -> memref<80x128xf32, #tpu.memory_space<hbm>>
      %dma_wait3A_103 = arith.constant 0 : i32
      %dma_wait3A_104 = tpu.memref_slice %arg7[%add3A_66, %dma_wait3A_103] : memref<10240x128xf32, #tpu.memory_space<vmem_shared>> -> memref<80x128xf32, #tpu.memory_space<vmem_shared>>
      tpu.wait_dma2 semaphore(%run_scoped3A : memref<!tpu.dma_semaphore, #tpu.memory_space<semaphore_mem>>) src(%dma_wait3A_104 : memref<80x128xf32, #tpu.memory_space<vmem_shared>>) dst(%dma_wait3A_102 : memref<80x128xf32, #tpu.memory_space<hbm>>)
      tpu.yield
    }) : () -> ()
    %add3A_69 = arith.constant 80 : i32
    %add3A_70 = arith.addi %mul3A_8, %add3A_69 : i32
    %add3A_71 = arith.constant 80 : i32
    %add3A_72 = arith.addi %add3A_64, %add3A_71 : i32
    "tpu.region"() ({
      %run_scoped3A = tpu.sem_alloc : memref<!tpu.dma_semaphore, #tpu.memory_space<semaphore_mem>>
      %dma_start3A_97 = arith.constant 0 : i32
      %dma_start3A_98 = tpu.memref_slice %arg3[%add3A_72, %dma_start3A_97] : memref<20480x128xf32, #tpu.memory_space<hbm>> -> memref<80x128xf32, #tpu.memory_space<hbm>>
      %dma_start3A_99 = arith.constant 0 : i32
      %dma_start3A_100 = tpu.memref_slice %arg7[%add3A_70, %dma_start3A_99] : memref<10240x128xf32, #tpu.memory_space<vmem_shared>> -> memref<80x128xf32, #tpu.memory_space<vmem_shared>>
      tpu.enqueue_dma source(%dma_start3A_100 : memref<80x128xf32, #tpu.memory_space<vmem_shared>>) target(%dma_start3A_98 : memref<80x128xf32, #tpu.memory_space<hbm>>) target_semaphore(%run_scoped3A : memref<!tpu.dma_semaphore, #tpu.memory_space<semaphore_mem>>)
      %dma_wait3A_101 = arith.constant 0 : i32
      %dma_wait3A_102 = tpu.memref_slice %arg3[%add3A_72, %dma_wait3A_101] : memref<20480x128xf32, #tpu.memory_space<hbm>> -> memref<80x128xf32, #tpu.memory_space<hbm>>
      %dma_wait3A_103 = arith.constant 0 : i32
      %dma_wait3A_104 = tpu.memref_slice %arg7[%add3A_70, %dma_wait3A_103] : memref<10240x128xf32, #tpu.memory_space<vmem_shared>> -> memref<80x128xf32, #tpu.memory_space<vmem_shared>>
      tpu.wait_dma2 semaphore(%run_scoped3A : memref<!tpu.dma_semaphore, #tpu.memory_space<semaphore_mem>>) src(%dma_wait3A_104 : memref<80x128xf32, #tpu.memory_space<vmem_shared>>) dst(%dma_wait3A_102 : memref<80x128xf32, #tpu.memory_space<hbm>>)
      tpu.yield
    }) : () -> ()
    %add3A_73 = arith.constant 160 : i32
    %add3A_74 = arith.addi %mul3A_8, %add3A_73 : i32
    %add3A_75 = arith.constant 160 : i32
    %add3A_76 = arith.addi %add3A_64, %add3A_75 : i32
    "tpu.region"() ({
      %run_scoped3A = tpu.sem_alloc : memref<!tpu.dma_semaphore, #tpu.memory_space<semaphore_mem>>
      %dma_start3A_97 = arith.constant 0 : i32
      %dma_start3A_98 = tpu.memref_slice %arg3[%add3A_76, %dma_start3A_97] : memref<20480x128xf32, #tpu.memory_space<hbm>> -> memref<80x128xf32, #tpu.memory_space<hbm>>
      %dma_start3A_99 = arith.constant 0 : i32
      %dma_start3A_100 = tpu.memref_slice %arg7[%add3A_74, %dma_start3A_99] : memref<10240x128xf32, #tpu.memory_space<vmem_shared>> -> memref<80x128xf32, #tpu.memory_space<vmem_shared>>
      tpu.enqueue_dma source(%dma_start3A_100 : memref<80x128xf32, #tpu.memory_space<vmem_shared>>) target(%dma_start3A_98 : memref<80x128xf32, #tpu.memory_space<hbm>>) target_semaphore(%run_scoped3A : memref<!tpu.dma_semaphore, #tpu.memory_space<semaphore_mem>>)
      %dma_wait3A_101 = arith.constant 0 : i32
      %dma_wait3A_102 = tpu.memref_slice %arg3[%add3A_76, %dma_wait3A_101] : memref<20480x128xf32, #tpu.memory_space<hbm>> -> memref<80x128xf32, #tpu.memory_space<hbm>>
      %dma_wait3A_103 = arith.constant 0 : i32
      %dma_wait3A_104 = tpu.memref_slice %arg7[%add3A_74, %dma_wait3A_103] : memref<10240x128xf32, #tpu.memory_space<vmem_shared>> -> memref<80x128xf32, #tpu.memory_space<vmem_shared>>
      tpu.wait_dma2 semaphore(%run_scoped3A : memref<!tpu.dma_semaphore, #tpu.memory_space<semaphore_mem>>) src(%dma_wait3A_104 : memref<80x128xf32, #tpu.memory_space<vmem_shared>>) dst(%dma_wait3A_102 : memref<80x128xf32, #tpu.memory_space<hbm>>)
      tpu.yield
    }) : () -> ()
    %add3A_77 = arith.constant 240 : i32
    %add3A_78 = arith.addi %mul3A_8, %add3A_77 : i32
    %add3A_79 = arith.constant 240 : i32
    %add3A_80 = arith.addi %add3A_64, %add3A_79 : i32
    "tpu.region"() ({
      %run_scoped3A = tpu.sem_alloc : memref<!tpu.dma_semaphore, #tpu.memory_space<semaphore_mem>>
      %dma_start3A_97 = arith.constant 0 : i32
      %dma_start3A_98 = tpu.memref_slice %arg3[%add3A_80, %dma_start3A_97] : memref<20480x128xf32, #tpu.memory_space<hbm>> -> memref<80x128xf32, #tpu.memory_space<hbm>>
      %dma_start3A_99 = arith.constant 0 : i32
      %dma_start3A_100 = tpu.memref_slice %arg7[%add3A_78, %dma_start3A_99] : memref<10240x128xf32, #tpu.memory_space<vmem_shared>> -> memref<80x128xf32, #tpu.memory_space<vmem_shared>>
      tpu.enqueue_dma source(%dma_start3A_100 : memref<80x128xf32, #tpu.memory_space<vmem_shared>>) target(%dma_start3A_98 : memref<80x128xf32, #tpu.memory_space<hbm>>) target_semaphore(%run_scoped3A : memref<!tpu.dma_semaphore, #tpu.memory_space<semaphore_mem>>)
      %dma_wait3A_101 = arith.constant 0 : i32
      %dma_wait3A_102 = tpu.memref_slice %arg3[%add3A_80, %dma_wait3A_101] : memref<20480x128xf32, #tpu.memory_space<hbm>> -> memref<80x128xf32, #tpu.memory_space<hbm>>
      %dma_wait3A_103 = arith.constant 0 : i32
      %dma_wait3A_104 = tpu.memref_slice %arg7[%add3A_78, %dma_wait3A_103] : memref<10240x128xf32, #tpu.memory_space<vmem_shared>> -> memref<80x128xf32, #tpu.memory_space<vmem_shared>>
      tpu.wait_dma2 semaphore(%run_scoped3A : memref<!tpu.dma_semaphore, #tpu.memory_space<semaphore_mem>>) src(%dma_wait3A_104 : memref<80x128xf32, #tpu.memory_space<vmem_shared>>) dst(%dma_wait3A_102 : memref<80x128xf32, #tpu.memory_space<hbm>>)
      tpu.yield
    }) : () -> ()
    %add3A_81 = arith.constant 320 : i32
    %add3A_82 = arith.addi %mul3A_8, %add3A_81 : i32
    %add3A_83 = arith.constant 320 : i32
    %add3A_84 = arith.addi %add3A_64, %add3A_83 : i32
    "tpu.region"() ({
      %run_scoped3A = tpu.sem_alloc : memref<!tpu.dma_semaphore, #tpu.memory_space<semaphore_mem>>
      %dma_start3A_97 = arith.constant 0 : i32
      %dma_start3A_98 = tpu.memref_slice %arg3[%add3A_84, %dma_start3A_97] : memref<20480x128xf32, #tpu.memory_space<hbm>> -> memref<80x128xf32, #tpu.memory_space<hbm>>
      %dma_start3A_99 = arith.constant 0 : i32
      %dma_start3A_100 = tpu.memref_slice %arg7[%add3A_82, %dma_start3A_99] : memref<10240x128xf32, #tpu.memory_space<vmem_shared>> -> memref<80x128xf32, #tpu.memory_space<vmem_shared>>
      tpu.enqueue_dma source(%dma_start3A_100 : memref<80x128xf32, #tpu.memory_space<vmem_shared>>) target(%dma_start3A_98 : memref<80x128xf32, #tpu.memory_space<hbm>>) target_semaphore(%run_scoped3A : memref<!tpu.dma_semaphore, #tpu.memory_space<semaphore_mem>>)
      %dma_wait3A_101 = arith.constant 0 : i32
      %dma_wait3A_102 = tpu.memref_slice %arg3[%add3A_84, %dma_wait3A_101] : memref<20480x128xf32, #tpu.memory_space<hbm>> -> memref<80x128xf32, #tpu.memory_space<hbm>>
      %dma_wait3A_103 = arith.constant 0 : i32
      %dma_wait3A_104 = tpu.memref_slice %arg7[%add3A_82, %dma_wait3A_103] : memref<10240x128xf32, #tpu.memory_space<vmem_shared>> -> memref<80x128xf32, #tpu.memory_space<vmem_shared>>
      tpu.wait_dma2 semaphore(%run_scoped3A : memref<!tpu.dma_semaphore, #tpu.memory_space<semaphore_mem>>) src(%dma_wait3A_104 : memref<80x128xf32, #tpu.memory_space<vmem_shared>>) dst(%dma_wait3A_102 : memref<80x128xf32, #tpu.memory_space<hbm>>)
      tpu.yield
    }) : () -> ()
    %add3A_85 = arith.constant 400 : i32
    %add3A_86 = arith.addi %mul3A_8, %add3A_85 : i32
    %add3A_87 = arith.constant 400 : i32
    %add3A_88 = arith.addi %add3A_64, %add3A_87 : i32
    "tpu.region"() ({
      %run_scoped3A = tpu.sem_alloc : memref<!tpu.dma_semaphore, #tpu.memory_space<semaphore_mem>>
      %dma_start3A_97 = arith.constant 0 : i32
      %dma_start3A_98 = tpu.memref_slice %arg3[%add3A_88, %dma_start3A_97] : memref<20480x128xf32, #tpu.memory_space<hbm>> -> memref<80x128xf32, #tpu.memory_space<hbm>>
      %dma_start3A_99 = arith.constant 0 : i32
      %dma_start3A_100 = tpu.memref_slice %arg7[%add3A_86, %dma_start3A_99] : memref<10240x128xf32, #tpu.memory_space<vmem_shared>> -> memref<80x128xf32, #tpu.memory_space<vmem_shared>>
      tpu.enqueue_dma source(%dma_start3A_100 : memref<80x128xf32, #tpu.memory_space<vmem_shared>>) target(%dma_start3A_98 : memref<80x128xf32, #tpu.memory_space<hbm>>) target_semaphore(%run_scoped3A : memref<!tpu.dma_semaphore, #tpu.memory_space<semaphore_mem>>)
      %dma_wait3A_101 = arith.constant 0 : i32
      %dma_wait3A_102 = tpu.memref_slice %arg3[%add3A_88, %dma_wait3A_101] : memref<20480x128xf32, #tpu.memory_space<hbm>> -> memref<80x128xf32, #tpu.memory_space<hbm>>
      %dma_wait3A_103 = arith.constant 0 : i32
      %dma_wait3A_104 = tpu.memref_slice %arg7[%add3A_86, %dma_wait3A_103] : memref<10240x128xf32, #tpu.memory_space<vmem_shared>> -> memref<80x128xf32, #tpu.memory_space<vmem_shared>>
      tpu.wait_dma2 semaphore(%run_scoped3A : memref<!tpu.dma_semaphore, #tpu.memory_space<semaphore_mem>>) src(%dma_wait3A_104 : memref<80x128xf32, #tpu.memory_space<vmem_shared>>) dst(%dma_wait3A_102 : memref<80x128xf32, #tpu.memory_space<hbm>>)
      tpu.yield
    }) : () -> ()
    %add3A_89 = arith.constant 480 : i32
    %add3A_90 = arith.addi %mul3A_8, %add3A_89 : i32
    %add3A_91 = arith.constant 480 : i32
    %add3A_92 = arith.addi %add3A_64, %add3A_91 : i32
    "tpu.region"() ({
      %run_scoped3A = tpu.sem_alloc : memref<!tpu.dma_semaphore, #tpu.memory_space<semaphore_mem>>
      %dma_start3A_97 = arith.constant 0 : i32
      %dma_start3A_98 = tpu.memref_slice %arg3[%add3A_92, %dma_start3A_97] : memref<20480x128xf32, #tpu.memory_space<hbm>> -> memref<80x128xf32, #tpu.memory_space<hbm>>
      %dma_start3A_99 = arith.constant 0 : i32
      %dma_start3A_100 = tpu.memref_slice %arg7[%add3A_90, %dma_start3A_99] : memref<10240x128xf32, #tpu.memory_space<vmem_shared>> -> memref<80x128xf32, #tpu.memory_space<vmem_shared>>
      tpu.enqueue_dma source(%dma_start3A_100 : memref<80x128xf32, #tpu.memory_space<vmem_shared>>) target(%dma_start3A_98 : memref<80x128xf32, #tpu.memory_space<hbm>>) target_semaphore(%run_scoped3A : memref<!tpu.dma_semaphore, #tpu.memory_space<semaphore_mem>>)
      %dma_wait3A_101 = arith.constant 0 : i32
      %dma_wait3A_102 = tpu.memref_slice %arg3[%add3A_92, %dma_wait3A_101] : memref<20480x128xf32, #tpu.memory_space<hbm>> -> memref<80x128xf32, #tpu.memory_space<hbm>>
      %dma_wait3A_103 = arith.constant 0 : i32
      %dma_wait3A_104 = tpu.memref_slice %arg7[%add3A_90, %dma_wait3A_103] : memref<10240x128xf32, #tpu.memory_space<vmem_shared>> -> memref<80x128xf32, #tpu.memory_space<vmem_shared>>
      tpu.wait_dma2 semaphore(%run_scoped3A : memref<!tpu.dma_semaphore, #tpu.memory_space<semaphore_mem>>) src(%dma_wait3A_104 : memref<80x128xf32, #tpu.memory_space<vmem_shared>>) dst(%dma_wait3A_102 : memref<80x128xf32, #tpu.memory_space<hbm>>)
      tpu.yield
    }) : () -> ()
    %add3A_93 = arith.constant 560 : i32
    %add3A_94 = arith.addi %mul3A_8, %add3A_93 : i32
    %add3A_95 = arith.constant 560 : i32
    %add3A_96 = arith.addi %add3A_64, %add3A_95 : i32
    "tpu.region"() ({
      %run_scoped3A = tpu.sem_alloc : memref<!tpu.dma_semaphore, #tpu.memory_space<semaphore_mem>>
      %dma_start3A_97 = arith.constant 0 : i32
      %dma_start3A_98 = tpu.memref_slice %arg3[%add3A_96, %dma_start3A_97] : memref<20480x128xf32, #tpu.memory_space<hbm>> -> memref<80x128xf32, #tpu.memory_space<hbm>>
      %dma_start3A_99 = arith.constant 0 : i32
      %dma_start3A_100 = tpu.memref_slice %arg7[%add3A_94, %dma_start3A_99] : memref<10240x128xf32, #tpu.memory_space<vmem_shared>> -> memref<80x128xf32, #tpu.memory_space<vmem_shared>>
      tpu.enqueue_dma source(%dma_start3A_100 : memref<80x128xf32, #tpu.memory_space<vmem_shared>>) target(%dma_start3A_98 : memref<80x128xf32, #tpu.memory_space<hbm>>) target_semaphore(%run_scoped3A : memref<!tpu.dma_semaphore, #tpu.memory_space<semaphore_mem>>)
      %dma_wait3A_101 = arith.constant 0 : i32
      %dma_wait3A_102 = tpu.memref_slice %arg3[%add3A_96, %dma_wait3A_101] : memref<20480x128xf32, #tpu.memory_space<hbm>> -> memref<80x128xf32, #tpu.memory_space<hbm>>
      %dma_wait3A_103 = arith.constant 0 : i32
      %dma_wait3A_104 = tpu.memref_slice %arg7[%add3A_94, %dma_wait3A_103] : memref<10240x128xf32, #tpu.memory_space<vmem_shared>> -> memref<80x128xf32, #tpu.memory_space<vmem_shared>>
      tpu.wait_dma2 semaphore(%run_scoped3A : memref<!tpu.dma_semaphore, #tpu.memory_space<semaphore_mem>>) src(%dma_wait3A_104 : memref<80x128xf32, #tpu.memory_space<vmem_shared>>) dst(%dma_wait3A_102 : memref<80x128xf32, #tpu.memory_space<hbm>>)
      tpu.yield
    }) : () -> ()
    return
  }
}

#map = affine_map<(d0, d1) -> (0, 0)>
#map1 = affine_map<(d0, d1) -> (0)>
module attributes {stable_mosaic.version = 14 : i64} {
  func.func @_edge_body(%arg0: i32, %arg1: i32, %arg2: memref<10000x128xf32, #tpu.memory_space<hbm>>, %arg3: memref<10000x128xf32, #tpu.memory_space<hbm>>, %arg4: memref<324000x128xf32, #tpu.memory_space<hbm>>, %arg5: memref<320080xi32, #tpu.memory_space<hbm>>, %arg6: memref<320080xi32, #tpu.memory_space<hbm>>, %arg7: memref<20480x128xf32, #tpu.memory_space<hbm>>, %arg8: memref<48xi32, #tpu.memory_space<vmem>>, %arg9: memref<48xi32, #tpu.memory_space<vmem>>, %arg10: memref<32xi32, #tpu.memory_space<vmem>>, %arg11: memref<32xi32, #tpu.memory_space<vmem>>, %arg12: memref<80x128xf32, #tpu.memory_space<vmem>>, %arg13: memref<80x128xf32, #tpu.memory_space<vmem>>, %arg14: memref<80x128xf32, #tpu.memory_space<vmem>>, %arg15: memref<10240x128xf32, #tpu.memory_space<vmem_shared>>, %arg16: memref<!tpu.dma_semaphore, #tpu.memory_space<semaphore_mem>>, %arg17: memref<!tpu.dma_semaphore, #tpu.memory_space<semaphore_mem>>, %arg18: memref<!tpu.dma_semaphore, #tpu.memory_space<semaphore_mem>>, %arg19: memref<!tpu.dma_semaphore, #tpu.memory_space<semaphore_mem>>, %arg20: memref<!tpu.dma_semaphore, #tpu.memory_space<semaphore_mem>>) attributes {dimension_semantics = [#tpu.dimension_semantics<core_parallel>, #tpu.dimension_semantics<subcore_parallel>], iteration_bounds = array<i64: 2, 16>, scalar_prefetch = 0 : i64, scratch_operands = 13 : i64, tpu.core_type = #tpu.core_type<sc_vector_subcore>, window_params = [{transform_indices = #map}, {transform_indices = #map}, {transform_indices = #map}, {transform_indices = #map1}, {transform_indices = #map1}, {transform_indices = #map}]} {
    %mul3A = arith.constant 16 : i32
    %mul3A_0 = arith.muli %arg0, %mul3A : i32
    %add3A = arith.addi %mul3A_0, %arg1 : i32
    %broadcast_in_dim3A = arith.constant 0.000000e+00 : f32
    %broadcast_in_dim3A_1 = vector.broadcast %broadcast_in_dim3A : f32 to vector<16xf32>
    %scan3A = arith.constant 0 : i32
    %scan3A_2 = arith.constant 0 : i32
    %scan3A_3 = arith.constant 80 : i32
    %scan3A_4 = arith.addi %scan3A_2, %scan3A_3 : i32
    %scan3A_5 = arith.constant 1 : i32
    scf.for %scan3A_129 = %scan3A_2 to %scan3A_4 step %scan3A_5  : i32 {
      %swap3A = arith.index_cast %scan3A_129 : i32 to index
      %swap3A_130 = arith.constant 0 : index
      %swap3A_131 = tpu.vector_load %arg12[%swap3A, %swap3A_130] {strides = array<i32>} : memref<80x128xf32, #tpu.memory_space<vmem>>, vector<1x16xf32>,
      %swap3A_132 = vector.shape_cast %swap3A_131 : vector<1x16xf32> to vector<16xf32>
      %swap3A_133 = vector.shape_cast %broadcast_in_dim3A_1 : vector<16xf32> to vector<1x16xf32>
      tpu.vector_store %arg12[%swap3A, %swap3A_130], %swap3A_133 {strides = array<i32>} : memref<80x128xf32, #tpu.memory_space<vmem>>, vector<1x16xf32>,
      %swap3A_134 = arith.index_cast %scan3A_129 : i32 to index
      %swap3A_135 = arith.constant 16 : index
      %swap3A_136 = tpu.vector_load %arg12[%swap3A_134, %swap3A_135] {strides = array<i32>} : memref<80x128xf32, #tpu.memory_space<vmem>>, vector<1x16xf32>,
      %swap3A_137 = vector.shape_cast %swap3A_136 : vector<1x16xf32> to vector<16xf32>
      %swap3A_138 = vector.shape_cast %broadcast_in_dim3A_1 : vector<16xf32> to vector<1x16xf32>
      tpu.vector_store %arg12[%swap3A_134, %swap3A_135], %swap3A_138 {strides = array<i32>} : memref<80x128xf32, #tpu.memory_space<vmem>>, vector<1x16xf32>,
      %swap3A_139 = arith.index_cast %scan3A_129 : i32 to index
      %swap3A_140 = arith.constant 32 : index
      %swap3A_141 = tpu.vector_load %arg12[%swap3A_139, %swap3A_140] {strides = array<i32>} : memref<80x128xf32, #tpu.memory_space<vmem>>, vector<1x16xf32>,
      %swap3A_142 = vector.shape_cast %swap3A_141 : vector<1x16xf32> to vector<16xf32>
      %swap3A_143 = vector.shape_cast %broadcast_in_dim3A_1 : vector<16xf32> to vector<1x16xf32>
      tpu.vector_store %arg12[%swap3A_139, %swap3A_140], %swap3A_143 {strides = array<i32>} : memref<80x128xf32, #tpu.memory_space<vmem>>, vector<1x16xf32>,
      %swap3A_144 = arith.index_cast %scan3A_129 : i32 to index
      %swap3A_145 = arith.constant 48 : index
      %swap3A_146 = tpu.vector_load %arg12[%swap3A_144, %swap3A_145] {strides = array<i32>} : memref<80x128xf32, #tpu.memory_space<vmem>>, vector<1x16xf32>,
      %swap3A_147 = vector.shape_cast %swap3A_146 : vector<1x16xf32> to vector<16xf32>
      %swap3A_148 = vector.shape_cast %broadcast_in_dim3A_1 : vector<16xf32> to vector<1x16xf32>
      tpu.vector_store %arg12[%swap3A_144, %swap3A_145], %swap3A_148 {strides = array<i32>} : memref<80x128xf32, #tpu.memory_space<vmem>>, vector<1x16xf32>,
      %swap3A_149 = arith.index_cast %scan3A_129 : i32 to index
      %swap3A_150 = arith.constant 64 : index
      %swap3A_151 = tpu.vector_load %arg12[%swap3A_149, %swap3A_150] {strides = array<i32>} : memref<80x128xf32, #tpu.memory_space<vmem>>, vector<1x16xf32>,
      %swap3A_152 = vector.shape_cast %swap3A_151 : vector<1x16xf32> to vector<16xf32>
      %swap3A_153 = vector.shape_cast %broadcast_in_dim3A_1 : vector<16xf32> to vector<1x16xf32>
      tpu.vector_store %arg12[%swap3A_149, %swap3A_150], %swap3A_153 {strides = array<i32>} : memref<80x128xf32, #tpu.memory_space<vmem>>, vector<1x16xf32>,
      %swap3A_154 = arith.index_cast %scan3A_129 : i32 to index
      %swap3A_155 = arith.constant 80 : index
      %swap3A_156 = tpu.vector_load %arg12[%swap3A_154, %swap3A_155] {strides = array<i32>} : memref<80x128xf32, #tpu.memory_space<vmem>>, vector<1x16xf32>,
      %swap3A_157 = vector.shape_cast %swap3A_156 : vector<1x16xf32> to vector<16xf32>
      %swap3A_158 = vector.shape_cast %broadcast_in_dim3A_1 : vector<16xf32> to vector<1x16xf32>
      tpu.vector_store %arg12[%swap3A_154, %swap3A_155], %swap3A_158 {strides = array<i32>} : memref<80x128xf32, #tpu.memory_space<vmem>>, vector<1x16xf32>,
      %swap3A_159 = arith.index_cast %scan3A_129 : i32 to index
      %swap3A_160 = arith.constant 96 : index
      %swap3A_161 = tpu.vector_load %arg12[%swap3A_159, %swap3A_160] {strides = array<i32>} : memref<80x128xf32, #tpu.memory_space<vmem>>, vector<1x16xf32>,
      %swap3A_162 = vector.shape_cast %swap3A_161 : vector<1x16xf32> to vector<16xf32>
      %swap3A_163 = vector.shape_cast %broadcast_in_dim3A_1 : vector<16xf32> to vector<1x16xf32>
      tpu.vector_store %arg12[%swap3A_159, %swap3A_160], %swap3A_163 {strides = array<i32>} : memref<80x128xf32, #tpu.memory_space<vmem>>, vector<1x16xf32>,
      %swap3A_164 = arith.index_cast %scan3A_129 : i32 to index
      %swap3A_165 = arith.constant 112 : index
      %swap3A_166 = tpu.vector_load %arg12[%swap3A_164, %swap3A_165] {strides = array<i32>} : memref<80x128xf32, #tpu.memory_space<vmem>>, vector<1x16xf32>,
      %swap3A_167 = vector.shape_cast %swap3A_166 : vector<1x16xf32> to vector<16xf32>
      %swap3A_168 = vector.shape_cast %broadcast_in_dim3A_1 : vector<16xf32> to vector<1x16xf32>
      tpu.vector_store %arg12[%swap3A_164, %swap3A_165], %swap3A_168 {strides = array<i32>} : memref<80x128xf32, #tpu.memory_space<vmem>>, vector<1x16xf32>,
    }
    %scan3A_6 = arith.constant 80 : i32
    %mul3A_7 = arith.constant 640 : i32
    %mul3A_8 = arith.muli %arg1, %mul3A_7 : i32
    %add3A_9 = arith.constant 0 : i32
    %add3A_10 = arith.addi %mul3A_8, %add3A_9 : i32
    "tpu.region"() ({
      %run_scoped3A = tpu.sem_alloc : memref<!tpu.dma_semaphore, #tpu.memory_space<semaphore_mem>>
      %dma_start3A_129 = arith.constant 0 : i32
      %dma_start3A_130 = tpu.memref_slice %arg15[%add3A_10, %dma_start3A_129] : memref<10240x128xf32, #tpu.memory_space<vmem_shared>> -> memref<80x128xf32, #tpu.memory_space<vmem_shared>>
      %dma_start3A_131 = arith.constant 0 : i32
      %dma_start3A_132 = tpu.memref_slice %arg15[%add3A_10, %dma_start3A_131] : memref<10240x128xf32, #tpu.memory_space<vmem_shared>> -> memref<80x128xf32, #tpu.memory_space<vmem_shared>>
      tpu.enqueue_dma source(%arg12 : memref<80x128xf32, #tpu.memory_space<vmem>>) target(%dma_start3A_132 : memref<80x128xf32, #tpu.memory_space<vmem_shared>>) target_semaphore(%run_scoped3A : memref<!tpu.dma_semaphore, #tpu.memory_space<semaphore_mem>>)
      %dma_wait3A_133 = arith.constant 0 : i32
      %dma_wait3A_134 = tpu.memref_slice %arg15[%add3A_10, %dma_wait3A_133] : memref<10240x128xf32, #tpu.memory_space<vmem_shared>> -> memref<80x128xf32, #tpu.memory_space<vmem_shared>>
      %dma_wait3A_135 = arith.constant 0 : i32
      %dma_wait3A_136 = tpu.memref_slice %arg15[%add3A_10, %dma_wait3A_135] : memref<10240x128xf32, #tpu.memory_space<vmem_shared>> -> memref<80x128xf32, #tpu.memory_space<vmem_shared>>
      tpu.wait_dma2 semaphore(%run_scoped3A : memref<!tpu.dma_semaphore, #tpu.memory_space<semaphore_mem>>) src(%arg12 : memref<80x128xf32, #tpu.memory_space<vmem>>) dst(%dma_wait3A_136 : memref<80x128xf32, #tpu.memory_space<vmem_shared>>)
      tpu.yield
    }) : () -> ()
    %add3A_11 = arith.constant 80 : i32
    %add3A_12 = arith.addi %mul3A_8, %add3A_11 : i32
    "tpu.region"() ({
      %run_scoped3A = tpu.sem_alloc : memref<!tpu.dma_semaphore, #tpu.memory_space<semaphore_mem>>
      %dma_start3A_129 = arith.constant 0 : i32
      %dma_start3A_130 = tpu.memref_slice %arg15[%add3A_12, %dma_start3A_129] : memref<10240x128xf32, #tpu.memory_space<vmem_shared>> -> memref<80x128xf32, #tpu.memory_space<vmem_shared>>
      %dma_start3A_131 = arith.constant 0 : i32
      %dma_start3A_132 = tpu.memref_slice %arg15[%add3A_12, %dma_start3A_131] : memref<10240x128xf32, #tpu.memory_space<vmem_shared>> -> memref<80x128xf32, #tpu.memory_space<vmem_shared>>
      tpu.enqueue_dma source(%arg12 : memref<80x128xf32, #tpu.memory_space<vmem>>) target(%dma_start3A_132 : memref<80x128xf32, #tpu.memory_space<vmem_shared>>) target_semaphore(%run_scoped3A : memref<!tpu.dma_semaphore, #tpu.memory_space<semaphore_mem>>)
      %dma_wait3A_133 = arith.constant 0 : i32
      %dma_wait3A_134 = tpu.memref_slice %arg15[%add3A_12, %dma_wait3A_133] : memref<10240x128xf32, #tpu.memory_space<vmem_shared>> -> memref<80x128xf32, #tpu.memory_space<vmem_shared>>
      %dma_wait3A_135 = arith.constant 0 : i32
      %dma_wait3A_136 = tpu.memref_slice %arg15[%add3A_12, %dma_wait3A_135] : memref<10240x128xf32, #tpu.memory_space<vmem_shared>> -> memref<80x128xf32, #tpu.memory_space<vmem_shared>>
      tpu.wait_dma2 semaphore(%run_scoped3A : memref<!tpu.dma_semaphore, #tpu.memory_space<semaphore_mem>>) src(%arg12 : memref<80x128xf32, #tpu.memory_space<vmem>>) dst(%dma_wait3A_136 : memref<80x128xf32, #tpu.memory_space<vmem_shared>>)
      tpu.yield
    }) : () -> ()
    %add3A_13 = arith.constant 160 : i32
    %add3A_14 = arith.addi %mul3A_8, %add3A_13 : i32
    "tpu.region"() ({
      %run_scoped3A = tpu.sem_alloc : memref<!tpu.dma_semaphore, #tpu.memory_space<semaphore_mem>>
      %dma_start3A_129 = arith.constant 0 : i32
      %dma_start3A_130 = tpu.memref_slice %arg15[%add3A_14, %dma_start3A_129] : memref<10240x128xf32, #tpu.memory_space<vmem_shared>> -> memref<80x128xf32, #tpu.memory_space<vmem_shared>>
      %dma_start3A_131 = arith.constant 0 : i32
      %dma_start3A_132 = tpu.memref_slice %arg15[%add3A_14, %dma_start3A_131] : memref<10240x128xf32, #tpu.memory_space<vmem_shared>> -> memref<80x128xf32, #tpu.memory_space<vmem_shared>>
      tpu.enqueue_dma source(%arg12 : memref<80x128xf32, #tpu.memory_space<vmem>>) target(%dma_start3A_132 : memref<80x128xf32, #tpu.memory_space<vmem_shared>>) target_semaphore(%run_scoped3A : memref<!tpu.dma_semaphore, #tpu.memory_space<semaphore_mem>>)
      %dma_wait3A_133 = arith.constant 0 : i32
      %dma_wait3A_134 = tpu.memref_slice %arg15[%add3A_14, %dma_wait3A_133] : memref<10240x128xf32, #tpu.memory_space<vmem_shared>> -> memref<80x128xf32, #tpu.memory_space<vmem_shared>>
      %dma_wait3A_135 = arith.constant 0 : i32
      %dma_wait3A_136 = tpu.memref_slice %arg15[%add3A_14, %dma_wait3A_135] : memref<10240x128xf32, #tpu.memory_space<vmem_shared>> -> memref<80x128xf32, #tpu.memory_space<vmem_shared>>
      tpu.wait_dma2 semaphore(%run_scoped3A : memref<!tpu.dma_semaphore, #tpu.memory_space<semaphore_mem>>) src(%arg12 : memref<80x128xf32, #tpu.memory_space<vmem>>) dst(%dma_wait3A_136 : memref<80x128xf32, #tpu.memory_space<vmem_shared>>)
      tpu.yield
    }) : () -> ()
    %add3A_15 = arith.constant 240 : i32
    %add3A_16 = arith.addi %mul3A_8, %add3A_15 : i32
    "tpu.region"() ({
      %run_scoped3A = tpu.sem_alloc : memref<!tpu.dma_semaphore, #tpu.memory_space<semaphore_mem>>
      %dma_start3A_129 = arith.constant 0 : i32
      %dma_start3A_130 = tpu.memref_slice %arg15[%add3A_16, %dma_start3A_129] : memref<10240x128xf32, #tpu.memory_space<vmem_shared>> -> memref<80x128xf32, #tpu.memory_space<vmem_shared>>
      %dma_start3A_131 = arith.constant 0 : i32
      %dma_start3A_132 = tpu.memref_slice %arg15[%add3A_16, %dma_start3A_131] : memref<10240x128xf32, #tpu.memory_space<vmem_shared>> -> memref<80x128xf32, #tpu.memory_space<vmem_shared>>
      tpu.enqueue_dma source(%arg12 : memref<80x128xf32, #tpu.memory_space<vmem>>) target(%dma_start3A_132 : memref<80x128xf32, #tpu.memory_space<vmem_shared>>) target_semaphore(%run_scoped3A : memref<!tpu.dma_semaphore, #tpu.memory_space<semaphore_mem>>)
      %dma_wait3A_133 = arith.constant 0 : i32
      %dma_wait3A_134 = tpu.memref_slice %arg15[%add3A_16, %dma_wait3A_133] : memref<10240x128xf32, #tpu.memory_space<vmem_shared>> -> memref<80x128xf32, #tpu.memory_space<vmem_shared>>
      %dma_wait3A_135 = arith.constant 0 : i32
      %dma_wait3A_136 = tpu.memref_slice %arg15[%add3A_16, %dma_wait3A_135] : memref<10240x128xf32, #tpu.memory_space<vmem_shared>> -> memref<80x128xf32, #tpu.memory_space<vmem_shared>>
      tpu.wait_dma2 semaphore(%run_scoped3A : memref<!tpu.dma_semaphore, #tpu.memory_space<semaphore_mem>>) src(%arg12 : memref<80x128xf32, #tpu.memory_space<vmem>>) dst(%dma_wait3A_136 : memref<80x128xf32, #tpu.memory_space<vmem_shared>>)
      tpu.yield
    }) : () -> ()
    %add3A_17 = arith.constant 320 : i32
    %add3A_18 = arith.addi %mul3A_8, %add3A_17 : i32
    "tpu.region"() ({
      %run_scoped3A = tpu.sem_alloc : memref<!tpu.dma_semaphore, #tpu.memory_space<semaphore_mem>>
      %dma_start3A_129 = arith.constant 0 : i32
      %dma_start3A_130 = tpu.memref_slice %arg15[%add3A_18, %dma_start3A_129] : memref<10240x128xf32, #tpu.memory_space<vmem_shared>> -> memref<80x128xf32, #tpu.memory_space<vmem_shared>>
      %dma_start3A_131 = arith.constant 0 : i32
      %dma_start3A_132 = tpu.memref_slice %arg15[%add3A_18, %dma_start3A_131] : memref<10240x128xf32, #tpu.memory_space<vmem_shared>> -> memref<80x128xf32, #tpu.memory_space<vmem_shared>>
      tpu.enqueue_dma source(%arg12 : memref<80x128xf32, #tpu.memory_space<vmem>>) target(%dma_start3A_132 : memref<80x128xf32, #tpu.memory_space<vmem_shared>>) target_semaphore(%run_scoped3A : memref<!tpu.dma_semaphore, #tpu.memory_space<semaphore_mem>>)
      %dma_wait3A_133 = arith.constant 0 : i32
      %dma_wait3A_134 = tpu.memref_slice %arg15[%add3A_18, %dma_wait3A_133] : memref<10240x128xf32, #tpu.memory_space<vmem_shared>> -> memref<80x128xf32, #tpu.memory_space<vmem_shared>>
      %dma_wait3A_135 = arith.constant 0 : i32
      %dma_wait3A_136 = tpu.memref_slice %arg15[%add3A_18, %dma_wait3A_135] : memref<10240x128xf32, #tpu.memory_space<vmem_shared>> -> memref<80x128xf32, #tpu.memory_space<vmem_shared>>
      tpu.wait_dma2 semaphore(%run_scoped3A : memref<!tpu.dma_semaphore, #tpu.memory_space<semaphore_mem>>) src(%arg12 : memref<80x128xf32, #tpu.memory_space<vmem>>) dst(%dma_wait3A_136 : memref<80x128xf32, #tpu.memory_space<vmem_shared>>)
      tpu.yield
    }) : () -> ()
    %add3A_19 = arith.constant 400 : i32
    %add3A_20 = arith.addi %mul3A_8, %add3A_19 : i32
    "tpu.region"() ({
      %run_scoped3A = tpu.sem_alloc : memref<!tpu.dma_semaphore, #tpu.memory_space<semaphore_mem>>
      %dma_start3A_129 = arith.constant 0 : i32
      %dma_start3A_130 = tpu.memref_slice %arg15[%add3A_20, %dma_start3A_129] : memref<10240x128xf32, #tpu.memory_space<vmem_shared>> -> memref<80x128xf32, #tpu.memory_space<vmem_shared>>
      %dma_start3A_131 = arith.constant 0 : i32
      %dma_start3A_132 = tpu.memref_slice %arg15[%add3A_20, %dma_start3A_131] : memref<10240x128xf32, #tpu.memory_space<vmem_shared>> -> memref<80x128xf32, #tpu.memory_space<vmem_shared>>
      tpu.enqueue_dma source(%arg12 : memref<80x128xf32, #tpu.memory_space<vmem>>) target(%dma_start3A_132 : memref<80x128xf32, #tpu.memory_space<vmem_shared>>) target_semaphore(%run_scoped3A : memref<!tpu.dma_semaphore, #tpu.memory_space<semaphore_mem>>)
      %dma_wait3A_133 = arith.constant 0 : i32
      %dma_wait3A_134 = tpu.memref_slice %arg15[%add3A_20, %dma_wait3A_133] : memref<10240x128xf32, #tpu.memory_space<vmem_shared>> -> memref<80x128xf32, #tpu.memory_space<vmem_shared>>
      %dma_wait3A_135 = arith.constant 0 : i32
      %dma_wait3A_136 = tpu.memref_slice %arg15[%add3A_20, %dma_wait3A_135] : memref<10240x128xf32, #tpu.memory_space<vmem_shared>> -> memref<80x128xf32, #tpu.memory_space<vmem_shared>>
      tpu.wait_dma2 semaphore(%run_scoped3A : memref<!tpu.dma_semaphore, #tpu.memory_space<semaphore_mem>>) src(%arg12 : memref<80x128xf32, #tpu.memory_space<vmem>>) dst(%dma_wait3A_136 : memref<80x128xf32, #tpu.memory_space<vmem_shared>>)
      tpu.yield
    }) : () -> ()
    %add3A_21 = arith.constant 480 : i32
    %add3A_22 = arith.addi %mul3A_8, %add3A_21 : i32
    "tpu.region"() ({
      %run_scoped3A = tpu.sem_alloc : memref<!tpu.dma_semaphore, #tpu.memory_space<semaphore_mem>>
      %dma_start3A_129 = arith.constant 0 : i32
      %dma_start3A_130 = tpu.memref_slice %arg15[%add3A_22, %dma_start3A_129] : memref<10240x128xf32, #tpu.memory_space<vmem_shared>> -> memref<80x128xf32, #tpu.memory_space<vmem_shared>>
      %dma_start3A_131 = arith.constant 0 : i32
      %dma_start3A_132 = tpu.memref_slice %arg15[%add3A_22, %dma_start3A_131] : memref<10240x128xf32, #tpu.memory_space<vmem_shared>> -> memref<80x128xf32, #tpu.memory_space<vmem_shared>>
      tpu.enqueue_dma source(%arg12 : memref<80x128xf32, #tpu.memory_space<vmem>>) target(%dma_start3A_132 : memref<80x128xf32, #tpu.memory_space<vmem_shared>>) target_semaphore(%run_scoped3A : memref<!tpu.dma_semaphore, #tpu.memory_space<semaphore_mem>>)
      %dma_wait3A_133 = arith.constant 0 : i32
      %dma_wait3A_134 = tpu.memref_slice %arg15[%add3A_22, %dma_wait3A_133] : memref<10240x128xf32, #tpu.memory_space<vmem_shared>> -> memref<80x128xf32, #tpu.memory_space<vmem_shared>>
      %dma_wait3A_135 = arith.constant 0 : i32
      %dma_wait3A_136 = tpu.memref_slice %arg15[%add3A_22, %dma_wait3A_135] : memref<10240x128xf32, #tpu.memory_space<vmem_shared>> -> memref<80x128xf32, #tpu.memory_space<vmem_shared>>
      tpu.wait_dma2 semaphore(%run_scoped3A : memref<!tpu.dma_semaphore, #tpu.memory_space<semaphore_mem>>) src(%arg12 : memref<80x128xf32, #tpu.memory_space<vmem>>) dst(%dma_wait3A_136 : memref<80x128xf32, #tpu.memory_space<vmem_shared>>)
      tpu.yield
    }) : () -> ()
    %add3A_23 = arith.constant 560 : i32
    %add3A_24 = arith.addi %mul3A_8, %add3A_23 : i32
    "tpu.region"() ({
      %run_scoped3A = tpu.sem_alloc : memref<!tpu.dma_semaphore, #tpu.memory_space<semaphore_mem>>
      %dma_start3A_129 = arith.constant 0 : i32
      %dma_start3A_130 = tpu.memref_slice %arg15[%add3A_24, %dma_start3A_129] : memref<10240x128xf32, #tpu.memory_space<vmem_shared>> -> memref<80x128xf32, #tpu.memory_space<vmem_shared>>
      %dma_start3A_131 = arith.constant 0 : i32
      %dma_start3A_132 = tpu.memref_slice %arg15[%add3A_24, %dma_start3A_131] : memref<10240x128xf32, #tpu.memory_space<vmem_shared>> -> memref<80x128xf32, #tpu.memory_space<vmem_shared>>
      tpu.enqueue_dma source(%arg12 : memref<80x128xf32, #tpu.memory_space<vmem>>) target(%dma_start3A_132 : memref<80x128xf32, #tpu.memory_space<vmem_shared>>) target_semaphore(%run_scoped3A : memref<!tpu.dma_semaphore, #tpu.memory_space<semaphore_mem>>)
      %dma_wait3A_133 = arith.constant 0 : i32
      %dma_wait3A_134 = tpu.memref_slice %arg15[%add3A_24, %dma_wait3A_133] : memref<10240x128xf32, #tpu.memory_space<vmem_shared>> -> memref<80x128xf32, #tpu.memory_space<vmem_shared>>
      %dma_wait3A_135 = arith.constant 0 : i32
      %dma_wait3A_136 = tpu.memref_slice %arg15[%add3A_24, %dma_wait3A_135] : memref<10240x128xf32, #tpu.memory_space<vmem_shared>> -> memref<80x128xf32, #tpu.memory_space<vmem_shared>>
      tpu.wait_dma2 semaphore(%run_scoped3A : memref<!tpu.dma_semaphore, #tpu.memory_space<semaphore_mem>>) src(%arg12 : memref<80x128xf32, #tpu.memory_space<vmem>>) dst(%dma_wait3A_136 : memref<80x128xf32, #tpu.memory_space<vmem_shared>>)
      tpu.yield
    }) : () -> ()
    %barrier3A = arith.constant 0 : index
    tpu.barrier barrier_id(%barrier3A)
    %mul3A_25 = arith.constant 10000 : i32
    %mul3A_26 = arith.muli %add3A, %mul3A_25 : i32
    "tpu.region"() ({
      %run_scoped3A = tpu.sem_alloc : memref<!tpu.dma_semaphore, #tpu.memory_space<semaphore_mem>>
      %dma_start3A_129 = tpu.memref_slice %arg5[%mul3A_26] : memref<320080xi32, #tpu.memory_space<hbm>> -> memref<48xi32, #tpu.memory_space<hbm>>
      %dma_start3A_130 = tpu.memref_slice %arg5[%mul3A_26] : memref<320080xi32, #tpu.memory_space<hbm>> -> memref<48xi32, #tpu.memory_space<hbm>>
      tpu.enqueue_dma source(%dma_start3A_130 : memref<48xi32, #tpu.memory_space<hbm>>) target(%arg8 : memref<48xi32, #tpu.memory_space<vmem>>) target_semaphore(%run_scoped3A : memref<!tpu.dma_semaphore, #tpu.memory_space<semaphore_mem>>)
      %dma_wait3A_131 = tpu.memref_slice %arg5[%mul3A_26] : memref<320080xi32, #tpu.memory_space<hbm>> -> memref<48xi32, #tpu.memory_space<hbm>>
      %dma_wait3A_132 = tpu.memref_slice %arg5[%mul3A_26] : memref<320080xi32, #tpu.memory_space<hbm>> -> memref<48xi32, #tpu.memory_space<hbm>>
      tpu.wait_dma2 semaphore(%run_scoped3A : memref<!tpu.dma_semaphore, #tpu.memory_space<semaphore_mem>>) src(%dma_wait3A_132 : memref<48xi32, #tpu.memory_space<hbm>>) dst(%arg8 : memref<48xi32, #tpu.memory_space<vmem>>)
      tpu.yield
    }) : () -> ()
    "tpu.region"() ({
      %run_scoped3A = tpu.sem_alloc : memref<!tpu.dma_semaphore, #tpu.memory_space<semaphore_mem>>
      %dma_start3A_129 = tpu.memref_slice %arg6[%mul3A_26] : memref<320080xi32, #tpu.memory_space<hbm>> -> memref<48xi32, #tpu.memory_space<hbm>>
      %dma_start3A_130 = tpu.memref_slice %arg6[%mul3A_26] : memref<320080xi32, #tpu.memory_space<hbm>> -> memref<48xi32, #tpu.memory_space<hbm>>
      tpu.enqueue_dma source(%dma_start3A_130 : memref<48xi32, #tpu.memory_space<hbm>>) target(%arg9 : memref<48xi32, #tpu.memory_space<vmem>>) target_semaphore(%run_scoped3A : memref<!tpu.dma_semaphore, #tpu.memory_space<semaphore_mem>>)
      %dma_wait3A_131 = tpu.memref_slice %arg6[%mul3A_26] : memref<320080xi32, #tpu.memory_space<hbm>> -> memref<48xi32, #tpu.memory_space<hbm>>
      %dma_wait3A_132 = tpu.memref_slice %arg6[%mul3A_26] : memref<320080xi32, #tpu.memory_space<hbm>> -> memref<48xi32, #tpu.memory_space<hbm>>
      tpu.wait_dma2 semaphore(%run_scoped3A : memref<!tpu.dma_semaphore, #tpu.memory_space<semaphore_mem>>) src(%dma_wait3A_132 : memref<48xi32, #tpu.memory_space<hbm>>) dst(%arg9 : memref<48xi32, #tpu.memory_space<vmem>>)
      tpu.yield
    }) : () -> ()
    %add3A_27 = arith.constant 48 : i32
    %add3A_28 = arith.addi %mul3A_26, %add3A_27 : i32
    "tpu.region"() ({
      %run_scoped3A = tpu.sem_alloc : memref<!tpu.dma_semaphore, #tpu.memory_space<semaphore_mem>>
      %dma_start3A_129 = tpu.memref_slice %arg5[%add3A_28] : memref<320080xi32, #tpu.memory_space<hbm>> -> memref<32xi32, #tpu.memory_space<hbm>>
      %dma_start3A_130 = tpu.memref_slice %arg5[%add3A_28] : memref<320080xi32, #tpu.memory_space<hbm>> -> memref<32xi32, #tpu.memory_space<hbm>>
      tpu.enqueue_dma source(%dma_start3A_130 : memref<32xi32, #tpu.memory_space<hbm>>) target(%arg10 : memref<32xi32, #tpu.memory_space<vmem>>) target_semaphore(%run_scoped3A : memref<!tpu.dma_semaphore, #tpu.memory_space<semaphore_mem>>)
      %dma_wait3A_131 = tpu.memref_slice %arg5[%add3A_28] : memref<320080xi32, #tpu.memory_space<hbm>> -> memref<32xi32, #tpu.memory_space<hbm>>
      %dma_wait3A_132 = tpu.memref_slice %arg5[%add3A_28] : memref<320080xi32, #tpu.memory_space<hbm>> -> memref<32xi32, #tpu.memory_space<hbm>>
      tpu.wait_dma2 semaphore(%run_scoped3A : memref<!tpu.dma_semaphore, #tpu.memory_space<semaphore_mem>>) src(%dma_wait3A_132 : memref<32xi32, #tpu.memory_space<hbm>>) dst(%arg10 : memref<32xi32, #tpu.memory_space<vmem>>)
      tpu.yield
    }) : () -> ()
    %add3A_29 = arith.constant 48 : i32
    %add3A_30 = arith.addi %mul3A_26, %add3A_29 : i32
    "tpu.region"() ({
      %run_scoped3A = tpu.sem_alloc : memref<!tpu.dma_semaphore, #tpu.memory_space<semaphore_mem>>
      %dma_start3A_129 = tpu.memref_slice %arg6[%add3A_30] : memref<320080xi32, #tpu.memory_space<hbm>> -> memref<32xi32, #tpu.memory_space<hbm>>
      %dma_start3A_130 = tpu.memref_slice %arg6[%add3A_30] : memref<320080xi32, #tpu.memory_space<hbm>> -> memref<32xi32, #tpu.memory_space<hbm>>
      tpu.enqueue_dma source(%dma_start3A_130 : memref<32xi32, #tpu.memory_space<hbm>>) target(%arg11 : memref<32xi32, #tpu.memory_space<vmem>>) target_semaphore(%run_scoped3A : memref<!tpu.dma_semaphore, #tpu.memory_space<semaphore_mem>>)
      %dma_wait3A_131 = tpu.memref_slice %arg6[%add3A_30] : memref<320080xi32, #tpu.memory_space<hbm>> -> memref<32xi32, #tpu.memory_space<hbm>>
      %dma_wait3A_132 = tpu.memref_slice %arg6[%add3A_30] : memref<320080xi32, #tpu.memory_space<hbm>> -> memref<32xi32, #tpu.memory_space<hbm>>
      tpu.wait_dma2 semaphore(%run_scoped3A : memref<!tpu.dma_semaphore, #tpu.memory_space<semaphore_mem>>) src(%dma_wait3A_132 : memref<32xi32, #tpu.memory_space<hbm>>) dst(%arg11 : memref<32xi32, #tpu.memory_space<vmem>>)
      tpu.yield
    }) : () -> ()
    %dma_start3A = arith.constant 0 : i32
    %dma_start3A_31 = arith.constant 0 : i32
    %dma_start3A_32 = tpu.memref_slice %arg12[%dma_start3A, %dma_start3A_31] : memref<80x128xf32, #tpu.memory_space<vmem>> -> memref<48x128xf32, #tpu.memory_space<vmem>>
    %dma_start3A_33 = arith.constant 0 : i32
    %dma_start3A_34 = arith.constant 0 : i32
    %dma_start3A_35 = tpu.memref_slice %arg2[%dma_start3A_33, %dma_start3A_34] : memref<10000x128xf32, #tpu.memory_space<hbm>> -> memref<10000x128xf32, #tpu.memory_space<hbm>>
    tpu.enqueue_indirect_dma source(%dma_start3A_35 : memref<10000x128xf32, #tpu.memory_space<hbm>>) target(%dma_start3A_32 : memref<48x128xf32, #tpu.memory_space<vmem>>) offsets(%arg8 : memref<48xi32, #tpu.memory_space<vmem>>) semaphore(%arg16 : memref<!tpu.dma_semaphore, #tpu.memory_space<semaphore_mem>>)
    %dma_start3A_36 = arith.constant 0 : i32
    %dma_start3A_37 = arith.constant 0 : i32
    %dma_start3A_38 = tpu.memref_slice %arg13[%dma_start3A_36, %dma_start3A_37] : memref<80x128xf32, #tpu.memory_space<vmem>> -> memref<48x128xf32, #tpu.memory_space<vmem>>
    %dma_start3A_39 = arith.constant 0 : i32
    %dma_start3A_40 = arith.constant 0 : i32
    %dma_start3A_41 = tpu.memref_slice %arg3[%dma_start3A_39, %dma_start3A_40] : memref<10000x128xf32, #tpu.memory_space<hbm>> -> memref<10000x128xf32, #tpu.memory_space<hbm>>
    tpu.enqueue_indirect_dma source(%dma_start3A_41 : memref<10000x128xf32, #tpu.memory_space<hbm>>) target(%dma_start3A_38 : memref<48x128xf32, #tpu.memory_space<vmem>>) offsets(%arg9 : memref<48xi32, #tpu.memory_space<vmem>>) semaphore(%arg16 : memref<!tpu.dma_semaphore, #tpu.memory_space<semaphore_mem>>)
    %dma_start3A_42 = arith.constant 48 : i32
    %dma_start3A_43 = arith.constant 0 : i32
    %dma_start3A_44 = tpu.memref_slice %arg12[%dma_start3A_42, %dma_start3A_43] : memref<80x128xf32, #tpu.memory_space<vmem>> -> memref<32x128xf32, #tpu.memory_space<vmem>>
    %dma_start3A_45 = arith.constant 0 : i32
    %dma_start3A_46 = arith.constant 0 : i32
    %dma_start3A_47 = tpu.memref_slice %arg2[%dma_start3A_45, %dma_start3A_46] : memref<10000x128xf32, #tpu.memory_space<hbm>> -> memref<10000x128xf32, #tpu.memory_space<hbm>>
    tpu.enqueue_indirect_dma source(%dma_start3A_47 : memref<10000x128xf32, #tpu.memory_space<hbm>>) target(%dma_start3A_44 : memref<32x128xf32, #tpu.memory_space<vmem>>) offsets(%arg10 : memref<32xi32, #tpu.memory_space<vmem>>) semaphore(%arg17 : memref<!tpu.dma_semaphore, #tpu.memory_space<semaphore_mem>>)
    %dma_start3A_48 = arith.constant 48 : i32
    %dma_start3A_49 = arith.constant 0 : i32
    %dma_start3A_50 = tpu.memref_slice %arg13[%dma_start3A_48, %dma_start3A_49] : memref<80x128xf32, #tpu.memory_space<vmem>> -> memref<32x128xf32, #tpu.memory_space<vmem>>
    %dma_start3A_51 = arith.constant 0 : i32
    %dma_start3A_52 = arith.constant 0 : i32
    %dma_start3A_53 = tpu.memref_slice %arg3[%dma_start3A_51, %dma_start3A_52] : memref<10000x128xf32, #tpu.memory_space<hbm>> -> memref<10000x128xf32, #tpu.memory_space<hbm>>
    tpu.enqueue_indirect_dma source(%dma_start3A_53 : memref<10000x128xf32, #tpu.memory_space<hbm>>) target(%dma_start3A_50 : memref<32x128xf32, #tpu.memory_space<vmem>>) offsets(%arg11 : memref<32xi32, #tpu.memory_space<vmem>>) semaphore(%arg17 : memref<!tpu.dma_semaphore, #tpu.memory_space<semaphore_mem>>)
    %dma_start3A_54 = arith.constant 0 : i32
    %dma_start3A_55 = tpu.memref_slice %arg4[%mul3A_26, %dma_start3A_54] : memref<324000x128xf32, #tpu.memory_space<hbm>> -> memref<80x128xf32, #tpu.memory_space<hbm>>
    %dma_start3A_56 = arith.constant 0 : i32
    %dma_start3A_57 = tpu.memref_slice %arg4[%mul3A_26, %dma_start3A_56] : memref<324000x128xf32, #tpu.memory_space<hbm>> -> memref<80x128xf32, #tpu.memory_space<hbm>>
    tpu.enqueue_dma source(%dma_start3A_57 : memref<80x128xf32, #tpu.memory_space<hbm>>) target(%arg14 : memref<80x128xf32, #tpu.memory_space<vmem>>) target_semaphore(%arg18 : memref<!tpu.dma_semaphore, #tpu.memory_space<semaphore_mem>>)
    %scan3A_58 = arith.constant 0 : i32
    %scan3A_59 = arith.constant 0 : i32
    %scan3A_60 = arith.constant 125 : i32
    %scan3A_61 = arith.addi %scan3A_59, %scan3A_60 : i32
    %scan3A_62 = arith.constant 1 : i32
    scf.for %scan3A_129 = %scan3A_59 to %scan3A_61 step %scan3A_62  : i32 {
      %mul3A_130 = arith.constant 80 : i32
      %mul3A_131 = arith.muli %scan3A_129, %mul3A_130 : i32
      %add3A_132 = arith.addi %mul3A_26, %mul3A_131 : i32
      %add3A_133 = arith.constant 80 : i32
      %add3A_134 = arith.addi %add3A_132, %add3A_133 : i32
      %dma_wait3A_135 = arith.constant 0 : i32
      %dma_wait3A_136 = tpu.memref_slice %arg4[%add3A_132, %dma_wait3A_135] : memref<324000x128xf32, #tpu.memory_space<hbm>> -> memref<80x128xf32, #tpu.memory_space<hbm>>
      %dma_wait3A_137 = arith.constant 0 : i32
      %dma_wait3A_138 = tpu.memref_slice %arg4[%add3A_132, %dma_wait3A_137] : memref<324000x128xf32, #tpu.memory_space<hbm>> -> memref<80x128xf32, #tpu.memory_space<hbm>>
      tpu.wait_dma2 semaphore(%arg18 : memref<!tpu.dma_semaphore, #tpu.memory_space<semaphore_mem>>) src(%dma_wait3A_138 : memref<80x128xf32, #tpu.memory_space<hbm>>) dst(%arg14 : memref<80x128xf32, #tpu.memory_space<vmem>>)
      %dma_wait3A_139 = arith.constant 0 : i32
      %dma_wait3A_140 = arith.constant 0 : i32
      %dma_wait3A_141 = tpu.memref_slice %arg12[%dma_wait3A_139, %dma_wait3A_140] : memref<80x128xf32, #tpu.memory_space<vmem>> -> memref<48x128xf32, #tpu.memory_space<vmem>>
      %dma_wait3A_142 = arith.constant 0 : i32
      %dma_wait3A_143 = arith.constant 0 : i32
      %dma_wait3A_144 = tpu.memref_slice %arg2[%dma_wait3A_142, %dma_wait3A_143] : memref<10000x128xf32, #tpu.memory_space<hbm>> -> memref<10000x128xf32, #tpu.memory_space<hbm>>
      tpu.wait_indirect_dma semaphore(%arg16 : memref<!tpu.dma_semaphore, #tpu.memory_space<semaphore_mem>>) src(%dma_wait3A_144 : memref<10000x128xf32, #tpu.memory_space<hbm>>) dst(%dma_wait3A_141 : memref<48x128xf32, #tpu.memory_space<vmem>>)
      %dma_wait3A_145 = arith.constant 0 : i32
      %dma_wait3A_146 = arith.constant 0 : i32
      %dma_wait3A_147 = tpu.memref_slice %arg13[%dma_wait3A_145, %dma_wait3A_146] : memref<80x128xf32, #tpu.memory_space<vmem>> -> memref<48x128xf32, #tpu.memory_space<vmem>>
      %dma_wait3A_148 = arith.constant 0 : i32
      %dma_wait3A_149 = arith.constant 0 : i32
      %dma_wait3A_150 = tpu.memref_slice %arg3[%dma_wait3A_148, %dma_wait3A_149] : memref<10000x128xf32, #tpu.memory_space<hbm>> -> memref<10000x128xf32, #tpu.memory_space<hbm>>
      tpu.wait_indirect_dma semaphore(%arg16 : memref<!tpu.dma_semaphore, #tpu.memory_space<semaphore_mem>>) src(%dma_wait3A_150 : memref<10000x128xf32, #tpu.memory_space<hbm>>) dst(%dma_wait3A_147 : memref<48x128xf32, #tpu.memory_space<vmem>>)
      %scan3A_151 = arith.constant 0 : i32
      %scan3A_152 = arith.constant 0 : i32
      %scan3A_153 = arith.constant 48 : i32
      %scan3A_154 = arith.addi %scan3A_152, %scan3A_153 : i32
      %scan3A_155 = arith.constant 1 : i32
      scf.for %scan3A_231 = %scan3A_152 to %scan3A_154 step %scan3A_155  : i32 {
        %get3A = arith.index_cast %scan3A_231 : i32 to index
        %get3A_232 = arith.constant 0 : index
        %get3A_233 = tpu.vector_load %arg12[%get3A, %get3A_232] {strides = array<i32>} : memref<80x128xf32, #tpu.memory_space<vmem>>, vector<1x16xf32>,
        %get3A_234 = vector.shape_cast %get3A_233 : vector<1x16xf32> to vector<16xf32>
        %get3A_235 = arith.index_cast %scan3A_231 : i32 to index
        %get3A_236 = arith.constant 0 : index
        %get3A_237 = tpu.vector_load %arg13[%get3A_235, %get3A_236] {strides = array<i32>} : memref<80x128xf32, #tpu.memory_space<vmem>>, vector<1x16xf32>,
        %get3A_238 = vector.shape_cast %get3A_237 : vector<1x16xf32> to vector<16xf32>
        %add3A_239 = arith.addf %get3A_234, %get3A_238 : vector<16xf32>
        %get3A_240 = arith.index_cast %scan3A_231 : i32 to index
        %get3A_241 = arith.constant 0 : index
        %get3A_242 = tpu.vector_load %arg14[%get3A_240, %get3A_241] {strides = array<i32>} : memref<80x128xf32, #tpu.memory_space<vmem>>, vector<1x16xf32>,
        %get3A_243 = vector.shape_cast %get3A_242 : vector<1x16xf32> to vector<16xf32>
        %add3A_244 = arith.addf %add3A_239, %get3A_243 : vector<16xf32>
        %mul3A_245 = arith.mulf %add3A_244, %add3A_244 : vector<16xf32>
        %mul3A_246 = arith.mulf %mul3A_245, %add3A_244 : vector<16xf32>
        %mul3A_247 = arith.constant 4.471500e-02 : f32
        %mul3A_248 = vector.broadcast %mul3A_247 : f32 to vector<16xf32>
        %mul3A_249 = arith.mulf %mul3A_248, %mul3A_246 : vector<16xf32>
        %add3A_250 = arith.addf %add3A_244, %mul3A_249 : vector<16xf32>
        %mul3A_251 = arith.constant -1.59576917 : f32
        %mul3A_252 = vector.broadcast %mul3A_251 : f32 to vector<16xf32>
        %mul3A_253 = arith.mulf %mul3A_252, %add3A_250 : vector<16xf32>
        %exp3A = math.exp %mul3A_253 : vector<16xf32>
        %add3A_254 = arith.constant 1.000000e+00 : f32
        %add3A_255 = vector.broadcast %add3A_254 : f32 to vector<16xf32>
        %add3A_256 = arith.addf %add3A_255, %exp3A : vector<16xf32>
        %div3A = arith.divf %add3A_244, %add3A_256 : vector<16xf32>
        %swap3A = arith.index_cast %scan3A_231 : i32 to index
        %swap3A_257 = arith.constant 0 : index
        %swap3A_258 = tpu.vector_load %arg12[%swap3A, %swap3A_257] {strides = array<i32>} : memref<80x128xf32, #tpu.memory_space<vmem>>, vector<1x16xf32>,
        %swap3A_259 = vector.shape_cast %swap3A_258 : vector<1x16xf32> to vector<16xf32>
        %swap3A_260 = vector.shape_cast %div3A : vector<16xf32> to vector<1x16xf32>
        tpu.vector_store %arg12[%swap3A, %swap3A_257], %swap3A_260 {strides = array<i32>} : memref<80x128xf32, #tpu.memory_space<vmem>>, vector<1x16xf32>,
        %get3A_261 = arith.index_cast %scan3A_231 : i32 to index
        %get3A_262 = arith.constant 16 : index
        %get3A_263 = tpu.vector_load %arg12[%get3A_261, %get3A_262] {strides = array<i32>} : memref<80x128xf32, #tpu.memory_space<vmem>>, vector<1x16xf32>,
        %get3A_264 = vector.shape_cast %get3A_263 : vector<1x16xf32> to vector<16xf32>
        %get3A_265 = arith.index_cast %scan3A_231 : i32 to index
        %get3A_266 = arith.constant 16 : index
        %get3A_267 = tpu.vector_load %arg13[%get3A_265, %get3A_266] {strides = array<i32>} : memref<80x128xf32, #tpu.memory_space<vmem>>, vector<1x16xf32>,
        %get3A_268 = vector.shape_cast %get3A_267 : vector<1x16xf32> to vector<16xf32>
        %add3A_269 = arith.addf %get3A_264, %get3A_268 : vector<16xf32>
        %get3A_270 = arith.index_cast %scan3A_231 : i32 to index
        %get3A_271 = arith.constant 16 : index
        %get3A_272 = tpu.vector_load %arg14[%get3A_270, %get3A_271] {strides = array<i32>} : memref<80x128xf32, #tpu.memory_space<vmem>>, vector<1x16xf32>,
        %get3A_273 = vector.shape_cast %get3A_272 : vector<1x16xf32> to vector<16xf32>
        %add3A_274 = arith.addf %add3A_269, %get3A_273 : vector<16xf32>
        %mul3A_275 = arith.mulf %add3A_274, %add3A_274 : vector<16xf32>
        %mul3A_276 = arith.mulf %mul3A_275, %add3A_274 : vector<16xf32>
        %mul3A_277 = arith.constant 4.471500e-02 : f32
        %mul3A_278 = vector.broadcast %mul3A_277 : f32 to vector<16xf32>
        %mul3A_279 = arith.mulf %mul3A_278, %mul3A_276 : vector<16xf32>
        %add3A_280 = arith.addf %add3A_274, %mul3A_279 : vector<16xf32>
        %mul3A_281 = arith.constant -1.59576917 : f32
        %mul3A_282 = vector.broadcast %mul3A_281 : f32 to vector<16xf32>
        %mul3A_283 = arith.mulf %mul3A_282, %add3A_280 : vector<16xf32>
        %exp3A_284 = math.exp %mul3A_283 : vector<16xf32>
        %add3A_285 = arith.constant 1.000000e+00 : f32
        %add3A_286 = vector.broadcast %add3A_285 : f32 to vector<16xf32>
        %add3A_287 = arith.addf %add3A_286, %exp3A_284 : vector<16xf32>
        %div3A_288 = arith.divf %add3A_274, %add3A_287 : vector<16xf32>
        %swap3A_289 = arith.index_cast %scan3A_231 : i32 to index
        %swap3A_290 = arith.constant 16 : index
        %swap3A_291 = tpu.vector_load %arg12[%swap3A_289, %swap3A_290] {strides = array<i32>} : memref<80x128xf32, #tpu.memory_space<vmem>>, vector<1x16xf32>,
        %swap3A_292 = vector.shape_cast %swap3A_291 : vector<1x16xf32> to vector<16xf32>
        %swap3A_293 = vector.shape_cast %div3A_288 : vector<16xf32> to vector<1x16xf32>
        tpu.vector_store %arg12[%swap3A_289, %swap3A_290], %swap3A_293 {strides = array<i32>} : memref<80x128xf32, #tpu.memory_space<vmem>>, vector<1x16xf32>,
        %get3A_294 = arith.index_cast %scan3A_231 : i32 to index
        %get3A_295 = arith.constant 32 : index
        %get3A_296 = tpu.vector_load %arg12[%get3A_294, %get3A_295] {strides = array<i32>} : memref<80x128xf32, #tpu.memory_space<vmem>>, vector<1x16xf32>,
        %get3A_297 = vector.shape_cast %get3A_296 : vector<1x16xf32> to vector<16xf32>
        %get3A_298 = arith.index_cast %scan3A_231 : i32 to index
        %get3A_299 = arith.constant 32 : index
        %get3A_300 = tpu.vector_load %arg13[%get3A_298, %get3A_299] {strides = array<i32>} : memref<80x128xf32, #tpu.memory_space<vmem>>, vector<1x16xf32>,
        %get3A_301 = vector.shape_cast %get3A_300 : vector<1x16xf32> to vector<16xf32>
        %add3A_302 = arith.addf %get3A_297, %get3A_301 : vector<16xf32>
        %get3A_303 = arith.index_cast %scan3A_231 : i32 to index
        %get3A_304 = arith.constant 32 : index
        %get3A_305 = tpu.vector_load %arg14[%get3A_303, %get3A_304] {strides = array<i32>} : memref<80x128xf32, #tpu.memory_space<vmem>>, vector<1x16xf32>,
        %get3A_306 = vector.shape_cast %get3A_305 : vector<1x16xf32> to vector<16xf32>
        %add3A_307 = arith.addf %add3A_302, %get3A_306 : vector<16xf32>
        %mul3A_308 = arith.mulf %add3A_307, %add3A_307 : vector<16xf32>
        %mul3A_309 = arith.mulf %mul3A_308, %add3A_307 : vector<16xf32>
        %mul3A_310 = arith.constant 4.471500e-02 : f32
        %mul3A_311 = vector.broadcast %mul3A_310 : f32 to vector<16xf32>
        %mul3A_312 = arith.mulf %mul3A_311, %mul3A_309 : vector<16xf32>
        %add3A_313 = arith.addf %add3A_307, %mul3A_312 : vector<16xf32>
        %mul3A_314 = arith.constant -1.59576917 : f32
        %mul3A_315 = vector.broadcast %mul3A_314 : f32 to vector<16xf32>
        %mul3A_316 = arith.mulf %mul3A_315, %add3A_313 : vector<16xf32>
        %exp3A_317 = math.exp %mul3A_316 : vector<16xf32>
        %add3A_318 = arith.constant 1.000000e+00 : f32
        %add3A_319 = vector.broadcast %add3A_318 : f32 to vector<16xf32>
        %add3A_320 = arith.addf %add3A_319, %exp3A_317 : vector<16xf32>
        %div3A_321 = arith.divf %add3A_307, %add3A_320 : vector<16xf32>
        %swap3A_322 = arith.index_cast %scan3A_231 : i32 to index
        %swap3A_323 = arith.constant 32 : index
        %swap3A_324 = tpu.vector_load %arg12[%swap3A_322, %swap3A_323] {strides = array<i32>} : memref<80x128xf32, #tpu.memory_space<vmem>>, vector<1x16xf32>,
        %swap3A_325 = vector.shape_cast %swap3A_324 : vector<1x16xf32> to vector<16xf32>
        %swap3A_326 = vector.shape_cast %div3A_321 : vector<16xf32> to vector<1x16xf32>
        tpu.vector_store %arg12[%swap3A_322, %swap3A_323], %swap3A_326 {strides = array<i32>} : memref<80x128xf32, #tpu.memory_space<vmem>>, vector<1x16xf32>,
        %get3A_327 = arith.index_cast %scan3A_231 : i32 to index
        %get3A_328 = arith.constant 48 : index
        %get3A_329 = tpu.vector_load %arg12[%get3A_327, %get3A_328] {strides = array<i32>} : memref<80x128xf32, #tpu.memory_space<vmem>>, vector<1x16xf32>,
        %get3A_330 = vector.shape_cast %get3A_329 : vector<1x16xf32> to vector<16xf32>
        %get3A_331 = arith.index_cast %scan3A_231 : i32 to index
        %get3A_332 = arith.constant 48 : index
        %get3A_333 = tpu.vector_load %arg13[%get3A_331, %get3A_332] {strides = array<i32>} : memref<80x128xf32, #tpu.memory_space<vmem>>, vector<1x16xf32>,
        %get3A_334 = vector.shape_cast %get3A_333 : vector<1x16xf32> to vector<16xf32>
        %add3A_335 = arith.addf %get3A_330, %get3A_334 : vector<16xf32>
        %get3A_336 = arith.index_cast %scan3A_231 : i32 to index
        %get3A_337 = arith.constant 48 : index
        %get3A_338 = tpu.vector_load %arg14[%get3A_336, %get3A_337] {strides = array<i32>} : memref<80x128xf32, #tpu.memory_space<vmem>>, vector<1x16xf32>,
        %get3A_339 = vector.shape_cast %get3A_338 : vector<1x16xf32> to vector<16xf32>
        %add3A_340 = arith.addf %add3A_335, %get3A_339 : vector<16xf32>
        %mul3A_341 = arith.mulf %add3A_340, %add3A_340 : vector<16xf32>
        %mul3A_342 = arith.mulf %mul3A_341, %add3A_340 : vector<16xf32>
        %mul3A_343 = arith.constant 4.471500e-02 : f32
        %mul3A_344 = vector.broadcast %mul3A_343 : f32 to vector<16xf32>
        %mul3A_345 = arith.mulf %mul3A_344, %mul3A_342 : vector<16xf32>
        %add3A_346 = arith.addf %add3A_340, %mul3A_345 : vector<16xf32>
        %mul3A_347 = arith.constant -1.59576917 : f32
        %mul3A_348 = vector.broadcast %mul3A_347 : f32 to vector<16xf32>
        %mul3A_349 = arith.mulf %mul3A_348, %add3A_346 : vector<16xf32>
        %exp3A_350 = math.exp %mul3A_349 : vector<16xf32>
        %add3A_351 = arith.constant 1.000000e+00 : f32
        %add3A_352 = vector.broadcast %add3A_351 : f32 to vector<16xf32>
        %add3A_353 = arith.addf %add3A_352, %exp3A_350 : vector<16xf32>
        %div3A_354 = arith.divf %add3A_340, %add3A_353 : vector<16xf32>
        %swap3A_355 = arith.index_cast %scan3A_231 : i32 to index
        %swap3A_356 = arith.constant 48 : index
        %swap3A_357 = tpu.vector_load %arg12[%swap3A_355, %swap3A_356] {strides = array<i32>} : memref<80x128xf32, #tpu.memory_space<vmem>>, vector<1x16xf32>,
        %swap3A_358 = vector.shape_cast %swap3A_357 : vector<1x16xf32> to vector<16xf32>
        %swap3A_359 = vector.shape_cast %div3A_354 : vector<16xf32> to vector<1x16xf32>
        tpu.vector_store %arg12[%swap3A_355, %swap3A_356], %swap3A_359 {strides = array<i32>} : memref<80x128xf32, #tpu.memory_space<vmem>>, vector<1x16xf32>,
        %get3A_360 = arith.index_cast %scan3A_231 : i32 to index
        %get3A_361 = arith.constant 64 : index
        %get3A_362 = tpu.vector_load %arg12[%get3A_360, %get3A_361] {strides = array<i32>} : memref<80x128xf32, #tpu.memory_space<vmem>>, vector<1x16xf32>,
        %get3A_363 = vector.shape_cast %get3A_362 : vector<1x16xf32> to vector<16xf32>
        %get3A_364 = arith.index_cast %scan3A_231 : i32 to index
        %get3A_365 = arith.constant 64 : index
        %get3A_366 = tpu.vector_load %arg13[%get3A_364, %get3A_365] {strides = array<i32>} : memref<80x128xf32, #tpu.memory_space<vmem>>, vector<1x16xf32>,
        %get3A_367 = vector.shape_cast %get3A_366 : vector<1x16xf32> to vector<16xf32>
        %add3A_368 = arith.addf %get3A_363, %get3A_367 : vector<16xf32>
        %get3A_369 = arith.index_cast %scan3A_231 : i32 to index
        %get3A_370 = arith.constant 64 : index
        %get3A_371 = tpu.vector_load %arg14[%get3A_369, %get3A_370] {strides = array<i32>} : memref<80x128xf32, #tpu.memory_space<vmem>>, vector<1x16xf32>,
        %get3A_372 = vector.shape_cast %get3A_371 : vector<1x16xf32> to vector<16xf32>
        %add3A_373 = arith.addf %add3A_368, %get3A_372 : vector<16xf32>
        %mul3A_374 = arith.mulf %add3A_373, %add3A_373 : vector<16xf32>
        %mul3A_375 = arith.mulf %mul3A_374, %add3A_373 : vector<16xf32>
        %mul3A_376 = arith.constant 4.471500e-02 : f32
        %mul3A_377 = vector.broadcast %mul3A_376 : f32 to vector<16xf32>
        %mul3A_378 = arith.mulf %mul3A_377, %mul3A_375 : vector<16xf32>
        %add3A_379 = arith.addf %add3A_373, %mul3A_378 : vector<16xf32>
        %mul3A_380 = arith.constant -1.59576917 : f32
        %mul3A_381 = vector.broadcast %mul3A_380 : f32 to vector<16xf32>
        %mul3A_382 = arith.mulf %mul3A_381, %add3A_379 : vector<16xf32>
        %exp3A_383 = math.exp %mul3A_382 : vector<16xf32>
        %add3A_384 = arith.constant 1.000000e+00 : f32
        %add3A_385 = vector.broadcast %add3A_384 : f32 to vector<16xf32>
        %add3A_386 = arith.addf %add3A_385, %exp3A_383 : vector<16xf32>
        %div3A_387 = arith.divf %add3A_373, %add3A_386 : vector<16xf32>
        %swap3A_388 = arith.index_cast %scan3A_231 : i32 to index
        %swap3A_389 = arith.constant 64 : index
        %swap3A_390 = tpu.vector_load %arg12[%swap3A_388, %swap3A_389] {strides = array<i32>} : memref<80x128xf32, #tpu.memory_space<vmem>>, vector<1x16xf32>,
        %swap3A_391 = vector.shape_cast %swap3A_390 : vector<1x16xf32> to vector<16xf32>
        %swap3A_392 = vector.shape_cast %div3A_387 : vector<16xf32> to vector<1x16xf32>
        tpu.vector_store %arg12[%swap3A_388, %swap3A_389], %swap3A_392 {strides = array<i32>} : memref<80x128xf32, #tpu.memory_space<vmem>>, vector<1x16xf32>,
        %get3A_393 = arith.index_cast %scan3A_231 : i32 to index
        %get3A_394 = arith.constant 80 : index
        %get3A_395 = tpu.vector_load %arg12[%get3A_393, %get3A_394] {strides = array<i32>} : memref<80x128xf32, #tpu.memory_space<vmem>>, vector<1x16xf32>,
        %get3A_396 = vector.shape_cast %get3A_395 : vector<1x16xf32> to vector<16xf32>
        %get3A_397 = arith.index_cast %scan3A_231 : i32 to index
        %get3A_398 = arith.constant 80 : index
        %get3A_399 = tpu.vector_load %arg13[%get3A_397, %get3A_398] {strides = array<i32>} : memref<80x128xf32, #tpu.memory_space<vmem>>, vector<1x16xf32>,
        %get3A_400 = vector.shape_cast %get3A_399 : vector<1x16xf32> to vector<16xf32>
        %add3A_401 = arith.addf %get3A_396, %get3A_400 : vector<16xf32>
        %get3A_402 = arith.index_cast %scan3A_231 : i32 to index
        %get3A_403 = arith.constant 80 : index
        %get3A_404 = tpu.vector_load %arg14[%get3A_402, %get3A_403] {strides = array<i32>} : memref<80x128xf32, #tpu.memory_space<vmem>>, vector<1x16xf32>,
        %get3A_405 = vector.shape_cast %get3A_404 : vector<1x16xf32> to vector<16xf32>
        %add3A_406 = arith.addf %add3A_401, %get3A_405 : vector<16xf32>
        %mul3A_407 = arith.mulf %add3A_406, %add3A_406 : vector<16xf32>
        %mul3A_408 = arith.mulf %mul3A_407, %add3A_406 : vector<16xf32>
        %mul3A_409 = arith.constant 4.471500e-02 : f32
        %mul3A_410 = vector.broadcast %mul3A_409 : f32 to vector<16xf32>
        %mul3A_411 = arith.mulf %mul3A_410, %mul3A_408 : vector<16xf32>
        %add3A_412 = arith.addf %add3A_406, %mul3A_411 : vector<16xf32>
        %mul3A_413 = arith.constant -1.59576917 : f32
        %mul3A_414 = vector.broadcast %mul3A_413 : f32 to vector<16xf32>
        %mul3A_415 = arith.mulf %mul3A_414, %add3A_412 : vector<16xf32>
        %exp3A_416 = math.exp %mul3A_415 : vector<16xf32>
        %add3A_417 = arith.constant 1.000000e+00 : f32
        %add3A_418 = vector.broadcast %add3A_417 : f32 to vector<16xf32>
        %add3A_419 = arith.addf %add3A_418, %exp3A_416 : vector<16xf32>
        %div3A_420 = arith.divf %add3A_406, %add3A_419 : vector<16xf32>
        %swap3A_421 = arith.index_cast %scan3A_231 : i32 to index
        %swap3A_422 = arith.constant 80 : index
        %swap3A_423 = tpu.vector_load %arg12[%swap3A_421, %swap3A_422] {strides = array<i32>} : memref<80x128xf32, #tpu.memory_space<vmem>>, vector<1x16xf32>,
        %swap3A_424 = vector.shape_cast %swap3A_423 : vector<1x16xf32> to vector<16xf32>
        %swap3A_425 = vector.shape_cast %div3A_420 : vector<16xf32> to vector<1x16xf32>
        tpu.vector_store %arg12[%swap3A_421, %swap3A_422], %swap3A_425 {strides = array<i32>} : memref<80x128xf32, #tpu.memory_space<vmem>>, vector<1x16xf32>,
        %get3A_426 = arith.index_cast %scan3A_231 : i32 to index
        %get3A_427 = arith.constant 96 : index
        %get3A_428 = tpu.vector_load %arg12[%get3A_426, %get3A_427] {strides = array<i32>} : memref<80x128xf32, #tpu.memory_space<vmem>>, vector<1x16xf32>,
        %get3A_429 = vector.shape_cast %get3A_428 : vector<1x16xf32> to vector<16xf32>
        %get3A_430 = arith.index_cast %scan3A_231 : i32 to index
        %get3A_431 = arith.constant 96 : index
        %get3A_432 = tpu.vector_load %arg13[%get3A_430, %get3A_431] {strides = array<i32>} : memref<80x128xf32, #tpu.memory_space<vmem>>, vector<1x16xf32>,
        %get3A_433 = vector.shape_cast %get3A_432 : vector<1x16xf32> to vector<16xf32>
        %add3A_434 = arith.addf %get3A_429, %get3A_433 : vector<16xf32>
        %get3A_435 = arith.index_cast %scan3A_231 : i32 to index
        %get3A_436 = arith.constant 96 : index
        %get3A_437 = tpu.vector_load %arg14[%get3A_435, %get3A_436] {strides = array<i32>} : memref<80x128xf32, #tpu.memory_space<vmem>>, vector<1x16xf32>,
        %get3A_438 = vector.shape_cast %get3A_437 : vector<1x16xf32> to vector<16xf32>
        %add3A_439 = arith.addf %add3A_434, %get3A_438 : vector<16xf32>
        %mul3A_440 = arith.mulf %add3A_439, %add3A_439 : vector<16xf32>
        %mul3A_441 = arith.mulf %mul3A_440, %add3A_439 : vector<16xf32>
        %mul3A_442 = arith.constant 4.471500e-02 : f32
        %mul3A_443 = vector.broadcast %mul3A_442 : f32 to vector<16xf32>
        %mul3A_444 = arith.mulf %mul3A_443, %mul3A_441 : vector<16xf32>
        %add3A_445 = arith.addf %add3A_439, %mul3A_444 : vector<16xf32>
        %mul3A_446 = arith.constant -1.59576917 : f32
        %mul3A_447 = vector.broadcast %mul3A_446 : f32 to vector<16xf32>
        %mul3A_448 = arith.mulf %mul3A_447, %add3A_445 : vector<16xf32>
        %exp3A_449 = math.exp %mul3A_448 : vector<16xf32>
        %add3A_450 = arith.constant 1.000000e+00 : f32
        %add3A_451 = vector.broadcast %add3A_450 : f32 to vector<16xf32>
        %add3A_452 = arith.addf %add3A_451, %exp3A_449 : vector<16xf32>
        %div3A_453 = arith.divf %add3A_439, %add3A_452 : vector<16xf32>
        %swap3A_454 = arith.index_cast %scan3A_231 : i32 to index
        %swap3A_455 = arith.constant 96 : index
        %swap3A_456 = tpu.vector_load %arg12[%swap3A_454, %swap3A_455] {strides = array<i32>} : memref<80x128xf32, #tpu.memory_space<vmem>>, vector<1x16xf32>,
        %swap3A_457 = vector.shape_cast %swap3A_456 : vector<1x16xf32> to vector<16xf32>
        %swap3A_458 = vector.shape_cast %div3A_453 : vector<16xf32> to vector<1x16xf32>
        tpu.vector_store %arg12[%swap3A_454, %swap3A_455], %swap3A_458 {strides = array<i32>} : memref<80x128xf32, #tpu.memory_space<vmem>>, vector<1x16xf32>,
        %get3A_459 = arith.index_cast %scan3A_231 : i32 to index
        %get3A_460 = arith.constant 112 : index
        %get3A_461 = tpu.vector_load %arg12[%get3A_459, %get3A_460] {strides = array<i32>} : memref<80x128xf32, #tpu.memory_space<vmem>>, vector<1x16xf32>,
        %get3A_462 = vector.shape_cast %get3A_461 : vector<1x16xf32> to vector<16xf32>
        %get3A_463 = arith.index_cast %scan3A_231 : i32 to index
        %get3A_464 = arith.constant 112 : index
        %get3A_465 = tpu.vector_load %arg13[%get3A_463, %get3A_464] {strides = array<i32>} : memref<80x128xf32, #tpu.memory_space<vmem>>, vector<1x16xf32>,
        %get3A_466 = vector.shape_cast %get3A_465 : vector<1x16xf32> to vector<16xf32>
        %add3A_467 = arith.addf %get3A_462, %get3A_466 : vector<16xf32>
        %get3A_468 = arith.index_cast %scan3A_231 : i32 to index
        %get3A_469 = arith.constant 112 : index
        %get3A_470 = tpu.vector_load %arg14[%get3A_468, %get3A_469] {strides = array<i32>} : memref<80x128xf32, #tpu.memory_space<vmem>>, vector<1x16xf32>,
        %get3A_471 = vector.shape_cast %get3A_470 : vector<1x16xf32> to vector<16xf32>
        %add3A_472 = arith.addf %add3A_467, %get3A_471 : vector<16xf32>
        %mul3A_473 = arith.mulf %add3A_472, %add3A_472 : vector<16xf32>
        %mul3A_474 = arith.mulf %mul3A_473, %add3A_472 : vector<16xf32>
        %mul3A_475 = arith.constant 4.471500e-02 : f32
        %mul3A_476 = vector.broadcast %mul3A_475 : f32 to vector<16xf32>
        %mul3A_477 = arith.mulf %mul3A_476, %mul3A_474 : vector<16xf32>
        %add3A_478 = arith.addf %add3A_472, %mul3A_477 : vector<16xf32>
        %mul3A_479 = arith.constant -1.59576917 : f32
        %mul3A_480 = vector.broadcast %mul3A_479 : f32 to vector<16xf32>
        %mul3A_481 = arith.mulf %mul3A_480, %add3A_478 : vector<16xf32>
        %exp3A_482 = math.exp %mul3A_481 : vector<16xf32>
        %add3A_483 = arith.constant 1.000000e+00 : f32
        %add3A_484 = vector.broadcast %add3A_483 : f32 to vector<16xf32>
        %add3A_485 = arith.addf %add3A_484, %exp3A_482 : vector<16xf32>
        %div3A_486 = arith.divf %add3A_472, %add3A_485 : vector<16xf32>
        %swap3A_487 = arith.index_cast %scan3A_231 : i32 to index
        %swap3A_488 = arith.constant 112 : index
        %swap3A_489 = tpu.vector_load %arg12[%swap3A_487, %swap3A_488] {strides = array<i32>} : memref<80x128xf32, #tpu.memory_space<vmem>>, vector<1x16xf32>,
        %swap3A_490 = vector.shape_cast %swap3A_489 : vector<1x16xf32> to vector<16xf32>
        %swap3A_491 = vector.shape_cast %div3A_486 : vector<16xf32> to vector<1x16xf32>
        tpu.vector_store %arg12[%swap3A_487, %swap3A_488], %swap3A_491 {strides = array<i32>} : memref<80x128xf32, #tpu.memory_space<vmem>>, vector<1x16xf32>,
      }
      %scan3A_156 = arith.constant 48 : i32
      %dma_start3A_157 = arith.constant 0 : i32
      %dma_start3A_158 = arith.constant 0 : i32
      %dma_start3A_159 = tpu.memref_slice %arg12[%dma_start3A_157, %dma_start3A_158] : memref<80x128xf32, #tpu.memory_space<vmem>> -> memref<48x128xf32, #tpu.memory_space<vmem>>
      %dma_start3A_160 = arith.constant 0 : i32
      %dma_start3A_161 = arith.constant 0 : i32
      %dma_start3A_162 = tpu.memref_slice %arg15[%dma_start3A_160, %dma_start3A_161] : memref<10240x128xf32, #tpu.memory_space<vmem_shared>> -> memref<10240x128xf32, #tpu.memory_space<vmem_shared>>
      tpu.enqueue_indirect_dma source(%dma_start3A_159 : memref<48x128xf32, #tpu.memory_space<vmem>>) target(%dma_start3A_162 : memref<10240x128xf32, #tpu.memory_space<vmem_shared>>) offsets(%arg9 : memref<48xi32, #tpu.memory_space<vmem>>) semaphore(%arg19 : memref<!tpu.dma_semaphore, #tpu.memory_space<semaphore_mem>>) {add = true}
      %dma_wait3A_163 = arith.constant 48 : i32
      %dma_wait3A_164 = arith.constant 0 : i32
      %dma_wait3A_165 = tpu.memref_slice %arg12[%dma_wait3A_163, %dma_wait3A_164] : memref<80x128xf32, #tpu.memory_space<vmem>> -> memref<32x128xf32, #tpu.memory_space<vmem>>
      %dma_wait3A_166 = arith.constant 0 : i32
      %dma_wait3A_167 = arith.constant 0 : i32
      %dma_wait3A_168 = tpu.memref_slice %arg2[%dma_wait3A_166, %dma_wait3A_167] : memref<10000x128xf32, #tpu.memory_space<hbm>> -> memref<10000x128xf32, #tpu.memory_space<hbm>>
      tpu.wait_indirect_dma semaphore(%arg17 : memref<!tpu.dma_semaphore, #tpu.memory_space<semaphore_mem>>) src(%dma_wait3A_168 : memref<10000x128xf32, #tpu.memory_space<hbm>>) dst(%dma_wait3A_165 : memref<32x128xf32, #tpu.memory_space<vmem>>)
      %dma_wait3A_169 = arith.constant 48 : i32
      %dma_wait3A_170 = arith.constant 0 : i32
      %dma_wait3A_171 = tpu.memref_slice %arg13[%dma_wait3A_169, %dma_wait3A_170] : memref<80x128xf32, #tpu.memory_space<vmem>> -> memref<32x128xf32, #tpu.memory_space<vmem>>
      %dma_wait3A_172 = arith.constant 0 : i32
      %dma_wait3A_173 = arith.constant 0 : i32
      %dma_wait3A_174 = tpu.memref_slice %arg3[%dma_wait3A_172, %dma_wait3A_173] : memref<10000x128xf32, #tpu.memory_space<hbm>> -> memref<10000x128xf32, #tpu.memory_space<hbm>>
      tpu.wait_indirect_dma semaphore(%arg17 : memref<!tpu.dma_semaphore, #tpu.memory_space<semaphore_mem>>) src(%dma_wait3A_174 : memref<10000x128xf32, #tpu.memory_space<hbm>>) dst(%dma_wait3A_171 : memref<32x128xf32, #tpu.memory_space<vmem>>)
      %scan3A_175 = arith.constant 0 : i32
      %scan3A_176 = arith.constant 48 : i32
      %scan3A_177 = arith.constant 32 : i32
      %scan3A_178 = arith.addi %scan3A_176, %scan3A_177 : i32
      %scan3A_179 = arith.constant 1 : i32
      scf.for %scan3A_231 = %scan3A_176 to %scan3A_178 step %scan3A_179  : i32 {
        %get3A = arith.index_cast %scan3A_231 : i32 to index
        %get3A_232 = arith.constant 0 : index
        %get3A_233 = tpu.vector_load %arg12[%get3A, %get3A_232] {strides = array<i32>} : memref<80x128xf32, #tpu.memory_space<vmem>>, vector<1x16xf32>,
        %get3A_234 = vector.shape_cast %get3A_233 : vector<1x16xf32> to vector<16xf32>
        %get3A_235 = arith.index_cast %scan3A_231 : i32 to index
        %get3A_236 = arith.constant 0 : index
        %get3A_237 = tpu.vector_load %arg13[%get3A_235, %get3A_236] {strides = array<i32>} : memref<80x128xf32, #tpu.memory_space<vmem>>, vector<1x16xf32>,
        %get3A_238 = vector.shape_cast %get3A_237 : vector<1x16xf32> to vector<16xf32>
        %add3A_239 = arith.addf %get3A_234, %get3A_238 : vector<16xf32>
        %get3A_240 = arith.index_cast %scan3A_231 : i32 to index
        %get3A_241 = arith.constant 0 : index
        %get3A_242 = tpu.vector_load %arg14[%get3A_240, %get3A_241] {strides = array<i32>} : memref<80x128xf32, #tpu.memory_space<vmem>>, vector<1x16xf32>,
        %get3A_243 = vector.shape_cast %get3A_242 : vector<1x16xf32> to vector<16xf32>
        %add3A_244 = arith.addf %add3A_239, %get3A_243 : vector<16xf32>
        %mul3A_245 = arith.mulf %add3A_244, %add3A_244 : vector<16xf32>
        %mul3A_246 = arith.mulf %mul3A_245, %add3A_244 : vector<16xf32>
        %mul3A_247 = arith.constant 4.471500e-02 : f32
        %mul3A_248 = vector.broadcast %mul3A_247 : f32 to vector<16xf32>
        %mul3A_249 = arith.mulf %mul3A_248, %mul3A_246 : vector<16xf32>
        %add3A_250 = arith.addf %add3A_244, %mul3A_249 : vector<16xf32>
        %mul3A_251 = arith.constant -1.59576917 : f32
        %mul3A_252 = vector.broadcast %mul3A_251 : f32 to vector<16xf32>
        %mul3A_253 = arith.mulf %mul3A_252, %add3A_250 : vector<16xf32>
        %exp3A = math.exp %mul3A_253 : vector<16xf32>
        %add3A_254 = arith.constant 1.000000e+00 : f32
        %add3A_255 = vector.broadcast %add3A_254 : f32 to vector<16xf32>
        %add3A_256 = arith.addf %add3A_255, %exp3A : vector<16xf32>
        %div3A = arith.divf %add3A_244, %add3A_256 : vector<16xf32>
        %swap3A = arith.index_cast %scan3A_231 : i32 to index
        %swap3A_257 = arith.constant 0 : index
        %swap3A_258 = tpu.vector_load %arg12[%swap3A, %swap3A_257] {strides = array<i32>} : memref<80x128xf32, #tpu.memory_space<vmem>>, vector<1x16xf32>,
        %swap3A_259 = vector.shape_cast %swap3A_258 : vector<1x16xf32> to vector<16xf32>
        %swap3A_260 = vector.shape_cast %div3A : vector<16xf32> to vector<1x16xf32>
        tpu.vector_store %arg12[%swap3A, %swap3A_257], %swap3A_260 {strides = array<i32>} : memref<80x128xf32, #tpu.memory_space<vmem>>, vector<1x16xf32>,
        %get3A_261 = arith.index_cast %scan3A_231 : i32 to index
        %get3A_262 = arith.constant 16 : index
        %get3A_263 = tpu.vector_load %arg12[%get3A_261, %get3A_262] {strides = array<i32>} : memref<80x128xf32, #tpu.memory_space<vmem>>, vector<1x16xf32>,
        %get3A_264 = vector.shape_cast %get3A_263 : vector<1x16xf32> to vector<16xf32>
        %get3A_265 = arith.index_cast %scan3A_231 : i32 to index
        %get3A_266 = arith.constant 16 : index
        %get3A_267 = tpu.vector_load %arg13[%get3A_265, %get3A_266] {strides = array<i32>} : memref<80x128xf32, #tpu.memory_space<vmem>>, vector<1x16xf32>,
        %get3A_268 = vector.shape_cast %get3A_267 : vector<1x16xf32> to vector<16xf32>
        %add3A_269 = arith.addf %get3A_264, %get3A_268 : vector<16xf32>
        %get3A_270 = arith.index_cast %scan3A_231 : i32 to index
        %get3A_271 = arith.constant 16 : index
        %get3A_272 = tpu.vector_load %arg14[%get3A_270, %get3A_271] {strides = array<i32>} : memref<80x128xf32, #tpu.memory_space<vmem>>, vector<1x16xf32>,
        %get3A_273 = vector.shape_cast %get3A_272 : vector<1x16xf32> to vector<16xf32>
        %add3A_274 = arith.addf %add3A_269, %get3A_273 : vector<16xf32>
        %mul3A_275 = arith.mulf %add3A_274, %add3A_274 : vector<16xf32>
        %mul3A_276 = arith.mulf %mul3A_275, %add3A_274 : vector<16xf32>
        %mul3A_277 = arith.constant 4.471500e-02 : f32
        %mul3A_278 = vector.broadcast %mul3A_277 : f32 to vector<16xf32>
        %mul3A_279 = arith.mulf %mul3A_278, %mul3A_276 : vector<16xf32>
        %add3A_280 = arith.addf %add3A_274, %mul3A_279 : vector<16xf32>
        %mul3A_281 = arith.constant -1.59576917 : f32
        %mul3A_282 = vector.broadcast %mul3A_281 : f32 to vector<16xf32>
        %mul3A_283 = arith.mulf %mul3A_282, %add3A_280 : vector<16xf32>
        %exp3A_284 = math.exp %mul3A_283 : vector<16xf32>
        %add3A_285 = arith.constant 1.000000e+00 : f32
        %add3A_286 = vector.broadcast %add3A_285 : f32 to vector<16xf32>
        %add3A_287 = arith.addf %add3A_286, %exp3A_284 : vector<16xf32>
        %div3A_288 = arith.divf %add3A_274, %add3A_287 : vector<16xf32>
        %swap3A_289 = arith.index_cast %scan3A_231 : i32 to index
        %swap3A_290 = arith.constant 16 : index
        %swap3A_291 = tpu.vector_load %arg12[%swap3A_289, %swap3A_290] {strides = array<i32>} : memref<80x128xf32, #tpu.memory_space<vmem>>, vector<1x16xf32>,
        %swap3A_292 = vector.shape_cast %swap3A_291 : vector<1x16xf32> to vector<16xf32>
        %swap3A_293 = vector.shape_cast %div3A_288 : vector<16xf32> to vector<1x16xf32>
        tpu.vector_store %arg12[%swap3A_289, %swap3A_290], %swap3A_293 {strides = array<i32>} : memref<80x128xf32, #tpu.memory_space<vmem>>, vector<1x16xf32>,
        %get3A_294 = arith.index_cast %scan3A_231 : i32 to index
        %get3A_295 = arith.constant 32 : index
        %get3A_296 = tpu.vector_load %arg12[%get3A_294, %get3A_295] {strides = array<i32>} : memref<80x128xf32, #tpu.memory_space<vmem>>, vector<1x16xf32>,
        %get3A_297 = vector.shape_cast %get3A_296 : vector<1x16xf32> to vector<16xf32>
        %get3A_298 = arith.index_cast %scan3A_231 : i32 to index
        %get3A_299 = arith.constant 32 : index
        %get3A_300 = tpu.vector_load %arg13[%get3A_298, %get3A_299] {strides = array<i32>} : memref<80x128xf32, #tpu.memory_space<vmem>>, vector<1x16xf32>,
        %get3A_301 = vector.shape_cast %get3A_300 : vector<1x16xf32> to vector<16xf32>
        %add3A_302 = arith.addf %get3A_297, %get3A_301 : vector<16xf32>
        %get3A_303 = arith.index_cast %scan3A_231 : i32 to index
        %get3A_304 = arith.constant 32 : index
        %get3A_305 = tpu.vector_load %arg14[%get3A_303, %get3A_304] {strides = array<i32>} : memref<80x128xf32, #tpu.memory_space<vmem>>, vector<1x16xf32>,
        %get3A_306 = vector.shape_cast %get3A_305 : vector<1x16xf32> to vector<16xf32>
        %add3A_307 = arith.addf %add3A_302, %get3A_306 : vector<16xf32>
        %mul3A_308 = arith.mulf %add3A_307, %add3A_307 : vector<16xf32>
        %mul3A_309 = arith.mulf %mul3A_308, %add3A_307 : vector<16xf32>
        %mul3A_310 = arith.constant 4.471500e-02 : f32
        %mul3A_311 = vector.broadcast %mul3A_310 : f32 to vector<16xf32>
        %mul3A_312 = arith.mulf %mul3A_311, %mul3A_309 : vector<16xf32>
        %add3A_313 = arith.addf %add3A_307, %mul3A_312 : vector<16xf32>
        %mul3A_314 = arith.constant -1.59576917 : f32
        %mul3A_315 = vector.broadcast %mul3A_314 : f32 to vector<16xf32>
        %mul3A_316 = arith.mulf %mul3A_315, %add3A_313 : vector<16xf32>
        %exp3A_317 = math.exp %mul3A_316 : vector<16xf32>
        %add3A_318 = arith.constant 1.000000e+00 : f32
        %add3A_319 = vector.broadcast %add3A_318 : f32 to vector<16xf32>
        %add3A_320 = arith.addf %add3A_319, %exp3A_317 : vector<16xf32>
        %div3A_321 = arith.divf %add3A_307, %add3A_320 : vector<16xf32>
        %swap3A_322 = arith.index_cast %scan3A_231 : i32 to index
        %swap3A_323 = arith.constant 32 : index
        %swap3A_324 = tpu.vector_load %arg12[%swap3A_322, %swap3A_323] {strides = array<i32>} : memref<80x128xf32, #tpu.memory_space<vmem>>, vector<1x16xf32>,
        %swap3A_325 = vector.shape_cast %swap3A_324 : vector<1x16xf32> to vector<16xf32>
        %swap3A_326 = vector.shape_cast %div3A_321 : vector<16xf32> to vector<1x16xf32>
        tpu.vector_store %arg12[%swap3A_322, %swap3A_323], %swap3A_326 {strides = array<i32>} : memref<80x128xf32, #tpu.memory_space<vmem>>, vector<1x16xf32>,
        %get3A_327 = arith.index_cast %scan3A_231 : i32 to index
        %get3A_328 = arith.constant 48 : index
        %get3A_329 = tpu.vector_load %arg12[%get3A_327, %get3A_328] {strides = array<i32>} : memref<80x128xf32, #tpu.memory_space<vmem>>, vector<1x16xf32>,
        %get3A_330 = vector.shape_cast %get3A_329 : vector<1x16xf32> to vector<16xf32>
        %get3A_331 = arith.index_cast %scan3A_231 : i32 to index
        %get3A_332 = arith.constant 48 : index
        %get3A_333 = tpu.vector_load %arg13[%get3A_331, %get3A_332] {strides = array<i32>} : memref<80x128xf32, #tpu.memory_space<vmem>>, vector<1x16xf32>,
        %get3A_334 = vector.shape_cast %get3A_333 : vector<1x16xf32> to vector<16xf32>
        %add3A_335 = arith.addf %get3A_330, %get3A_334 : vector<16xf32>
        %get3A_336 = arith.index_cast %scan3A_231 : i32 to index
        %get3A_337 = arith.constant 48 : index
        %get3A_338 = tpu.vector_load %arg14[%get3A_336, %get3A_337] {strides = array<i32>} : memref<80x128xf32, #tpu.memory_space<vmem>>, vector<1x16xf32>,
        %get3A_339 = vector.shape_cast %get3A_338 : vector<1x16xf32> to vector<16xf32>
        %add3A_340 = arith.addf %add3A_335, %get3A_339 : vector<16xf32>
        %mul3A_341 = arith.mulf %add3A_340, %add3A_340 : vector<16xf32>
        %mul3A_342 = arith.mulf %mul3A_341, %add3A_340 : vector<16xf32>
        %mul3A_343 = arith.constant 4.471500e-02 : f32
        %mul3A_344 = vector.broadcast %mul3A_343 : f32 to vector<16xf32>
        %mul3A_345 = arith.mulf %mul3A_344, %mul3A_342 : vector<16xf32>
        %add3A_346 = arith.addf %add3A_340, %mul3A_345 : vector<16xf32>
        %mul3A_347 = arith.constant -1.59576917 : f32
        %mul3A_348 = vector.broadcast %mul3A_347 : f32 to vector<16xf32>
        %mul3A_349 = arith.mulf %mul3A_348, %add3A_346 : vector<16xf32>
        %exp3A_350 = math.exp %mul3A_349 : vector<16xf32>
        %add3A_351 = arith.constant 1.000000e+00 : f32
        %add3A_352 = vector.broadcast %add3A_351 : f32 to vector<16xf32>
        %add3A_353 = arith.addf %add3A_352, %exp3A_350 : vector<16xf32>
        %div3A_354 = arith.divf %add3A_340, %add3A_353 : vector<16xf32>
        %swap3A_355 = arith.index_cast %scan3A_231 : i32 to index
        %swap3A_356 = arith.constant 48 : index
        %swap3A_357 = tpu.vector_load %arg12[%swap3A_355, %swap3A_356] {strides = array<i32>} : memref<80x128xf32, #tpu.memory_space<vmem>>, vector<1x16xf32>,
        %swap3A_358 = vector.shape_cast %swap3A_357 : vector<1x16xf32> to vector<16xf32>
        %swap3A_359 = vector.shape_cast %div3A_354 : vector<16xf32> to vector<1x16xf32>
        tpu.vector_store %arg12[%swap3A_355, %swap3A_356], %swap3A_359 {strides = array<i32>} : memref<80x128xf32, #tpu.memory_space<vmem>>, vector<1x16xf32>,
        %get3A_360 = arith.index_cast %scan3A_231 : i32 to index
        %get3A_361 = arith.constant 64 : index
        %get3A_362 = tpu.vector_load %arg12[%get3A_360, %get3A_361] {strides = array<i32>} : memref<80x128xf32, #tpu.memory_space<vmem>>, vector<1x16xf32>,
        %get3A_363 = vector.shape_cast %get3A_362 : vector<1x16xf32> to vector<16xf32>
        %get3A_364 = arith.index_cast %scan3A_231 : i32 to index
        %get3A_365 = arith.constant 64 : index
        %get3A_366 = tpu.vector_load %arg13[%get3A_364, %get3A_365] {strides = array<i32>} : memref<80x128xf32, #tpu.memory_space<vmem>>, vector<1x16xf32>,
        %get3A_367 = vector.shape_cast %get3A_366 : vector<1x16xf32> to vector<16xf32>
        %add3A_368 = arith.addf %get3A_363, %get3A_367 : vector<16xf32>
        %get3A_369 = arith.index_cast %scan3A_231 : i32 to index
        %get3A_370 = arith.constant 64 : index
        %get3A_371 = tpu.vector_load %arg14[%get3A_369, %get3A_370] {strides = array<i32>} : memref<80x128xf32, #tpu.memory_space<vmem>>, vector<1x16xf32>,
        %get3A_372 = vector.shape_cast %get3A_371 : vector<1x16xf32> to vector<16xf32>
        %add3A_373 = arith.addf %add3A_368, %get3A_372 : vector<16xf32>
        %mul3A_374 = arith.mulf %add3A_373, %add3A_373 : vector<16xf32>
        %mul3A_375 = arith.mulf %mul3A_374, %add3A_373 : vector<16xf32>
        %mul3A_376 = arith.constant 4.471500e-02 : f32
        %mul3A_377 = vector.broadcast %mul3A_376 : f32 to vector<16xf32>
        %mul3A_378 = arith.mulf %mul3A_377, %mul3A_375 : vector<16xf32>
        %add3A_379 = arith.addf %add3A_373, %mul3A_378 : vector<16xf32>
        %mul3A_380 = arith.constant -1.59576917 : f32
        %mul3A_381 = vector.broadcast %mul3A_380 : f32 to vector<16xf32>
        %mul3A_382 = arith.mulf %mul3A_381, %add3A_379 : vector<16xf32>
        %exp3A_383 = math.exp %mul3A_382 : vector<16xf32>
        %add3A_384 = arith.constant 1.000000e+00 : f32
        %add3A_385 = vector.broadcast %add3A_384 : f32 to vector<16xf32>
        %add3A_386 = arith.addf %add3A_385, %exp3A_383 : vector<16xf32>
        %div3A_387 = arith.divf %add3A_373, %add3A_386 : vector<16xf32>
        %swap3A_388 = arith.index_cast %scan3A_231 : i32 to index
        %swap3A_389 = arith.constant 64 : index
        %swap3A_390 = tpu.vector_load %arg12[%swap3A_388, %swap3A_389] {strides = array<i32>} : memref<80x128xf32, #tpu.memory_space<vmem>>, vector<1x16xf32>,
        %swap3A_391 = vector.shape_cast %swap3A_390 : vector<1x16xf32> to vector<16xf32>
        %swap3A_392 = vector.shape_cast %div3A_387 : vector<16xf32> to vector<1x16xf32>
        tpu.vector_store %arg12[%swap3A_388, %swap3A_389], %swap3A_392 {strides = array<i32>} : memref<80x128xf32, #tpu.memory_space<vmem>>, vector<1x16xf32>,
        %get3A_393 = arith.index_cast %scan3A_231 : i32 to index
        %get3A_394 = arith.constant 80 : index
        %get3A_395 = tpu.vector_load %arg12[%get3A_393, %get3A_394] {strides = array<i32>} : memref<80x128xf32, #tpu.memory_space<vmem>>, vector<1x16xf32>,
        %get3A_396 = vector.shape_cast %get3A_395 : vector<1x16xf32> to vector<16xf32>
        %get3A_397 = arith.index_cast %scan3A_231 : i32 to index
        %get3A_398 = arith.constant 80 : index
        %get3A_399 = tpu.vector_load %arg13[%get3A_397, %get3A_398] {strides = array<i32>} : memref<80x128xf32, #tpu.memory_space<vmem>>, vector<1x16xf32>,
        %get3A_400 = vector.shape_cast %get3A_399 : vector<1x16xf32> to vector<16xf32>
        %add3A_401 = arith.addf %get3A_396, %get3A_400 : vector<16xf32>
        %get3A_402 = arith.index_cast %scan3A_231 : i32 to index
        %get3A_403 = arith.constant 80 : index
        %get3A_404 = tpu.vector_load %arg14[%get3A_402, %get3A_403] {strides = array<i32>} : memref<80x128xf32, #tpu.memory_space<vmem>>, vector<1x16xf32>,
        %get3A_405 = vector.shape_cast %get3A_404 : vector<1x16xf32> to vector<16xf32>
        %add3A_406 = arith.addf %add3A_401, %get3A_405 : vector<16xf32>
        %mul3A_407 = arith.mulf %add3A_406, %add3A_406 : vector<16xf32>
        %mul3A_408 = arith.mulf %mul3A_407, %add3A_406 : vector<16xf32>
        %mul3A_409 = arith.constant 4.471500e-02 : f32
        %mul3A_410 = vector.broadcast %mul3A_409 : f32 to vector<16xf32>
        %mul3A_411 = arith.mulf %mul3A_410, %mul3A_408 : vector<16xf32>
        %add3A_412 = arith.addf %add3A_406, %mul3A_411 : vector<16xf32>
        %mul3A_413 = arith.constant -1.59576917 : f32
        %mul3A_414 = vector.broadcast %mul3A_413 : f32 to vector<16xf32>
        %mul3A_415 = arith.mulf %mul3A_414, %add3A_412 : vector<16xf32>
        %exp3A_416 = math.exp %mul3A_415 : vector<16xf32>
        %add3A_417 = arith.constant 1.000000e+00 : f32
        %add3A_418 = vector.broadcast %add3A_417 : f32 to vector<16xf32>
        %add3A_419 = arith.addf %add3A_418, %exp3A_416 : vector<16xf32>
        %div3A_420 = arith.divf %add3A_406, %add3A_419 : vector<16xf32>
        %swap3A_421 = arith.index_cast %scan3A_231 : i32 to index
        %swap3A_422 = arith.constant 80 : index
        %swap3A_423 = tpu.vector_load %arg12[%swap3A_421, %swap3A_422] {strides = array<i32>} : memref<80x128xf32, #tpu.memory_space<vmem>>, vector<1x16xf32>,
        %swap3A_424 = vector.shape_cast %swap3A_423 : vector<1x16xf32> to vector<16xf32>
        %swap3A_425 = vector.shape_cast %div3A_420 : vector<16xf32> to vector<1x16xf32>
        tpu.vector_store %arg12[%swap3A_421, %swap3A_422], %swap3A_425 {strides = array<i32>} : memref<80x128xf32, #tpu.memory_space<vmem>>, vector<1x16xf32>,
        %get3A_426 = arith.index_cast %scan3A_231 : i32 to index
        %get3A_427 = arith.constant 96 : index
        %get3A_428 = tpu.vector_load %arg12[%get3A_426, %get3A_427] {strides = array<i32>} : memref<80x128xf32, #tpu.memory_space<vmem>>, vector<1x16xf32>,
        %get3A_429 = vector.shape_cast %get3A_428 : vector<1x16xf32> to vector<16xf32>
        %get3A_430 = arith.index_cast %scan3A_231 : i32 to index
        %get3A_431 = arith.constant 96 : index
        %get3A_432 = tpu.vector_load %arg13[%get3A_430, %get3A_431] {strides = array<i32>} : memref<80x128xf32, #tpu.memory_space<vmem>>, vector<1x16xf32>,
        %get3A_433 = vector.shape_cast %get3A_432 : vector<1x16xf32> to vector<16xf32>
        %add3A_434 = arith.addf %get3A_429, %get3A_433 : vector<16xf32>
        %get3A_435 = arith.index_cast %scan3A_231 : i32 to index
        %get3A_436 = arith.constant 96 : index
        %get3A_437 = tpu.vector_load %arg14[%get3A_435, %get3A_436] {strides = array<i32>} : memref<80x128xf32, #tpu.memory_space<vmem>>, vector<1x16xf32>,
        %get3A_438 = vector.shape_cast %get3A_437 : vector<1x16xf32> to vector<16xf32>
        %add3A_439 = arith.addf %add3A_434, %get3A_438 : vector<16xf32>
        %mul3A_440 = arith.mulf %add3A_439, %add3A_439 : vector<16xf32>
        %mul3A_441 = arith.mulf %mul3A_440, %add3A_439 : vector<16xf32>
        %mul3A_442 = arith.constant 4.471500e-02 : f32
        %mul3A_443 = vector.broadcast %mul3A_442 : f32 to vector<16xf32>
        %mul3A_444 = arith.mulf %mul3A_443, %mul3A_441 : vector<16xf32>
        %add3A_445 = arith.addf %add3A_439, %mul3A_444 : vector<16xf32>
        %mul3A_446 = arith.constant -1.59576917 : f32
        %mul3A_447 = vector.broadcast %mul3A_446 : f32 to vector<16xf32>
        %mul3A_448 = arith.mulf %mul3A_447, %add3A_445 : vector<16xf32>
        %exp3A_449 = math.exp %mul3A_448 : vector<16xf32>
        %add3A_450 = arith.constant 1.000000e+00 : f32
        %add3A_451 = vector.broadcast %add3A_450 : f32 to vector<16xf32>
        %add3A_452 = arith.addf %add3A_451, %exp3A_449 : vector<16xf32>
        %div3A_453 = arith.divf %add3A_439, %add3A_452 : vector<16xf32>
        %swap3A_454 = arith.index_cast %scan3A_231 : i32 to index
        %swap3A_455 = arith.constant 96 : index
        %swap3A_456 = tpu.vector_load %arg12[%swap3A_454, %swap3A_455] {strides = array<i32>} : memref<80x128xf32, #tpu.memory_space<vmem>>, vector<1x16xf32>,
        %swap3A_457 = vector.shape_cast %swap3A_456 : vector<1x16xf32> to vector<16xf32>
        %swap3A_458 = vector.shape_cast %div3A_453 : vector<16xf32> to vector<1x16xf32>
        tpu.vector_store %arg12[%swap3A_454, %swap3A_455], %swap3A_458 {strides = array<i32>} : memref<80x128xf32, #tpu.memory_space<vmem>>, vector<1x16xf32>,
        %get3A_459 = arith.index_cast %scan3A_231 : i32 to index
        %get3A_460 = arith.constant 112 : index
        %get3A_461 = tpu.vector_load %arg12[%get3A_459, %get3A_460] {strides = array<i32>} : memref<80x128xf32, #tpu.memory_space<vmem>>, vector<1x16xf32>,
        %get3A_462 = vector.shape_cast %get3A_461 : vector<1x16xf32> to vector<16xf32>
        %get3A_463 = arith.index_cast %scan3A_231 : i32 to index
        %get3A_464 = arith.constant 112 : index
        %get3A_465 = tpu.vector_load %arg13[%get3A_463, %get3A_464] {strides = array<i32>} : memref<80x128xf32, #tpu.memory_space<vmem>>, vector<1x16xf32>,
        %get3A_466 = vector.shape_cast %get3A_465 : vector<1x16xf32> to vector<16xf32>
        %add3A_467 = arith.addf %get3A_462, %get3A_466 : vector<16xf32>
        %get3A_468 = arith.index_cast %scan3A_231 : i32 to index
        %get3A_469 = arith.constant 112 : index
        %get3A_470 = tpu.vector_load %arg14[%get3A_468, %get3A_469] {strides = array<i32>} : memref<80x128xf32, #tpu.memory_space<vmem>>, vector<1x16xf32>,
        %get3A_471 = vector.shape_cast %get3A_470 : vector<1x16xf32> to vector<16xf32>
        %add3A_472 = arith.addf %add3A_467, %get3A_471 : vector<16xf32>
        %mul3A_473 = arith.mulf %add3A_472, %add3A_472 : vector<16xf32>
        %mul3A_474 = arith.mulf %mul3A_473, %add3A_472 : vector<16xf32>
        %mul3A_475 = arith.constant 4.471500e-02 : f32
        %mul3A_476 = vector.broadcast %mul3A_475 : f32 to vector<16xf32>
        %mul3A_477 = arith.mulf %mul3A_476, %mul3A_474 : vector<16xf32>
        %add3A_478 = arith.addf %add3A_472, %mul3A_477 : vector<16xf32>
        %mul3A_479 = arith.constant -1.59576917 : f32
        %mul3A_480 = vector.broadcast %mul3A_479 : f32 to vector<16xf32>
        %mul3A_481 = arith.mulf %mul3A_480, %add3A_478 : vector<16xf32>
        %exp3A_482 = math.exp %mul3A_481 : vector<16xf32>
        %add3A_483 = arith.constant 1.000000e+00 : f32
        %add3A_484 = vector.broadcast %add3A_483 : f32 to vector<16xf32>
        %add3A_485 = arith.addf %add3A_484, %exp3A_482 : vector<16xf32>
        %div3A_486 = arith.divf %add3A_472, %add3A_485 : vector<16xf32>
        %swap3A_487 = arith.index_cast %scan3A_231 : i32 to index
        %swap3A_488 = arith.constant 112 : index
        %swap3A_489 = tpu.vector_load %arg12[%swap3A_487, %swap3A_488] {strides = array<i32>} : memref<80x128xf32, #tpu.memory_space<vmem>>, vector<1x16xf32>,
        %swap3A_490 = vector.shape_cast %swap3A_489 : vector<1x16xf32> to vector<16xf32>
        %swap3A_491 = vector.shape_cast %div3A_486 : vector<16xf32> to vector<1x16xf32>
        tpu.vector_store %arg12[%swap3A_487, %swap3A_488], %swap3A_491 {strides = array<i32>} : memref<80x128xf32, #tpu.memory_space<vmem>>, vector<1x16xf32>,
      }
      %scan3A_180 = arith.constant 32 : i32
      %dma_start3A_181 = arith.constant 48 : i32
      %dma_start3A_182 = arith.constant 0 : i32
      %dma_start3A_183 = tpu.memref_slice %arg12[%dma_start3A_181, %dma_start3A_182] : memref<80x128xf32, #tpu.memory_space<vmem>> -> memref<32x128xf32, #tpu.memory_space<vmem>>
      %dma_start3A_184 = arith.constant 0 : i32
      %dma_start3A_185 = arith.constant 0 : i32
      %dma_start3A_186 = tpu.memref_slice %arg15[%dma_start3A_184, %dma_start3A_185] : memref<10240x128xf32, #tpu.memory_space<vmem_shared>> -> memref<10240x128xf32, #tpu.memory_space<vmem_shared>>
      tpu.enqueue_indirect_dma source(%dma_start3A_183 : memref<32x128xf32, #tpu.memory_space<vmem>>) target(%dma_start3A_186 : memref<10240x128xf32, #tpu.memory_space<vmem_shared>>) offsets(%arg11 : memref<32xi32, #tpu.memory_space<vmem>>) semaphore(%arg20 : memref<!tpu.dma_semaphore, #tpu.memory_space<semaphore_mem>>) {add = true}
      %dma_start3A_187 = arith.constant 0 : i32
      %dma_start3A_188 = tpu.memref_slice %arg4[%add3A_134, %dma_start3A_187] : memref<324000x128xf32, #tpu.memory_space<hbm>> -> memref<80x128xf32, #tpu.memory_space<hbm>>
      %dma_start3A_189 = arith.constant 0 : i32
      %dma_start3A_190 = tpu.memref_slice %arg4[%add3A_134, %dma_start3A_189] : memref<324000x128xf32, #tpu.memory_space<hbm>> -> memref<80x128xf32, #tpu.memory_space<hbm>>
      tpu.enqueue_dma source(%dma_start3A_190 : memref<80x128xf32, #tpu.memory_space<hbm>>) target(%arg14 : memref<80x128xf32, #tpu.memory_space<vmem>>) target_semaphore(%arg18 : memref<!tpu.dma_semaphore, #tpu.memory_space<semaphore_mem>>)
      %dma_wait3A_191 = arith.constant 0 : i32
      %dma_wait3A_192 = arith.constant 0 : i32
      %dma_wait3A_193 = tpu.memref_slice %arg12[%dma_wait3A_191, %dma_wait3A_192] : memref<80x128xf32, #tpu.memory_space<vmem>> -> memref<48x128xf32, #tpu.memory_space<vmem>>
      %dma_wait3A_194 = arith.constant 0 : i32
      %dma_wait3A_195 = arith.constant 0 : i32
      %dma_wait3A_196 = tpu.memref_slice %arg15[%dma_wait3A_194, %dma_wait3A_195] : memref<10240x128xf32, #tpu.memory_space<vmem_shared>> -> memref<10240x128xf32, #tpu.memory_space<vmem_shared>>
      tpu.wait_indirect_dma semaphore(%arg19 : memref<!tpu.dma_semaphore, #tpu.memory_space<semaphore_mem>>) src(%dma_wait3A_193 : memref<48x128xf32, #tpu.memory_space<vmem>>) dst(%dma_wait3A_196 : memref<10240x128xf32, #tpu.memory_space<vmem_shared>>)
      "tpu.region"() ({
        %run_scoped3A = tpu.sem_alloc : memref<!tpu.dma_semaphore, #tpu.memory_space<semaphore_mem>>
        %dma_start3A_231 = tpu.memref_slice %arg5[%add3A_134] : memref<320080xi32, #tpu.memory_space<hbm>> -> memref<48xi32, #tpu.memory_space<hbm>>
        %dma_start3A_232 = tpu.memref_slice %arg5[%add3A_134] : memref<320080xi32, #tpu.memory_space<hbm>> -> memref<48xi32, #tpu.memory_space<hbm>>
        tpu.enqueue_dma source(%dma_start3A_232 : memref<48xi32, #tpu.memory_space<hbm>>) target(%arg8 : memref<48xi32, #tpu.memory_space<vmem>>) target_semaphore(%run_scoped3A : memref<!tpu.dma_semaphore, #tpu.memory_space<semaphore_mem>>)
        %dma_wait3A_233 = tpu.memref_slice %arg5[%add3A_134] : memref<320080xi32, #tpu.memory_space<hbm>> -> memref<48xi32, #tpu.memory_space<hbm>>
        %dma_wait3A_234 = tpu.memref_slice %arg5[%add3A_134] : memref<320080xi32, #tpu.memory_space<hbm>> -> memref<48xi32, #tpu.memory_space<hbm>>
        tpu.wait_dma2 semaphore(%run_scoped3A : memref<!tpu.dma_semaphore, #tpu.memory_space<semaphore_mem>>) src(%dma_wait3A_234 : memref<48xi32, #tpu.memory_space<hbm>>) dst(%arg8 : memref<48xi32, #tpu.memory_space<vmem>>)
        tpu.yield
      }) : () -> ()
      "tpu.region"() ({
        %run_scoped3A = tpu.sem_alloc : memref<!tpu.dma_semaphore, #tpu.memory_space<semaphore_mem>>
        %dma_start3A_231 = tpu.memref_slice %arg6[%add3A_134] : memref<320080xi32, #tpu.memory_space<hbm>> -> memref<48xi32, #tpu.memory_space<hbm>>
        %dma_start3A_232 = tpu.memref_slice %arg6[%add3A_134] : memref<320080xi32, #tpu.memory_space<hbm>> -> memref<48xi32, #tpu.memory_space<hbm>>
        tpu.enqueue_dma source(%dma_start3A_232 : memref<48xi32, #tpu.memory_space<hbm>>) target(%arg9 : memref<48xi32, #tpu.memory_space<vmem>>) target_semaphore(%run_scoped3A : memref<!tpu.dma_semaphore, #tpu.memory_space<semaphore_mem>>)
        %dma_wait3A_233 = tpu.memref_slice %arg6[%add3A_134] : memref<320080xi32, #tpu.memory_space<hbm>> -> memref<48xi32, #tpu.memory_space<hbm>>
        %dma_wait3A_234 = tpu.memref_slice %arg6[%add3A_134] : memref<320080xi32, #tpu.memory_space<hbm>> -> memref<48xi32, #tpu.memory_space<hbm>>
        tpu.wait_dma2 semaphore(%run_scoped3A : memref<!tpu.dma_semaphore, #tpu.memory_space<semaphore_mem>>) src(%dma_wait3A_234 : memref<48xi32, #tpu.memory_space<hbm>>) dst(%arg9 : memref<48xi32, #tpu.memory_space<vmem>>)
        tpu.yield
      }) : () -> ()
      %dma_start3A_197 = arith.constant 0 : i32
      %dma_start3A_198 = arith.constant 0 : i32
      %dma_start3A_199 = tpu.memref_slice %arg12[%dma_start3A_197, %dma_start3A_198] : memref<80x128xf32, #tpu.memory_space<vmem>> -> memref<48x128xf32, #tpu.memory_space<vmem>>
      %dma_start3A_200 = arith.constant 0 : i32
      %dma_start3A_201 = arith.constant 0 : i32
      %dma_start3A_202 = tpu.memref_slice %arg2[%dma_start3A_200, %dma_start3A_201] : memref<10000x128xf32, #tpu.memory_space<hbm>> -> memref<10000x128xf32, #tpu.memory_space<hbm>>
      tpu.enqueue_indirect_dma source(%dma_start3A_202 : memref<10000x128xf32, #tpu.memory_space<hbm>>) target(%dma_start3A_199 : memref<48x128xf32, #tpu.memory_space<vmem>>) offsets(%arg8 : memref<48xi32, #tpu.memory_space<vmem>>) semaphore(%arg16 : memref<!tpu.dma_semaphore, #tpu.memory_space<semaphore_mem>>)
      %dma_start3A_203 = arith.constant 0 : i32
      %dma_start3A_204 = arith.constant 0 : i32
      %dma_start3A_205 = tpu.memref_slice %arg13[%dma_start3A_203, %dma_start3A_204] : memref<80x128xf32, #tpu.memory_space<vmem>> -> memref<48x128xf32, #tpu.memory_space<vmem>>
      %dma_start3A_206 = arith.constant 0 : i32
      %dma_start3A_207 = arith.constant 0 : i32
      %dma_start3A_208 = tpu.memref_slice %arg3[%dma_start3A_206, %dma_start3A_207] : memref<10000x128xf32, #tpu.memory_space<hbm>> -> memref<10000x128xf32, #tpu.memory_space<hbm>>
      tpu.enqueue_indirect_dma source(%dma_start3A_208 : memref<10000x128xf32, #tpu.memory_space<hbm>>) target(%dma_start3A_205 : memref<48x128xf32, #tpu.memory_space<vmem>>) offsets(%arg9 : memref<48xi32, #tpu.memory_space<vmem>>) semaphore(%arg16 : memref<!tpu.dma_semaphore, #tpu.memory_space<semaphore_mem>>)
      %dma_wait3A_209 = arith.constant 48 : i32
      %dma_wait3A_210 = arith.constant 0 : i32
      %dma_wait3A_211 = tpu.memref_slice %arg12[%dma_wait3A_209, %dma_wait3A_210] : memref<80x128xf32, #tpu.memory_space<vmem>> -> memref<32x128xf32, #tpu.memory_space<vmem>>
      %dma_wait3A_212 = arith.constant 0 : i32
      %dma_wait3A_213 = arith.constant 0 : i32
      %dma_wait3A_214 = tpu.memref_slice %arg15[%dma_wait3A_212, %dma_wait3A_213] : memref<10240x128xf32, #tpu.memory_space<vmem_shared>> -> memref<10240x128xf32, #tpu.memory_space<vmem_shared>>
      tpu.wait_indirect_dma semaphore(%arg20 : memref<!tpu.dma_semaphore, #tpu.memory_space<semaphore_mem>>) src(%dma_wait3A_211 : memref<32x128xf32, #tpu.memory_space<vmem>>) dst(%dma_wait3A_214 : memref<10240x128xf32, #tpu.memory_space<vmem_shared>>)
      %add3A_215 = arith.constant 48 : i32
      %add3A_216 = arith.addi %add3A_134, %add3A_215 : i32
      "tpu.region"() ({
        %run_scoped3A = tpu.sem_alloc : memref<!tpu.dma_semaphore, #tpu.memory_space<semaphore_mem>>
        %dma_start3A_231 = tpu.memref_slice %arg5[%add3A_216] : memref<320080xi32, #tpu.memory_space<hbm>> -> memref<32xi32, #tpu.memory_space<hbm>>
        %dma_start3A_232 = tpu.memref_slice %arg5[%add3A_216] : memref<320080xi32, #tpu.memory_space<hbm>> -> memref<32xi32, #tpu.memory_space<hbm>>
        tpu.enqueue_dma source(%dma_start3A_232 : memref<32xi32, #tpu.memory_space<hbm>>) target(%arg10 : memref<32xi32, #tpu.memory_space<vmem>>) target_semaphore(%run_scoped3A : memref<!tpu.dma_semaphore, #tpu.memory_space<semaphore_mem>>)
        %dma_wait3A_233 = tpu.memref_slice %arg5[%add3A_216] : memref<320080xi32, #tpu.memory_space<hbm>> -> memref<32xi32, #tpu.memory_space<hbm>>
        %dma_wait3A_234 = tpu.memref_slice %arg5[%add3A_216] : memref<320080xi32, #tpu.memory_space<hbm>> -> memref<32xi32, #tpu.memory_space<hbm>>
        tpu.wait_dma2 semaphore(%run_scoped3A : memref<!tpu.dma_semaphore, #tpu.memory_space<semaphore_mem>>) src(%dma_wait3A_234 : memref<32xi32, #tpu.memory_space<hbm>>) dst(%arg10 : memref<32xi32, #tpu.memory_space<vmem>>)
        tpu.yield
      }) : () -> ()
      %add3A_217 = arith.constant 48 : i32
      %add3A_218 = arith.addi %add3A_134, %add3A_217 : i32
      "tpu.region"() ({
        %run_scoped3A = tpu.sem_alloc : memref<!tpu.dma_semaphore, #tpu.memory_space<semaphore_mem>>
        %dma_start3A_231 = tpu.memref_slice %arg6[%add3A_218] : memref<320080xi32, #tpu.memory_space<hbm>> -> memref<32xi32, #tpu.memory_space<hbm>>
        %dma_start3A_232 = tpu.memref_slice %arg6[%add3A_218] : memref<320080xi32, #tpu.memory_space<hbm>> -> memref<32xi32, #tpu.memory_space<hbm>>
        tpu.enqueue_dma source(%dma_start3A_232 : memref<32xi32, #tpu.memory_space<hbm>>) target(%arg11 : memref<32xi32, #tpu.memory_space<vmem>>) target_semaphore(%run_scoped3A : memref<!tpu.dma_semaphore, #tpu.memory_space<semaphore_mem>>)
        %dma_wait3A_233 = tpu.memref_slice %arg6[%add3A_218] : memref<320080xi32, #tpu.memory_space<hbm>> -> memref<32xi32, #tpu.memory_space<hbm>>
        %dma_wait3A_234 = tpu.memref_slice %arg6[%add3A_218] : memref<320080xi32, #tpu.memory_space<hbm>> -> memref<32xi32, #tpu.memory_space<hbm>>
        tpu.wait_dma2 semaphore(%run_scoped3A : memref<!tpu.dma_semaphore, #tpu.memory_space<semaphore_mem>>) src(%dma_wait3A_234 : memref<32xi32, #tpu.memory_space<hbm>>) dst(%arg11 : memref<32xi32, #tpu.memory_space<vmem>>)
        tpu.yield
      }) : () -> ()
      %dma_start3A_219 = arith.constant 48 : i32
      %dma_start3A_220 = arith.constant 0 : i32
      %dma_start3A_221 = tpu.memref_slice %arg12[%dma_start3A_219, %dma_start3A_220] : memref<80x128xf32, #tpu.memory_space<vmem>> -> memref<32x128xf32, #tpu.memory_space<vmem>>
      %dma_start3A_222 = arith.constant 0 : i32
      %dma_start3A_223 = arith.constant 0 : i32
      %dma_start3A_224 = tpu.memref_slice %arg2[%dma_start3A_222, %dma_start3A_223] : memref<10000x128xf32, #tpu.memory_space<hbm>> -> memref<10000x128xf32, #tpu.memory_space<hbm>>
      tpu.enqueue_indirect_dma source(%dma_start3A_224 : memref<10000x128xf32, #tpu.memory_space<hbm>>) target(%dma_start3A_221 : memref<32x128xf32, #tpu.memory_space<vmem>>) offsets(%arg10 : memref<32xi32, #tpu.memory_space<vmem>>) semaphore(%arg17 : memref<!tpu.dma_semaphore, #tpu.memory_space<semaphore_mem>>)
      %dma_start3A_225 = arith.constant 48 : i32
      %dma_start3A_226 = arith.constant 0 : i32
      %dma_start3A_227 = tpu.memref_slice %arg13[%dma_start3A_225, %dma_start3A_226] : memref<80x128xf32, #tpu.memory_space<vmem>> -> memref<32x128xf32, #tpu.memory_space<vmem>>
      %dma_start3A_228 = arith.constant 0 : i32
      %dma_start3A_229 = arith.constant 0 : i32
      %dma_start3A_230 = tpu.memref_slice %arg3[%dma_start3A_228, %dma_start3A_229] : memref<10000x128xf32, #tpu.memory_space<hbm>> -> memref<10000x128xf32, #tpu.memory_space<hbm>>
      tpu.enqueue_indirect_dma source(%dma_start3A_230 : memref<10000x128xf32, #tpu.memory_space<hbm>>) target(%dma_start3A_227 : memref<32x128xf32, #tpu.memory_space<vmem>>) offsets(%arg11 : memref<32xi32, #tpu.memory_space<vmem>>) semaphore(%arg17 : memref<!tpu.dma_semaphore, #tpu.memory_space<semaphore_mem>>)
    }
    %scan3A_63 = arith.constant 125 : i32
    %dma_wait3A = arith.constant 0 : i32
    %dma_wait3A_64 = arith.constant 0 : i32
    %dma_wait3A_65 = tpu.memref_slice %arg12[%dma_wait3A, %dma_wait3A_64] : memref<80x128xf32, #tpu.memory_space<vmem>> -> memref<48x128xf32, #tpu.memory_space<vmem>>
    %dma_wait3A_66 = arith.constant 0 : i32
    %dma_wait3A_67 = arith.constant 0 : i32
    %dma_wait3A_68 = tpu.memref_slice %arg2[%dma_wait3A_66, %dma_wait3A_67] : memref<10000x128xf32, #tpu.memory_space<hbm>> -> memref<10000x128xf32, #tpu.memory_space<hbm>>
    tpu.wait_indirect_dma semaphore(%arg16 : memref<!tpu.dma_semaphore, #tpu.memory_space<semaphore_mem>>) src(%dma_wait3A_68 : memref<10000x128xf32, #tpu.memory_space<hbm>>) dst(%dma_wait3A_65 : memref<48x128xf32, #tpu.memory_space<vmem>>)
    %dma_wait3A_69 = arith.constant 0 : i32
    %dma_wait3A_70 = arith.constant 0 : i32
    %dma_wait3A_71 = tpu.memref_slice %arg13[%dma_wait3A_69, %dma_wait3A_70] : memref<80x128xf32, #tpu.memory_space<vmem>> -> memref<48x128xf32, #tpu.memory_space<vmem>>
    %dma_wait3A_72 = arith.constant 0 : i32
    %dma_wait3A_73 = arith.constant 0 : i32
    %dma_wait3A_74 = tpu.memref_slice %arg3[%dma_wait3A_72, %dma_wait3A_73] : memref<10000x128xf32, #tpu.memory_space<hbm>> -> memref<10000x128xf32, #tpu.memory_space<hbm>>
    tpu.wait_indirect_dma semaphore(%arg16 : memref<!tpu.dma_semaphore, #tpu.memory_space<semaphore_mem>>) src(%dma_wait3A_74 : memref<10000x128xf32, #tpu.memory_space<hbm>>) dst(%dma_wait3A_71 : memref<48x128xf32, #tpu.memory_space<vmem>>)
    %dma_wait3A_75 = arith.constant 48 : i32
    %dma_wait3A_76 = arith.constant 0 : i32
    %dma_wait3A_77 = tpu.memref_slice %arg12[%dma_wait3A_75, %dma_wait3A_76] : memref<80x128xf32, #tpu.memory_space<vmem>> -> memref<32x128xf32, #tpu.memory_space<vmem>>
    %dma_wait3A_78 = arith.constant 0 : i32
    %dma_wait3A_79 = arith.constant 0 : i32
    %dma_wait3A_80 = tpu.memref_slice %arg2[%dma_wait3A_78, %dma_wait3A_79] : memref<10000x128xf32, #tpu.memory_space<hbm>> -> memref<10000x128xf32, #tpu.memory_space<hbm>>
    tpu.wait_indirect_dma semaphore(%arg17 : memref<!tpu.dma_semaphore, #tpu.memory_space<semaphore_mem>>) src(%dma_wait3A_80 : memref<10000x128xf32, #tpu.memory_space<hbm>>) dst(%dma_wait3A_77 : memref<32x128xf32, #tpu.memory_space<vmem>>)
    %dma_wait3A_81 = arith.constant 48 : i32
    %dma_wait3A_82 = arith.constant 0 : i32
    %dma_wait3A_83 = tpu.memref_slice %arg13[%dma_wait3A_81, %dma_wait3A_82] : memref<80x128xf32, #tpu.memory_space<vmem>> -> memref<32x128xf32, #tpu.memory_space<vmem>>
    %dma_wait3A_84 = arith.constant 0 : i32
    %dma_wait3A_85 = arith.constant 0 : i32
    %dma_wait3A_86 = tpu.memref_slice %arg3[%dma_wait3A_84, %dma_wait3A_85] : memref<10000x128xf32, #tpu.memory_space<hbm>> -> memref<10000x128xf32, #tpu.memory_space<hbm>>
    tpu.wait_indirect_dma semaphore(%arg17 : memref<!tpu.dma_semaphore, #tpu.memory_space<semaphore_mem>>) src(%dma_wait3A_86 : memref<10000x128xf32, #tpu.memory_space<hbm>>) dst(%dma_wait3A_83 : memref<32x128xf32, #tpu.memory_space<vmem>>)
    %dma_wait3A_87 = arith.constant 0 : i32
    %dma_wait3A_88 = arith.constant 0 : i32
    %dma_wait3A_89 = tpu.memref_slice %arg4[%dma_wait3A_87, %dma_wait3A_88] : memref<324000x128xf32, #tpu.memory_space<hbm>> -> memref<80x128xf32, #tpu.memory_space<hbm>>
    %dma_wait3A_90 = arith.constant 0 : i32
    %dma_wait3A_91 = arith.constant 0 : i32
    %dma_wait3A_92 = tpu.memref_slice %arg4[%dma_wait3A_90, %dma_wait3A_91] : memref<324000x128xf32, #tpu.memory_space<hbm>> -> memref<80x128xf32, #tpu.memory_space<hbm>>
    tpu.wait_dma2 semaphore(%arg18 : memref<!tpu.dma_semaphore, #tpu.memory_space<semaphore_mem>>) src(%dma_wait3A_92 : memref<80x128xf32, #tpu.memory_space<hbm>>) dst(%arg14 : memref<80x128xf32, #tpu.memory_space<vmem>>)
    %barrier3A_93 = arith.constant 0 : index
    tpu.barrier barrier_id(%barrier3A_93)
    %mul3A_94 = arith.constant 10240 : i32
    %mul3A_95 = arith.muli %arg0, %mul3A_94 : i32
    %add3A_96 = arith.addi %mul3A_95, %mul3A_8 : i32
    %add3A_97 = arith.constant 0 : i32
    %add3A_98 = arith.addi %mul3A_8, %add3A_97 : i32
    %add3A_99 = arith.constant 0 : i32
    %add3A_100 = arith.addi %add3A_96, %add3A_99 : i32
    "tpu.region"() ({
      %run_scoped3A = tpu.sem_alloc : memref<!tpu.dma_semaphore, #tpu.memory_space<semaphore_mem>>
      %dma_start3A_129 = arith.constant 0 : i32
      %dma_start3A_130 = tpu.memref_slice %arg7[%add3A_100, %dma_start3A_129] : memref<20480x128xf32, #tpu.memory_space<hbm>> -> memref<80x128xf32, #tpu.memory_space<hbm>>
      %dma_start3A_131 = arith.constant 0 : i32
      %dma_start3A_132 = tpu.memref_slice %arg15[%add3A_98, %dma_start3A_131] : memref<10240x128xf32, #tpu.memory_space<vmem_shared>> -> memref<80x128xf32, #tpu.memory_space<vmem_shared>>
      tpu.enqueue_dma source(%dma_start3A_132 : memref<80x128xf32, #tpu.memory_space<vmem_shared>>) target(%dma_start3A_130 : memref<80x128xf32, #tpu.memory_space<hbm>>) target_semaphore(%run_scoped3A : memref<!tpu.dma_semaphore, #tpu.memory_space<semaphore_mem>>)
      %dma_wait3A_133 = arith.constant 0 : i32
      %dma_wait3A_134 = tpu.memref_slice %arg7[%add3A_100, %dma_wait3A_133] : memref<20480x128xf32, #tpu.memory_space<hbm>> -> memref<80x128xf32, #tpu.memory_space<hbm>>
      %dma_wait3A_135 = arith.constant 0 : i32
      %dma_wait3A_136 = tpu.memref_slice %arg15[%add3A_98, %dma_wait3A_135] : memref<10240x128xf32, #tpu.memory_space<vmem_shared>> -> memref<80x128xf32, #tpu.memory_space<vmem_shared>>
      tpu.wait_dma2 semaphore(%run_scoped3A : memref<!tpu.dma_semaphore, #tpu.memory_space<semaphore_mem>>) src(%dma_wait3A_136 : memref<80x128xf32, #tpu.memory_space<vmem_shared>>) dst(%dma_wait3A_134 : memref<80x128xf32, #tpu.memory_space<hbm>>)
      tpu.yield
    }) : () -> ()
    %add3A_101 = arith.constant 80 : i32
    %add3A_102 = arith.addi %mul3A_8, %add3A_101 : i32
    %add3A_103 = arith.constant 80 : i32
    %add3A_104 = arith.addi %add3A_96, %add3A_103 : i32
    "tpu.region"() ({
      %run_scoped3A = tpu.sem_alloc : memref<!tpu.dma_semaphore, #tpu.memory_space<semaphore_mem>>
      %dma_start3A_129 = arith.constant 0 : i32
      %dma_start3A_130 = tpu.memref_slice %arg7[%add3A_104, %dma_start3A_129] : memref<20480x128xf32, #tpu.memory_space<hbm>> -> memref<80x128xf32, #tpu.memory_space<hbm>>
      %dma_start3A_131 = arith.constant 0 : i32
      %dma_start3A_132 = tpu.memref_slice %arg15[%add3A_102, %dma_start3A_131] : memref<10240x128xf32, #tpu.memory_space<vmem_shared>> -> memref<80x128xf32, #tpu.memory_space<vmem_shared>>
      tpu.enqueue_dma source(%dma_start3A_132 : memref<80x128xf32, #tpu.memory_space<vmem_shared>>) target(%dma_start3A_130 : memref<80x128xf32, #tpu.memory_space<hbm>>) target_semaphore(%run_scoped3A : memref<!tpu.dma_semaphore, #tpu.memory_space<semaphore_mem>>)
      %dma_wait3A_133 = arith.constant 0 : i32
      %dma_wait3A_134 = tpu.memref_slice %arg7[%add3A_104, %dma_wait3A_133] : memref<20480x128xf32, #tpu.memory_space<hbm>> -> memref<80x128xf32, #tpu.memory_space<hbm>>
      %dma_wait3A_135 = arith.constant 0 : i32
      %dma_wait3A_136 = tpu.memref_slice %arg15[%add3A_102, %dma_wait3A_135] : memref<10240x128xf32, #tpu.memory_space<vmem_shared>> -> memref<80x128xf32, #tpu.memory_space<vmem_shared>>
      tpu.wait_dma2 semaphore(%run_scoped3A : memref<!tpu.dma_semaphore, #tpu.memory_space<semaphore_mem>>) src(%dma_wait3A_136 : memref<80x128xf32, #tpu.memory_space<vmem_shared>>) dst(%dma_wait3A_134 : memref<80x128xf32, #tpu.memory_space<hbm>>)
      tpu.yield
    }) : () -> ()
    %add3A_105 = arith.constant 160 : i32
    %add3A_106 = arith.addi %mul3A_8, %add3A_105 : i32
    %add3A_107 = arith.constant 160 : i32
    %add3A_108 = arith.addi %add3A_96, %add3A_107 : i32
    "tpu.region"() ({
      %run_scoped3A = tpu.sem_alloc : memref<!tpu.dma_semaphore, #tpu.memory_space<semaphore_mem>>
      %dma_start3A_129 = arith.constant 0 : i32
      %dma_start3A_130 = tpu.memref_slice %arg7[%add3A_108, %dma_start3A_129] : memref<20480x128xf32, #tpu.memory_space<hbm>> -> memref<80x128xf32, #tpu.memory_space<hbm>>
      %dma_start3A_131 = arith.constant 0 : i32
      %dma_start3A_132 = tpu.memref_slice %arg15[%add3A_106, %dma_start3A_131] : memref<10240x128xf32, #tpu.memory_space<vmem_shared>> -> memref<80x128xf32, #tpu.memory_space<vmem_shared>>
      tpu.enqueue_dma source(%dma_start3A_132 : memref<80x128xf32, #tpu.memory_space<vmem_shared>>) target(%dma_start3A_130 : memref<80x128xf32, #tpu.memory_space<hbm>>) target_semaphore(%run_scoped3A : memref<!tpu.dma_semaphore, #tpu.memory_space<semaphore_mem>>)
      %dma_wait3A_133 = arith.constant 0 : i32
      %dma_wait3A_134 = tpu.memref_slice %arg7[%add3A_108, %dma_wait3A_133] : memref<20480x128xf32, #tpu.memory_space<hbm>> -> memref<80x128xf32, #tpu.memory_space<hbm>>
      %dma_wait3A_135 = arith.constant 0 : i32
      %dma_wait3A_136 = tpu.memref_slice %arg15[%add3A_106, %dma_wait3A_135] : memref<10240x128xf32, #tpu.memory_space<vmem_shared>> -> memref<80x128xf32, #tpu.memory_space<vmem_shared>>
      tpu.wait_dma2 semaphore(%run_scoped3A : memref<!tpu.dma_semaphore, #tpu.memory_space<semaphore_mem>>) src(%dma_wait3A_136 : memref<80x128xf32, #tpu.memory_space<vmem_shared>>) dst(%dma_wait3A_134 : memref<80x128xf32, #tpu.memory_space<hbm>>)
      tpu.yield
    }) : () -> ()
    %add3A_109 = arith.constant 240 : i32
    %add3A_110 = arith.addi %mul3A_8, %add3A_109 : i32
    %add3A_111 = arith.constant 240 : i32
    %add3A_112 = arith.addi %add3A_96, %add3A_111 : i32
    "tpu.region"() ({
      %run_scoped3A = tpu.sem_alloc : memref<!tpu.dma_semaphore, #tpu.memory_space<semaphore_mem>>
      %dma_start3A_129 = arith.constant 0 : i32
      %dma_start3A_130 = tpu.memref_slice %arg7[%add3A_112, %dma_start3A_129] : memref<20480x128xf32, #tpu.memory_space<hbm>> -> memref<80x128xf32, #tpu.memory_space<hbm>>
      %dma_start3A_131 = arith.constant 0 : i32
      %dma_start3A_132 = tpu.memref_slice %arg15[%add3A_110, %dma_start3A_131] : memref<10240x128xf32, #tpu.memory_space<vmem_shared>> -> memref<80x128xf32, #tpu.memory_space<vmem_shared>>
      tpu.enqueue_dma source(%dma_start3A_132 : memref<80x128xf32, #tpu.memory_space<vmem_shared>>) target(%dma_start3A_130 : memref<80x128xf32, #tpu.memory_space<hbm>>) target_semaphore(%run_scoped3A : memref<!tpu.dma_semaphore, #tpu.memory_space<semaphore_mem>>)
      %dma_wait3A_133 = arith.constant 0 : i32
      %dma_wait3A_134 = tpu.memref_slice %arg7[%add3A_112, %dma_wait3A_133] : memref<20480x128xf32, #tpu.memory_space<hbm>> -> memref<80x128xf32, #tpu.memory_space<hbm>>
      %dma_wait3A_135 = arith.constant 0 : i32
      %dma_wait3A_136 = tpu.memref_slice %arg15[%add3A_110, %dma_wait3A_135] : memref<10240x128xf32, #tpu.memory_space<vmem_shared>> -> memref<80x128xf32, #tpu.memory_space<vmem_shared>>
      tpu.wait_dma2 semaphore(%run_scoped3A : memref<!tpu.dma_semaphore, #tpu.memory_space<semaphore_mem>>) src(%dma_wait3A_136 : memref<80x128xf32, #tpu.memory_space<vmem_shared>>) dst(%dma_wait3A_134 : memref<80x128xf32, #tpu.memory_space<hbm>>)
      tpu.yield
    }) : () -> ()
    %add3A_113 = arith.constant 320 : i32
    %add3A_114 = arith.addi %mul3A_8, %add3A_113 : i32
    %add3A_115 = arith.constant 320 : i32
    %add3A_116 = arith.addi %add3A_96, %add3A_115 : i32
    "tpu.region"() ({
      %run_scoped3A = tpu.sem_alloc : memref<!tpu.dma_semaphore, #tpu.memory_space<semaphore_mem>>
      %dma_start3A_129 = arith.constant 0 : i32
      %dma_start3A_130 = tpu.memref_slice %arg7[%add3A_116, %dma_start3A_129] : memref<20480x128xf32, #tpu.memory_space<hbm>> -> memref<80x128xf32, #tpu.memory_space<hbm>>
      %dma_start3A_131 = arith.constant 0 : i32
      %dma_start3A_132 = tpu.memref_slice %arg15[%add3A_114, %dma_start3A_131] : memref<10240x128xf32, #tpu.memory_space<vmem_shared>> -> memref<80x128xf32, #tpu.memory_space<vmem_shared>>
      tpu.enqueue_dma source(%dma_start3A_132 : memref<80x128xf32, #tpu.memory_space<vmem_shared>>) target(%dma_start3A_130 : memref<80x128xf32, #tpu.memory_space<hbm>>) target_semaphore(%run_scoped3A : memref<!tpu.dma_semaphore, #tpu.memory_space<semaphore_mem>>)
      %dma_wait3A_133 = arith.constant 0 : i32
      %dma_wait3A_134 = tpu.memref_slice %arg7[%add3A_116, %dma_wait3A_133] : memref<20480x128xf32, #tpu.memory_space<hbm>> -> memref<80x128xf32, #tpu.memory_space<hbm>>
      %dma_wait3A_135 = arith.constant 0 : i32
      %dma_wait3A_136 = tpu.memref_slice %arg15[%add3A_114, %dma_wait3A_135] : memref<10240x128xf32, #tpu.memory_space<vmem_shared>> -> memref<80x128xf32, #tpu.memory_space<vmem_shared>>
      tpu.wait_dma2 semaphore(%run_scoped3A : memref<!tpu.dma_semaphore, #tpu.memory_space<semaphore_mem>>) src(%dma_wait3A_136 : memref<80x128xf32, #tpu.memory_space<vmem_shared>>) dst(%dma_wait3A_134 : memref<80x128xf32, #tpu.memory_space<hbm>>)
      tpu.yield
    }) : () -> ()
    %add3A_117 = arith.constant 400 : i32
    %add3A_118 = arith.addi %mul3A_8, %add3A_117 : i32
    %add3A_119 = arith.constant 400 : i32
    %add3A_120 = arith.addi %add3A_96, %add3A_119 : i32
    "tpu.region"() ({
      %run_scoped3A = tpu.sem_alloc : memref<!tpu.dma_semaphore, #tpu.memory_space<semaphore_mem>>
      %dma_start3A_129 = arith.constant 0 : i32
      %dma_start3A_130 = tpu.memref_slice %arg7[%add3A_120, %dma_start3A_129] : memref<20480x128xf32, #tpu.memory_space<hbm>> -> memref<80x128xf32, #tpu.memory_space<hbm>>
      %dma_start3A_131 = arith.constant 0 : i32
      %dma_start3A_132 = tpu.memref_slice %arg15[%add3A_118, %dma_start3A_131] : memref<10240x128xf32, #tpu.memory_space<vmem_shared>> -> memref<80x128xf32, #tpu.memory_space<vmem_shared>>
      tpu.enqueue_dma source(%dma_start3A_132 : memref<80x128xf32, #tpu.memory_space<vmem_shared>>) target(%dma_start3A_130 : memref<80x128xf32, #tpu.memory_space<hbm>>) target_semaphore(%run_scoped3A : memref<!tpu.dma_semaphore, #tpu.memory_space<semaphore_mem>>)
      %dma_wait3A_133 = arith.constant 0 : i32
      %dma_wait3A_134 = tpu.memref_slice %arg7[%add3A_120, %dma_wait3A_133] : memref<20480x128xf32, #tpu.memory_space<hbm>> -> memref<80x128xf32, #tpu.memory_space<hbm>>
      %dma_wait3A_135 = arith.constant 0 : i32
      %dma_wait3A_136 = tpu.memref_slice %arg15[%add3A_118, %dma_wait3A_135] : memref<10240x128xf32, #tpu.memory_space<vmem_shared>> -> memref<80x128xf32, #tpu.memory_space<vmem_shared>>
      tpu.wait_dma2 semaphore(%run_scoped3A : memref<!tpu.dma_semaphore, #tpu.memory_space<semaphore_mem>>) src(%dma_wait3A_136 : memref<80x128xf32, #tpu.memory_space<vmem_shared>>) dst(%dma_wait3A_134 : memref<80x128xf32, #tpu.memory_space<hbm>>)
      tpu.yield
    }) : () -> ()
    %add3A_121 = arith.constant 480 : i32
    %add3A_122 = arith.addi %mul3A_8, %add3A_121 : i32
    %add3A_123 = arith.constant 480 : i32
    %add3A_124 = arith.addi %add3A_96, %add3A_123 : i32
    "tpu.region"() ({
      %run_scoped3A = tpu.sem_alloc : memref<!tpu.dma_semaphore, #tpu.memory_space<semaphore_mem>>
      %dma_start3A_129 = arith.constant 0 : i32
      %dma_start3A_130 = tpu.memref_slice %arg7[%add3A_124, %dma_start3A_129] : memref<20480x128xf32, #tpu.memory_space<hbm>> -> memref<80x128xf32, #tpu.memory_space<hbm>>
      %dma_start3A_131 = arith.constant 0 : i32
      %dma_start3A_132 = tpu.memref_slice %arg15[%add3A_122, %dma_start3A_131] : memref<10240x128xf32, #tpu.memory_space<vmem_shared>> -> memref<80x128xf32, #tpu.memory_space<vmem_shared>>
      tpu.enqueue_dma source(%dma_start3A_132 : memref<80x128xf32, #tpu.memory_space<vmem_shared>>) target(%dma_start3A_130 : memref<80x128xf32, #tpu.memory_space<hbm>>) target_semaphore(%run_scoped3A : memref<!tpu.dma_semaphore, #tpu.memory_space<semaphore_mem>>)
      %dma_wait3A_133 = arith.constant 0 : i32
      %dma_wait3A_134 = tpu.memref_slice %arg7[%add3A_124, %dma_wait3A_133] : memref<20480x128xf32, #tpu.memory_space<hbm>> -> memref<80x128xf32, #tpu.memory_space<hbm>>
      %dma_wait3A_135 = arith.constant 0 : i32
      %dma_wait3A_136 = tpu.memref_slice %arg15[%add3A_122, %dma_wait3A_135] : memref<10240x128xf32, #tpu.memory_space<vmem_shared>> -> memref<80x128xf32, #tpu.memory_space<vmem_shared>>
      tpu.wait_dma2 semaphore(%run_scoped3A : memref<!tpu.dma_semaphore, #tpu.memory_space<semaphore_mem>>) src(%dma_wait3A_136 : memref<80x128xf32, #tpu.memory_space<vmem_shared>>) dst(%dma_wait3A_134 : memref<80x128xf32, #tpu.memory_space<hbm>>)
      tpu.yield
    }) : () -> ()
    %add3A_125 = arith.constant 560 : i32
    %add3A_126 = arith.addi %mul3A_8, %add3A_125 : i32
    %add3A_127 = arith.constant 560 : i32
    %add3A_128 = arith.addi %add3A_96, %add3A_127 : i32
    "tpu.region"() ({
      %run_scoped3A = tpu.sem_alloc : memref<!tpu.dma_semaphore, #tpu.memory_space<semaphore_mem>>
      %dma_start3A_129 = arith.constant 0 : i32
      %dma_start3A_130 = tpu.memref_slice %arg7[%add3A_128, %dma_start3A_129] : memref<20480x128xf32, #tpu.memory_space<hbm>> -> memref<80x128xf32, #tpu.memory_space<hbm>>
      %dma_start3A_131 = arith.constant 0 : i32
      %dma_start3A_132 = tpu.memref_slice %arg15[%add3A_126, %dma_start3A_131] : memref<10240x128xf32, #tpu.memory_space<vmem_shared>> -> memref<80x128xf32, #tpu.memory_space<vmem_shared>>
      tpu.enqueue_dma source(%dma_start3A_132 : memref<80x128xf32, #tpu.memory_space<vmem_shared>>) target(%dma_start3A_130 : memref<80x128xf32, #tpu.memory_space<hbm>>) target_semaphore(%run_scoped3A : memref<!tpu.dma_semaphore, #tpu.memory_space<semaphore_mem>>)
      %dma_wait3A_133 = arith.constant 0 : i32
      %dma_wait3A_134 = tpu.memref_slice %arg7[%add3A_128, %dma_wait3A_133] : memref<20480x128xf32, #tpu.memory_space<hbm>> -> memref<80x128xf32, #tpu.memory_space<hbm>>
      %dma_wait3A_135 = arith.constant 0 : i32
      %dma_wait3A_136 = tpu.memref_slice %arg15[%add3A_126, %dma_wait3A_135] : memref<10240x128xf32, #tpu.memory_space<vmem_shared>> -> memref<80x128xf32, #tpu.memory_space<vmem_shared>>
      tpu.wait_dma2 semaphore(%run_scoped3A : memref<!tpu.dma_semaphore, #tpu.memory_space<semaphore_mem>>) src(%dma_wait3A_136 : memref<80x128xf32, #tpu.memory_space<vmem_shared>>) dst(%dma_wait3A_134 : memref<80x128xf32, #tpu.memory_space<hbm>>)
      tpu.yield
    }) : () -> ()
    return
  }
}

module attributes {stable_mosaic.version = 14 : i64} {
  func.func @_p_body(%arg0: i32, %arg1: memref<2000x128xf32, #tpu.memory_space<vmem>>, %arg2: memref<128x256xf32, #tpu.memory_space<vmem>>, %arg3: memref<2000x128xf32, #tpu.memory_space<vmem>>, %arg4: memref<2000x128xf32, #tpu.memory_space<vmem>>) attributes {dimension_semantics = [#tpu.dimension_semantics<arbitrary>], iteration_bounds = array<i64: 5>, scalar_prefetch = 0 : i64, scratch_operands = 0 : i64, tpu.core_type = #tpu.core_type<tc>, window_params = [{transform_indices = @transform_0, window_bounds = array<i64: 2000, 128>}, {pipeline_mode = #tpu.pipeline_mode<synchronous>, transform_indices = @transform_1, window_bounds = array<i64: 128, 256>}, {transform_indices = @transform_2, window_bounds = array<i64: 2000, 128>}, {transform_indices = @transform_3, window_bounds = array<i64: 2000, 128>}]} {
    %get3A = arith.constant 0 : index
    %get3A_0 = arith.constant 0 : index
    %get3A_1 = vector.load %arg1[%get3A, %get3A_0] : memref<2000x128xf32, #tpu.memory_space<vmem>>, vector<2000x128xf32>
    %get3A_2 = arith.constant 0 : index
    %get3A_3 = arith.constant 0 : index
    %get3A_4 = vector.load %arg2[%get3A_2, %get3A_3] : memref<128x256xf32, #tpu.memory_space<vmem>>, vector<128x256xf32>
    %dot_general3A = arith.constant dense<0.000000e+00> : vector<2000x256xf32>
    %dot_general3A_5 = tpu.matmul %get3A_1, %get3A_4, %dot_general3A {dimension_numbers = #tpu.dot_dimension_numbers<[1], [0], [0], [1], [0, 0, 1, 1], [], []>, transpose_lhs_hint = false} : vector<2000x128xf32>, vector<128x256xf32>, vector<2000x256xf32> -> vector<2000x256xf32>
    %slice3A = vector.extract_strided_slice %dot_general3A_5 {offsets = [0, 0], sizes = [2000, 128], strides = [1, 1]} : vector<2000x256xf32> to vector<2000x128xf32>
    %swap3A = arith.constant 0 : index
    %swap3A_6 = arith.constant 0 : index
    %swap3A_7 = vector.load %arg3[%swap3A, %swap3A_6] : memref<2000x128xf32, #tpu.memory_space<vmem>>, vector<2000x128xf32>
    tpu.vector_store %arg3[%swap3A, %swap3A_6], %slice3A {strides = array<i32>} : memref<2000x128xf32, #tpu.memory_space<vmem>>, vector<2000x128xf32>,
    %slice3A_8 = vector.extract_strided_slice %dot_general3A_5 {offsets = [0, 128], sizes = [2000, 128], strides = [1, 1]} : vector<2000x256xf32> to vector<2000x128xf32>
    %swap3A_9 = arith.constant 0 : index
    %swap3A_10 = arith.constant 0 : index
    %swap3A_11 = vector.load %arg4[%swap3A_9, %swap3A_10] : memref<2000x128xf32, #tpu.memory_space<vmem>>, vector<2000x128xf32>
    tpu.vector_store %arg4[%swap3A_9, %swap3A_10], %slice3A_8 {strides = array<i32>} : memref<2000x128xf32, #tpu.memory_space<vmem>>, vector<2000x128xf32>,
    return
  }
  func.func @transform_0(%arg0: i32) -> (i32, i32) {
    %c0_i32 = arith.constant 0 : i32
    %c0_i32_0 = arith.constant 0 : i32
    return %arg0, %c0_i32 : i32, i32
  }
  func.func @transform_1(%arg0: i32) -> (i32, i32) {
    %c0_i32 = arith.constant 0 : i32
    %c0_i32_0 = arith.constant 0 : i32
    %c0_i32_1 = arith.constant 0 : i32
    return %c0_i32, %c0_i32_0 : i32, i32
  }
  func.func @transform_2(%arg0: i32) -> (i32, i32) {
    %c0_i32 = arith.constant 0 : i32
    %c0_i32_0 = arith.constant 0 : i32
    return %arg0, %c0_i32 : i32, i32
  }
  func.func @transform_3(%arg0: i32) -> (i32, i32) {
    %c0_i32 = arith.constant 0 : i32
    %c0_i32_0 = arith.constant 0 : i32
    return %arg0, %c0_i32 : i32, i32
  }
}

module attributes {stable_mosaic.version = 14 : i64} {
  func.func @_q_body(%arg0: i32, %arg1: memref<4000x16xf32, #tpu.memory_space<vmem>>, %arg2: memref<16x128xf32, #tpu.memory_space<vmem>>, %arg3: memref<1x128xf32, #tpu.memory_space<vmem>>, %arg4: memref<4000x128xf32, #tpu.memory_space<vmem>>) attributes {dimension_semantics = [#tpu.dimension_semantics<arbitrary>], iteration_bounds = array<i64: 81>, scalar_prefetch = 0 : i64, scratch_operands = 0 : i64, tpu.core_type = #tpu.core_type<tc>, window_params = [{transform_indices = @transform_0, window_bounds = array<i64: 4000, 16>}, {pipeline_mode = #tpu.pipeline_mode<synchronous>, transform_indices = @transform_1, window_bounds = array<i64: 16, 128>}, {pipeline_mode = #tpu.pipeline_mode<synchronous>, transform_indices = @transform_2, window_bounds = array<i64: 1, 128>}, {transform_indices = @transform_3, window_bounds = array<i64: 4000, 128>}]} {
    %get3A = arith.constant 0 : index
    %get3A_0 = arith.constant 0 : index
    %get3A_1 = vector.load %arg1[%get3A, %get3A_0] : memref<4000x16xf32, #tpu.memory_space<vmem>>, vector<4000x16xf32>
    %get3A_2 = arith.constant 0 : index
    %get3A_3 = arith.constant 0 : index
    %get3A_4 = vector.load %arg2[%get3A_2, %get3A_3] : memref<16x128xf32, #tpu.memory_space<vmem>>, vector<16x128xf32>
    %dot_general3A = arith.constant dense<0.000000e+00> : vector<4000x128xf32>
    %dot_general3A_5 = tpu.matmul %get3A_1, %get3A_4, %dot_general3A {dimension_numbers = #tpu.dot_dimension_numbers<[1], [0], [0], [1], [0, 0, 1, 1], [], []>, transpose_lhs_hint = false} : vector<4000x16xf32>, vector<16x128xf32>, vector<4000x128xf32> -> vector<4000x128xf32>
    %get3A_6 = arith.constant 0 : index
    %get3A_7 = arith.constant 0 : index
    %get3A_8 = vector.load %arg3[%get3A_6, %get3A_7] : memref<1x128xf32, #tpu.memory_space<vmem>>, vector<1x128xf32>
    %add3A = vector.broadcast %get3A_8 : vector<1x128xf32> to vector<4000x128xf32>
    %add3A_9 = arith.addf %dot_general3A_5, %add3A : vector<4000x128xf32>
    %swap3A = arith.constant 0 : index
    %swap3A_10 = arith.constant 0 : index
    %swap3A_11 = vector.load %arg4[%swap3A, %swap3A_10] : memref<4000x128xf32, #tpu.memory_space<vmem>>, vector<4000x128xf32>
    tpu.vector_store %arg4[%swap3A, %swap3A_10], %add3A_9 {strides = array<i32>} : memref<4000x128xf32, #tpu.memory_space<vmem>>, vector<4000x128xf32>,
    return
  }
  func.func @transform_0(%arg0: i32) -> (i32, i32) {
    %c0_i32 = arith.constant 0 : i32
    %c0_i32_0 = arith.constant 0 : i32
    return %arg0, %c0_i32 : i32, i32
  }
  func.func @transform_1(%arg0: i32) -> (i32, i32) {
    %c0_i32 = arith.constant 0 : i32
    %c0_i32_0 = arith.constant 0 : i32
    %c0_i32_1 = arith.constant 0 : i32
    return %c0_i32, %c0_i32_0 : i32, i32
  }
  func.func @transform_2(%arg0: i32) -> (i32, i32) {
    %c0_i32 = arith.constant 0 : i32
    %c0_i32_0 = arith.constant 0 : i32
    %c0_i32_1 = arith.constant 0 : i32
    return %c0_i32, %c0_i32_0 : i32, i32
  }
  func.func @transform_3(%arg0: i32) -> (i32, i32) {
    %c0_i32 = arith.constant 0 : i32
    %c0_i32_0 = arith.constant 0 : i32
    return %arg0, %c0_i32 : i32, i32
  }
}

module attributes {stable_mosaic.version = 14 : i64} {
  func.func @_fin_body(%arg0: i32, %arg1: memref<2x2048x128xf32, #tpu.memory_space<vmem>>, %arg2: memref<2x2048x128xf32, #tpu.memory_space<vmem>>, %arg3: memref<2048x128xf32, #tpu.memory_space<vmem>>, %arg4: memref<128x128xf32, #tpu.memory_space<vmem>>, %arg5: memref<128x128xf32, #tpu.memory_space<vmem>>, %arg6: memref<128x128xf32, #tpu.memory_space<vmem>>, %arg7: memref<128x128xf32, #tpu.memory_space<vmem>>, %arg8: memref<1x128xf32, #tpu.memory_space<vmem>>, %arg9: memref<1x128xf32, #tpu.memory_space<vmem>>, %arg10: memref<1x128xf32, #tpu.memory_space<vmem>>, %arg11: memref<1x128xf32, #tpu.memory_space<vmem>>, %arg12: memref<1x128xf32, #tpu.memory_space<vmem>>, %arg13: memref<2048x128xf32, #tpu.memory_space<vmem>>) attributes {dimension_semantics = [#tpu.dimension_semantics<arbitrary>], iteration_bounds = array<i64: 5>, scalar_prefetch = 0 : i64, scratch_operands = 0 : i64, tpu.core_type = #tpu.core_type<tc>, window_params = [{transform_indices = @transform_0, window_bounds = array<i64: 2, 2048, 128>}, {transform_indices = @transform_1, window_bounds = array<i64: 2, 2048, 128>}, {transform_indices = @transform_2, window_bounds = array<i64: 2048, 128>}, {pipeline_mode = #tpu.pipeline_mode<synchronous>, transform_indices = @transform_3, window_bounds = array<i64: 128, 128>}, {pipeline_mode = #tpu.pipeline_mode<synchronous>, transform_indices = @transform_4, window_bounds = array<i64: 128, 128>}, {pipeline_mode = #tpu.pipeline_mode<synchronous>, transform_indices = @transform_5, window_bounds = array<i64: 128, 128>}, {pipeline_mode = #tpu.pipeline_mode<synchronous>, transform_indices = @transform_6, window_bounds = array<i64: 128, 128>}, {pipeline_mode = #tpu.pipeline_mode<synchronous>, transform_indices = @transform_7, window_bounds = array<i64: 1, 128>}, {pipeline_mode = #tpu.pipeline_mode<synchronous>, transform_indices = @transform_8, window_bounds = array<i64: 1, 128>}, {pipeline_mode = #tpu.pipeline_mode<synchronous>, transform_indices = @transform_9, window_bounds = array<i64: 1, 128>}, {pipeline_mode = #tpu.pipeline_mode<synchronous>, transform_indices = @transform_10, window_bounds = array<i64: 1, 128>}, {pipeline_mode = #tpu.pipeline_mode<synchronous>, transform_indices = @transform_11, window_bounds = array<i64: 1, 128>}, {transform_indices = @transform_12, window_bounds = array<i64: 2048, 128>}]} {
    %get3A = arith.constant 0 : index
    %get3A_0 = arith.constant 0 : index
    %get3A_1 = arith.constant 0 : index
    %get3A_2 = vector.load %arg1[%get3A, %get3A_0, %get3A_1] : memref<2x2048x128xf32, #tpu.memory_space<vmem>>, vector<1x2048x128xf32>
    %get3A_3 = vector.shape_cast %get3A_2 : vector<1x2048x128xf32> to vector<2048x128xf32>
    %get3A_4 = arith.constant 1 : index
    %get3A_5 = arith.constant 0 : index
    %get3A_6 = arith.constant 0 : index
    %get3A_7 = vector.load %arg1[%get3A_4, %get3A_5, %get3A_6] : memref<2x2048x128xf32, #tpu.memory_space<vmem>>, vector<1x2048x128xf32>
    %get3A_8 = vector.shape_cast %get3A_7 : vector<1x2048x128xf32> to vector<2048x128xf32>
    %add3A = arith.addf %get3A_3, %get3A_8 : vector<2048x128xf32>
    %get3A_9 = arith.constant 0 : index
    %get3A_10 = arith.constant 0 : index
    %get3A_11 = arith.constant 0 : index
    %get3A_12 = vector.load %arg2[%get3A_9, %get3A_10, %get3A_11] : memref<2x2048x128xf32, #tpu.memory_space<vmem>>, vector<1x2048x1xf32>
    %get3A_13 = vector.shape_cast %get3A_12 : vector<1x2048x1xf32> to vector<2048x1xf32>
    %get3A_14 = arith.constant 1 : index
    %get3A_15 = arith.constant 0 : index
    %get3A_16 = arith.constant 0 : index
    %get3A_17 = vector.load %arg2[%get3A_14, %get3A_15, %get3A_16] : memref<2x2048x128xf32, #tpu.memory_space<vmem>>, vector<1x2048x1xf32>
    %get3A_18 = vector.shape_cast %get3A_17 : vector<1x2048x1xf32> to vector<2048x1xf32>
    %add3A_19 = arith.addf %get3A_13, %get3A_18 : vector<2048x1xf32>
    %get3A_20 = arith.constant 0 : index
    %get3A_21 = arith.constant 0 : index
    %get3A_22 = vector.load %arg4[%get3A_20, %get3A_21] : memref<128x128xf32, #tpu.memory_space<vmem>>, vector<128x128xf32>
    %dot_general3A = arith.constant dense<0.000000e+00> : vector<2048x128xf32>
    %dot_general3A_23 = tpu.matmul %add3A, %get3A_22, %dot_general3A {dimension_numbers = #tpu.dot_dimension_numbers<[1], [0], [0], [1], [0, 0, 1, 1], [], []>, transpose_lhs_hint = false} : vector<2048x128xf32>, vector<128x128xf32>, vector<2048x128xf32> -> vector<2048x128xf32>
    %get3A_24 = arith.constant 0 : index
    %get3A_25 = arith.constant 0 : index
    %get3A_26 = vector.load %arg8[%get3A_24, %get3A_25] : memref<1x128xf32, #tpu.memory_space<vmem>>, vector<1x128xf32>
    %mul3A = vector.broadcast %add3A_19 : vector<2048x1xf32> to vector<2048x128xf32>
    %mul3A_27 = vector.broadcast %get3A_26 : vector<1x128xf32> to vector<2048x128xf32>
    %mul3A_28 = arith.mulf %mul3A, %mul3A_27 : vector<2048x128xf32>
    %add3A_29 = arith.addf %dot_general3A_23, %mul3A_28 : vector<2048x128xf32>
    %add3A_30 = arith.constant 9.99999993E-9 : f32
    %add3A_31 = vector.broadcast %add3A_30 : f32 to vector<2048x1xf32>
    %add3A_32 = arith.addf %add3A_19, %add3A_31 : vector<2048x1xf32>
    %div3A = vector.broadcast %add3A_32 : vector<2048x1xf32> to vector<2048x128xf32>
    %div3A_33 = arith.divf %add3A_29, %div3A : vector<2048x128xf32>
    %get3A_34 = arith.constant 0 : index
    %get3A_35 = arith.constant 0 : index
    %get3A_36 = vector.load %arg3[%get3A_34, %get3A_35] : memref<2048x128xf32, #tpu.memory_space<vmem>>, vector<2048x128xf32>
    %get3A_37 = arith.constant 0 : index
    %get3A_38 = arith.constant 0 : index
    %get3A_39 = vector.load %arg5[%get3A_37, %get3A_38] : memref<128x128xf32, #tpu.memory_space<vmem>>, vector<128x128xf32>
    %dot_general3A_40 = arith.constant dense<0.000000e+00> : vector<2048x128xf32>
    %dot_general3A_41 = tpu.matmul %get3A_36, %get3A_39, %dot_general3A_40 {dimension_numbers = #tpu.dot_dimension_numbers<[1], [0], [0], [1], [0, 0, 1, 1], [], []>, transpose_lhs_hint = false} : vector<2048x128xf32>, vector<128x128xf32>, vector<2048x128xf32> -> vector<2048x128xf32>
    %get3A_42 = arith.constant 0 : index
    %get3A_43 = arith.constant 0 : index
    %get3A_44 = vector.load %arg6[%get3A_42, %get3A_43] : memref<128x128xf32, #tpu.memory_space<vmem>>, vector<128x128xf32>
    %dot_general3A_45 = arith.constant dense<0.000000e+00> : vector<2048x128xf32>
    %dot_general3A_46 = tpu.matmul %div3A_33, %get3A_44, %dot_general3A_45 {dimension_numbers = #tpu.dot_dimension_numbers<[1], [0], [0], [1], [0, 0, 1, 1], [], []>, transpose_lhs_hint = false} : vector<2048x128xf32>, vector<128x128xf32>, vector<2048x128xf32> -> vector<2048x128xf32>
    %add3A_47 = arith.addf %dot_general3A_41, %dot_general3A_46 : vector<2048x128xf32>
    %get3A_48 = arith.constant 0 : index
    %get3A_49 = arith.constant 0 : index
    %get3A_50 = vector.load %arg9[%get3A_48, %get3A_49] : memref<1x128xf32, #tpu.memory_space<vmem>>, vector<1x128xf32>
    %add3A_51 = vector.broadcast %get3A_50 : vector<1x128xf32> to vector<2048x128xf32>
    %add3A_52 = arith.addf %add3A_47, %add3A_51 : vector<2048x128xf32>
    %mul3A_53 = arith.constant 5.000000e-01 : f32
    %mul3A_54 = vector.broadcast %mul3A_53 : f32 to vector<2048x128xf32>
    %mul3A_55 = arith.mulf %mul3A_54, %add3A_52 : vector<2048x128xf32>
    %mul3A_56 = arith.constant 4.471500e-02 : f32
    %mul3A_57 = vector.broadcast %mul3A_56 : f32 to vector<2048x128xf32>
    %mul3A_58 = arith.mulf %mul3A_57, %add3A_52 : vector<2048x128xf32>
    %mul3A_59 = arith.mulf %mul3A_58, %add3A_52 : vector<2048x128xf32>
    %mul3A_60 = arith.mulf %mul3A_59, %add3A_52 : vector<2048x128xf32>
    %add3A_61 = arith.addf %add3A_52, %mul3A_60 : vector<2048x128xf32>
    %mul3A_62 = arith.constant 0.797884583 : f32
    %mul3A_63 = vector.broadcast %mul3A_62 : f32 to vector<2048x128xf32>
    %mul3A_64 = arith.mulf %mul3A_63, %add3A_61 : vector<2048x128xf32>
    %tanh3A = math.tanh %mul3A_64 : vector<2048x128xf32>
    %add3A_65 = arith.constant 1.000000e+00 : f32
    %add3A_66 = vector.broadcast %add3A_65 : f32 to vector<2048x128xf32>
    %add3A_67 = arith.addf %add3A_66, %tanh3A : vector<2048x128xf32>
    %mul3A_68 = arith.mulf %mul3A_55, %add3A_67 : vector<2048x128xf32>
    %get3A_69 = arith.constant 0 : index
    %get3A_70 = arith.constant 0 : index
    %get3A_71 = vector.load %arg7[%get3A_69, %get3A_70] : memref<128x128xf32, #tpu.memory_space<vmem>>, vector<128x128xf32>
    %dot_general3A_72 = arith.constant dense<0.000000e+00> : vector<2048x128xf32>
    %dot_general3A_73 = tpu.matmul %mul3A_68, %get3A_71, %dot_general3A_72 {dimension_numbers = #tpu.dot_dimension_numbers<[1], [0], [0], [1], [0, 0, 1, 1], [], []>, transpose_lhs_hint = false} : vector<2048x128xf32>, vector<128x128xf32>, vector<2048x128xf32> -> vector<2048x128xf32>
    %get3A_74 = arith.constant 0 : index
    %get3A_75 = arith.constant 0 : index
    %get3A_76 = vector.load %arg10[%get3A_74, %get3A_75] : memref<1x128xf32, #tpu.memory_space<vmem>>, vector<1x128xf32>
    %add3A_77 = vector.broadcast %get3A_76 : vector<1x128xf32> to vector<2048x128xf32>
    %add3A_78 = arith.addf %dot_general3A_73, %add3A_77 : vector<2048x128xf32>
    %add3A_79 = arith.addf %add3A_78, %get3A_36 : vector<2048x128xf32>
    %reduce_sum3A = arith.constant dense<0.000000e+00> : vector<2048xf32>
    %reduce_sum3A_80 = vector.multi_reduction <add>, %add3A_79, %reduce_sum3A [1] : vector<2048x128xf32> to vector<2048xf32>
    %broadcast_in_dim3A = vector.shape_cast %reduce_sum3A_80 : vector<2048xf32> to vector<2048x1xf32>
    %div3A_81 = arith.constant 1.280000e+02 : f32
    %div3A_82 = vector.broadcast %div3A_81 : f32 to vector<2048x1xf32>
    %div3A_83 = arith.divf %broadcast_in_dim3A, %div3A_82 : vector<2048x1xf32>
    %sub3A = vector.broadcast %div3A_83 : vector<2048x1xf32> to vector<2048x128xf32>
    %sub3A_84 = arith.subf %add3A_79, %sub3A : vector<2048x128xf32>
    %mul3A_85 = arith.mulf %sub3A_84, %sub3A_84 : vector<2048x128xf32>
    %reduce_sum3A_86 = arith.constant dense<0.000000e+00> : vector<2048xf32>
    %reduce_sum3A_87 = vector.multi_reduction <add>, %mul3A_85, %reduce_sum3A_86 [1] : vector<2048x128xf32> to vector<2048xf32>
    %broadcast_in_dim3A_88 = vector.shape_cast %reduce_sum3A_87 : vector<2048xf32> to vector<2048x1xf32>
    %div3A_89 = arith.constant 1.280000e+02 : f32
    %div3A_90 = vector.broadcast %div3A_89 : f32 to vector<2048x1xf32>
    %div3A_91 = arith.divf %broadcast_in_dim3A_88, %div3A_90 : vector<2048x1xf32>
    %add3A_92 = arith.constant 9.99999974E-6 : f32
    %add3A_93 = vector.broadcast %add3A_92 : f32 to vector<2048x1xf32>
    %add3A_94 = arith.addf %div3A_91, %add3A_93 : vector<2048x1xf32>
    %rsqrt3A = math.rsqrt %add3A_94 : vector<2048x1xf32>
    %mul3A_95 = vector.broadcast %rsqrt3A : vector<2048x1xf32> to vector<2048x128xf32>
    %mul3A_96 = arith.mulf %sub3A_84, %mul3A_95 : vector<2048x128xf32>
    %get3A_97 = arith.constant 0 : index
    %get3A_98 = arith.constant 0 : index
    %get3A_99 = vector.load %arg11[%get3A_97, %get3A_98] : memref<1x128xf32, #tpu.memory_space<vmem>>, vector<1x128xf32>
    %mul3A_100 = vector.broadcast %get3A_99 : vector<1x128xf32> to vector<2048x128xf32>
    %mul3A_101 = arith.mulf %mul3A_96, %mul3A_100 : vector<2048x128xf32>
    %get3A_102 = arith.constant 0 : index
    %get3A_103 = arith.constant 0 : index
    %get3A_104 = vector.load %arg12[%get3A_102, %get3A_103] : memref<1x128xf32, #tpu.memory_space<vmem>>, vector<1x128xf32>
    %add3A_105 = vector.broadcast %get3A_104 : vector<1x128xf32> to vector<2048x128xf32>
    %add3A_106 = arith.addf %mul3A_101, %add3A_105 : vector<2048x128xf32>
    %swap3A = arith.constant 0 : index
    %swap3A_107 = arith.constant 0 : index
    %swap3A_108 = vector.load %arg13[%swap3A, %swap3A_107] : memref<2048x128xf32, #tpu.memory_space<vmem>>, vector<2048x128xf32>
    tpu.vector_store %arg13[%swap3A, %swap3A_107], %add3A_106 {strides = array<i32>} : memref<2048x128xf32, #tpu.memory_space<vmem>>, vector<2048x128xf32>,
    return
  }
  func.func @transform_0(%arg0: i32) -> (i32, i32, i32) {
    %c0_i32 = arith.constant 0 : i32
    %c0_i32_0 = arith.constant 0 : i32
    %c0_i32_1 = arith.constant 0 : i32
    return %c0_i32, %arg0, %c0_i32_0 : i32, i32, i32
  }
  func.func @transform_1(%arg0: i32) -> (i32, i32, i32) {
    %c0_i32 = arith.constant 0 : i32
    %c0_i32_0 = arith.constant 0 : i32
    %c0_i32_1 = arith.constant 0 : i32
    return %c0_i32, %arg0, %c0_i32_0 : i32, i32, i32
  }
  func.func @transform_2(%arg0: i32) -> (i32, i32) {
    %c0_i32 = arith.constant 0 : i32
    %c0_i32_0 = arith.constant 0 : i32
    return %arg0, %c0_i32 : i32, i32
  }
  func.func @transform_3(%arg0: i32) -> (i32, i32) {
    %c0_i32 = arith.constant 0 : i32
    %c0_i32_0 = arith.constant 0 : i32
    %c0_i32_1 = arith.constant 0 : i32
    return %c0_i32, %c0_i32_0 : i32, i32
  }
  func.func @transform_4(%arg0: i32) -> (i32, i32) {
    %c0_i32 = arith.constant 0 : i32
    %c0_i32_0 = arith.constant 0 : i32
    %c0_i32_1 = arith.constant 0 : i32
    return %c0_i32, %c0_i32_0 : i32, i32
  }
  func.func @transform_5(%arg0: i32) -> (i32, i32) {
    %c0_i32 = arith.constant 0 : i32
    %c0_i32_0 = arith.constant 0 : i32
    %c0_i32_1 = arith.constant 0 : i32
    return %c0_i32, %c0_i32_0 : i32, i32
  }
  func.func @transform_6(%arg0: i32) -> (i32, i32) {
    %c0_i32 = arith.constant 0 : i32
    %c0_i32_0 = arith.constant 0 : i32
    %c0_i32_1 = arith.constant 0 : i32
    return %c0_i32, %c0_i32_0 : i32, i32
  }
  func.func @transform_7(%arg0: i32) -> (i32, i32) {
    %c0_i32 = arith.constant 0 : i32
    %c0_i32_0 = arith.constant 0 : i32
    %c0_i32_1 = arith.constant 0 : i32
    return %c0_i32, %c0_i32_0 : i32, i32
  }
  func.func @transform_8(%arg0: i32) -> (i32, i32) {
    %c0_i32 = arith.constant 0 : i32
    %c0_i32_0 = arith.constant 0 : i32
    %c0_i32_1 = arith.constant 0 : i32
    return %c0_i32, %c0_i32_0 : i32, i32
  }
  func.func @transform_9(%arg0: i32) -> (i32, i32) {
    %c0_i32 = arith.constant 0 : i32
    %c0_i32_0 = arith.constant 0 : i32
    %c0_i32_1 = arith.constant 0 : i32
    return %c0_i32, %c0_i32_0 : i32, i32
  }
  func.func @transform_10(%arg0: i32) -> (i32, i32) {
    %c0_i32 = arith.constant 0 : i32
    %c0_i32_0 = arith.constant 0 : i32
    %c0_i32_1 = arith.constant 0 : i32
    return %c0_i32, %c0_i32_0 : i32, i32
  }
  func.func @transform_11(%arg0: i32) -> (i32, i32) {
    %c0_i32 = arith.constant 0 : i32
    %c0_i32_0 = arith.constant 0 : i32
    %c0_i32_1 = arith.constant 0 : i32
    return %c0_i32, %c0_i32_0 : i32, i32
  }
  func.func @transform_12(%arg0: i32) -> (i32, i32) {
    %c0_i32 = arith.constant 0 : i32
    %c0_i32_0 = arith.constant 0 : i32
    return %arg0, %c0_i32 : i32, i32
  }
}

</mosaic_0001>

<sc_bundles>
// kernel: kernel.10.cloned.1.call-start
scs
__scs_entry_jumppad:
0x0: {  	(pc) =	sbr.rel $0x88, $3  }
0x1: {  	(tag) =	ssettag $0x0;
	lr =	simm.s32 $0x1  }
0x2: {  	[smem:$0x3F94] =	sst lr;
	_ =	strace $0xD0000000  }
0x3: {  	_ = 	snop  }
0x4: {  	_ = 	snop  }
0x5: {  	_ = 	snop  }
0x6: {  	_ = 	snop  }
0x7: {  	_ = 	snop  }
__scs_overlays_trampoline_lowered:
0x8: {  	[smem:$0x3FA3] =	sst s0  }
0x9: {  	[smem:$0x3FA4] =	sst s1  }
0xa: {  	[smem:$0x3FA5] =	sst s2  }
0xb: {  	[smem:$0x3FA6] =	sst s3  }
0xc: {  	[smem:$0x3FA7] =	sst s4  }
0xd: {  	[smem:$0x3FA8] =	sst s5  }
0xe: {  	[smem:$0x3FA9] =	sst s6  }
0xf: {  	[smem:$0x3FAA] =	sst s7  }
0x10: {  	[smem:$0x3FAB] =	sst s8  }
0x11: {  	[smem:$0x3FAC] =	sst s9;
	s0 =	simm.s32 @!p0 $0x0  }
0x12: {  	s1 =	sld [smem:$0x3F92];
	s0 =	simm.s32 @p0 $0x1  }
0x13: {  	[smem:$0x3FAD] =	sst s0;
	s0 =	simm.s32 @!p1 $0x0  }
0x14: {  	s2 =	sld [smem:$0x3F91];
	s0 =	simm.s32 @p1 $0x1  }
0x15: {  	[smem:$0x3FAE] =	sst s0;
	s0 =	simm.s32 @!p2 $0x0  }
0x16: {  	s3 =	sld [smem:$0x3FDB];
	s0 =	simm.s32 @p2 $0x1  }
0x17: {  	s4 =	simm.s32 $0x1BF5;
	[smem:$0x3FB0] =	sst s0  }
0x18: {  	s0 =	sld [smem:$0x3F93];
	_ =	swait.ge [sflag:s4], $0x0  }
0x19: {  	s7 =	sld [smem:$0x3F94]  }
0x1a: {  	s8 =	sadd.s32 $0xFFFFE003, lr  }
0x1b: {  	s9 =	sadd.s32 $0xFFFFFEF7, lr;
	s5 =	simm.s32 $0xFFFFFFFF;
	p2 =	slt.u32 s8, $0xFFFFF086  }
0x1c: {  	p1 =	slt.u32 s9, $0xF7A;
	s5 =	simm.s32 @!p2 $0x0  }
0x1d: {  	s5 =	simm.s32 @p1 $0x1;
	p0 =	seq.s32 s7, s2  }
0x1e: {  	s7 =	smul.u32 @!p0 $0xF7A, s2;
	p2 =	seq.s32 @!p0 s5, $0x0  }
0x1f: {  	s9 =	smul.u32 $0xF7A, s1;
	s8 =	simm.s32 @!p0 $0x1BF5;
	p2 =	por !p2, p0  }
0x20: {  	[sflag:s8] =	ssyncset.s32 @!p0 $0xFFFFF086;
	s6 =	sadd.s32 @!p0 s3, s7;
	s7 =	simm.s32 @!p0 $0x108  }
0x21: {  	s3 =	sadd.s32 s3, s9;
	s6 =	sadd.s32 @!p0 $0x88, s6;
	s7 =	simm.s32 @p2 $0x1082  }
0x22: {  	[simem:s7], [sflag:s8] =	dma.local @!p0 [hbm:s6], $0xF7A  }
0x23: {  	s9 =	sor.u32 $0xD0000000, s2;
	s6 =	simm.s32 $0x108;
	_ =	swait.ge @!p0 [sflag:s8], $0x0  }
0x24: {  	s3 =	sadd.s32 $0x88, s3;
	s6 =	simm.s32 @!p1 $0x1082;
	[sflag:s4] =	ssyncset.s32 $0xFFFFF086  }
0x25: {  	[simem:s6], [sflag:s4] =	dma.local [hbm:s3], $0xF7A  }
0x26: {  	[smem:$0x3F94] =	sst s1;
	(tag) =	ssettag s2;
	_ =	strace s9  }
0x27: {  	s1 =	sld [smem:$0x3FA4]  }
0x28: {  	s2 =	sld [smem:$0x3FA5]  }
0x29: {  	s4 =	sld [smem:$0x3FA7]  }
0x2a: {  	p0 =	seq.s32 s5, $0x0;
	s5 =	sld [smem:$0x3FA8]  }
0x2b: {  	s6 =	sld [smem:$0x3FA9]  }
0x2c: {  	s7 =	sld [smem:$0x3FAA]  }
0x2d: {  	s3 =	simm.s32 $0x108;
	s8 =	sld [smem:$0x3FAB]  }
0x2e: {  	s3 =	simm.s32 @!p0 $0x1082;
	s9 =	sld [smem:$0x3FAC]  }
0x2f: {  	lr =	sadd.s32 s0, s3;
	s0 =	sld [smem:$0x3FA3]  }
0x30: {  	s3 =	sld [smem:$0x3FA6]  }
0x31: {  	[smem:$0x3FAF] =	sst s10  }
0x32: {  	s10 =	sld [smem:$0x3FAD];
	_ =	sdelay $0x3  }
0x33: {  	p0 =	seq.s32 s10, $0x1;
	s10 =	sld [smem:$0x3FAF];
	_ =	sdelay $0x3  }
0x34: {  	[smem:$0x3FAF] =	sst s10  }
0x35: {  	s10 =	sld [smem:$0x3FAE];
	_ =	sdelay $0x3  }
0x36: {  	p1 =	seq.s32 s10, $0x1;
	s10 =	sld [smem:$0x3FAF];
	_ =	sdelay $0x3  }
0x37: {  	[smem:$0x3FAF] =	sst s10  }
0x38: {  	s10 =	sld [smem:$0x3FB0]  }
0x39: {  	_ = 	snop;
	(pc) =	sbr.ind lr, $3  }
0x3a: {  	_ = 	snop  }
0x3b: {  	_ = 	snop  }
0x3c: {  	p2 =	seq.s32 s10, $0x1;
	s10 =	sld [smem:$0x3FAF]  }
0x3d: {  	_ =	shalt  }
0x3e: {  	_ =	shalt  }
0x3f: {  	_ =	shalt  }
0x40: {  	_ =	shalt  }
0x41: {  	_ =	shalt  }
0x42: {  	_ =	shalt  }
0x43: {  	_ =	shalt  }
0x44: {  	_ =	shalt  }
0x45: {  	_ =	shalt  }
0x46: {  	_ =	shalt  }
0x47: {  	_ =	shalt  }
0x48: {  	_ =	shalt  }
0x49: {  	_ =	shalt  }
0x4a: {  	_ =	shalt  }
0x4b: {  	_ =	shalt  }
0x4c: {  	_ =	shalt  }
0x4d: {  	_ =	shalt  }
0x4e: {  	_ =	shalt  }
0x4f: {  	_ =	shalt  }
0x50: {  	_ =	shalt  }
0x51: {  	_ =	shalt  }
0x52: {  	_ =	shalt  }
0x53: {  	_ =	shalt  }
0x54: {  	_ =	shalt  }
0x55: {  	_ =	shalt  }
0x56: {  	_ =	shalt  }
0x57: {  	_ =	shalt  }
0x58: {  	_ =	shalt  }
0x59: {  	_ =	shalt  }
0x5a: {  	_ =	shalt  }
0x5b: {  	_ =	shalt  }
0x5c: {  	_ =	shalt  }
0x5d: {  	_ =	shalt  }
0x5e: {  	_ =	shalt  }
0x5f: {  	_ =	shalt  }
0x60: {  	_ =	shalt  }
0x61: {  	_ =	shalt  }
0x62: {  	_ =	shalt  }
0x63: {  	_ =	shalt  }
0x64: {  	_ =	shalt  }
0x65: {  	_ =	shalt  }
0x66: {  	_ =	shalt  }
0x67: {  	_ =	shalt  }
0x68: {  	_ =	shalt  }
0x69: {  	_ =	shalt  }
0x6a: {  	_ =	shalt  }
0x6b: {  	_ =	shalt  }
0x6c: {  	_ =	shalt  }
0x6d: {  	_ =	shalt  }
0x6e: {  	_ =	shalt  }
0x6f: {  	_ =	shalt  }
0x70: {  	_ =	shalt  }
0x71: {  	_ =	shalt  }
0x72: {  	_ =	shalt  }
0x73: {  	_ =	shalt  }
0x74: {  	_ =	shalt  }
0x75: {  	_ =	shalt  }
0x76: {  	_ =	shalt  }
0x77: {  	_ =	shalt  }
0x78: {  	_ =	shalt  }
0x79: {  	_ =	shalt  }
0x7a: {  	_ =	shalt  }
0x7b: {  	_ =	shalt  }
0x7c: {  	_ =	shalt  }
0x7d: {  	_ =	shalt  }
0x7e: {  	_ =	shalt  }
0x7f: {  	_ =	shalt  }
0x80: {  	_ =	shalt  }
0x81: {  	_ =	shalt  }
0x82: {  	_ =	shalt  }
0x83: {  	_ =	shalt  }
0x84: {  	_ =	shalt  }
0x85: {  	_ =	shalt  }
0x86: {  	_ =	shalt  }
0x87: {  	_ =	shalt  }
.Lfunc_end0:
.L_simem_size_0:
called_computation.1_lowered:
.L_overlay_start_0:
0x88: {  	s2 =	sld [smem:$0x3FD9]  }
0x89: {  	s3 =	sld [smem:$0x3FFE];
	_ =	sdelay $0x1  }
0x8a: {  	s1 =	srdreg.scid  }
0x8b: {  	s0 =	sand.u32 $0x1, s1  }
0x8c: {  	s17 =	sshll.u32 s0, $0xA;
	s2 =	sadd.s32 s3, s2  }
0x8d: {  	s2 =	sadd.s32 s2, s17  }
0x8e: {  	[smem:$0x3FBB] =	sst s2  }
0x8f: {  	_ = 	snop  }
0x90: {  	(tm) =	ssettm $0x1  }
0x91: {  	s18 =	sld [smem:$0x3FFB];
	_ =	sdelay $0x3  }
0x92: {  	_ =	strace s18  }
0x93: {  	s2 =	sld [smem:$0x3FFC];
	_ =	sdelay $0x3  }
0x94: {  	_ =	strace s2  }
0x95: {  	s2 =	sld [smem:$0x3FFD];
	_ =	sdelay $0x3  }
0x96: {  	_ =	strace s2  }
0x97: {  	_ =	strace $0x8FFFFFFF  }
0x98: {  	s19 =	sld [smem:$0x3FDB];
	_ =	sdelay $0x1  }
0x99: {  	s20 =	simm.s32 $_scs_section_size  }
0x9a: {  	s4 =	simm.s32 $_size__tile_overlayer_lowered;
	s5 =	simm.s32 $_tile_overlayer_lowered  }
0x9b: {  	s6 =	simm.s32 $0x1BFF;
	s21 =	sshll.u32 s5, $0x1;
	s3 =	sadd.s32 s20, s19  }
0x9c: {  	s22 =	simm.s32 $0x0;
	s4 =	sshll.u32 s4, $0x1;
	s5 =	sadd.s32 s21, s3  }
0x9d: {  	[timem:s22], [sflag:s6] =	dma.local [hbm:s5], s4  }
0x9e: {  	_ =	swait.ge [sflag:s6], s4  }
0x9f: {  	s4 =	ssub.s32 $0x0, s4;
	[sflag:s6] =	ssyncset.done $0x0  }
0xa0: {  	[sflag:s6] =	ssyncadd.s32 s4;
	_ =	sdelay $0x1  }
0xa1: {  	s23 =	simm.s32 $0x1B8B  }
0xa2: {  	_ =	swait.ge [sflag:s23], $0x1  }
0xa3: {  	[sflag:s23] =	ssyncset.done $0x0  }
0xa4: {  	[sflag:s23] =	ssyncadd.s32 $0xFFFFFFFF  }
0xa5: {  	s4 =	sld [smem:$0x0]  }
0xa6: {  	s5 =	sand.u32 $0xFFFFFFFE, s1  }
0xa7: {  	p0 =	sne.s32 s1, s5  }
0xa8: {  	s5 =	sshll.u32 @p0 s5, $0xE  }
0xa9: {  	s5 =	sadd.s32 @p0 $0x11B8D, s5;
	s6 =	sshll.u32 @p0 s4, $0x11  }
0xaa: {  	s5 =	sor.u32 @p0 s6, s5  }
0xab: {  	[sflag:s5] =	ssyncadd.remote.s32 @p0 $0x1;
	_ =	sdelay $0x1  }
0xac: {  	s5 =	simm.s32 @p0 $0x1B8D  }
0xad: {  	_ =	swait.eq @p0 [sflag:s5], $0x1  }
0xae: {  	[sflag:s5] =	ssyncadd.s32 @p0 $0xFFFFFFFF  }
0xaf: {  	s6 =	sshll.u32 @!p0 s1, $0xE  }
0xb0: {  	s6 =	sor.u32 @!p0 $0x4000, s6;
	s5 =	simm.s32 @!p0 $0x1B8D  }
0xb1: {  	s4 =	sshll.u32 @!p0 s4, $0x11;
	s6 =	sadd.s32 @!p0 $0x11B8D, s6;
	_ =	swait.eq @!p0 [sflag:s5], $0x1  }
0xb2: {  	s4 =	sor.u32 @!p0 s4, s6;
	[sflag:s5] =	ssyncadd.s32 @!p0 $0xFFFFFFFF  }
0xb3: {  	s25 =	simm.s32 $0x1B8E;
	s24 =	sld [smem:$0x3FFE];
	[sflag:s4] =	ssyncadd.remote.s32 @!p0 $0x1  }
0xb4: {  	s26 =	simm.s32 $execute0_lowered;
	[smem:$0x3FD2] =	sst s25  }
0xb5: {  	s5 =	sshll.u32 s26, $0x1;
	_ =	strace $0x80000049;
	[dreg:$0x1] =	wrdreg $0xFFFFFFFF  }
0xb6: {  	s28 =	simm.s32 $_size_execute0_lowered;
	s3 =	sadd.s32 s3, s5;
	[dreg:$0x0] =	wrdreg $0x0  }
0xb7: {  	s5 =	sshll.u32 s28, $0x1;
	[dreg:$0x2] =	wrdreg s3  }
0xb8: {  	[dreg:$0x3] =	wrdreg s5  }
0xb9: {  	[dreg:$0x4] =	wrdreg $0xC0  }
0xba: {  	_ =	task [dreg:s22], $0x5FFFF  }
0xbb: {  	[dreg:$0x1] =	wrdreg $0xFFFFFFFF  }
0xbc: {  	[dreg:$0x0] =	wrdreg $0x60  }
0xbd: {  	[dreg:$0x2] =	wrdreg s24  }
0xbe: {  	[dreg:$0x3] =	wrdreg $0x29000  }
0xbf: {  	[dreg:$0x4] =	wrdreg $0xA  }
0xc0: {  	_ =	task.clear_ibuf [dreg:s22], $0x5FFFF;
	_ =	strace $0x90000049  }
0xc1: {  	s29 =	simm.s32 $0xA;
	_ =	strace $0x8000004B  }
0xc2: {  	_ =	swait.ge [sflag:s29], $0x1  }
0xc3: {  	[sflag:s29] =	ssyncadd.s32 $0xFFFFFFFF  }
0xc4: {  	_ =	strace $0x9000004B  }
0xc5: {  	_ =	sfence  }
0xc6: {  	s30 =	sld [smem:$0x0];
	_ =	sdelay $0x2  }
0xc7: {  	s31 =	sshll.u32 s1, $0xD;
	s1 =	sshrl.u32 s1, $0x2  }
0xc8: {  	s4 =	sand.u32 $0x4000, s31;
	s1 =	sadd.s32 s1, s30  }
0xc9: {  	s0 =	sor.u32 s4, s0;
	s1 =	sshll.u32 s1, $0x11  }
0xca: {  	s0 =	sor.u32 s1, s0  }
0xcb: {  	s0 =	sadd.s32 $0x8F2B, s0  }
0xcc: {  	[sflag:s0] =	ssyncadd.remote.s32 $0x1  }
0xcd: {  	_ =	sfence.sel $0xFFFF  }
0xce: {  	[dreg:$0x0] =	wrdreg $0xFFFFFFFF;
	(pc) =	sbr.abs _section_cstart, $3  }
0xcf: {  	[dreg:$0x1] =	wrdreg $0xFFFFFFFF  }
0xd0: {  	_ =	task.clear_ibuf [dreg:s22], $0x2FFFF;
	_ =	strace $0x9FFFFFFF  }
0xd1: {  	(tm) =	ssettm $0x7FFFFFFF  }
tec
execute0_lowered:
.L_overlay_start_1:
0x0: {  	(tag) =	ssettag $0x1  }
0x1: {  	s0 =	srdreg.scid;
	s5 =	rddreg [dreg:$0x0]  }
0x2: {  	s15 =	stileid.u32;
	s2 =	rddreg [dreg:$0x1];
	s3 =	simm.s32 $0x0  }
0x3: {  	s28 =	simm.s32 $0x100;
	s29 =	simm.s32 $0x3;
	s1 =	smul.u32 $0x280, s15  }
0x4: {  	s30 =	simm.s32 $0x50;
	s0 =	sand.u32 $0x1, s0;
	s6 =	smul.u32 $0x50000, s15  }
0x5: {  	s31 =	simm.s32 $0x80;
	[smem:$0x7FF] =	sst s3;
	s4 =	smul.u32 $0x2800, s0  }
0x6: {  	_ =	strace $0x8000004A;
	s7 =	ssub.s32 $0x2, s0;
	s20 =	sshll.u32 s0, $0x4  }
0x7: {  	s0 =	smul.u32 $0x27100, s0;
	s6 =	sshrl.u32 s6, $0x2;
	s8 =	sshrl.u32 s7, $0x1  }
0x8: {  	s9 =	sor.u32 s15, s20;
	s15 =	smul.u32 $0x2710, s15;
	s1 =	sadd.s32 s1, s4  }
0x9: {  	s4 =	sadd.s32 $0x4EE800, s5;
	s12 =	smul.u32 $0x2710, s9;
	s1 =	sshll.u32 s1, $0x4  }
0xa: {  	s14 =	ssub.s32 s7, s8;
	s0 =	sadd.s32 s15, s0;
	s1 =	sadd.s32 s1, s5  }
0xb: {  	s5 =	sadd.s32 s6, s2;
	s13 =	sshrl.u32 s12, $0x3;
	s25 =	sadd.s32 $0xF0, s0  }
0xc: {  	s6 =	sadd.s32 $0x2800, s5;
	s7 =	sadd.s32 $0x5000, s5;
	s8 =	sadd.s32 $0x7800, s5  }
0xd: {  	s9 =	sadd.s32 $0xA000, s5;
	s10 =	sadd.s32 $0xC800, s5;
	s11 =	sadd.s32 $0xF000, s5  }
0xe: {  	s12 =	sadd.s32 $0x11800, s5;
	s13 =	sadd.s32 s4, s13;
	s21 =	sadd.s32 $0x52A00, s1  }
0xf: {  	s22 =	sadd.s32 $0x52F00, s1;
	s23 =	sadd.s32 $0x53400, s1;
	[dreg:$0x4] =	wrdreg s21  }
0x10: {  	s24 =	sadd.s32 $0x53900, s1;
	s19 =	sadd.s32 $0x53E00, s1;
	[dreg:$0x5] =	wrdreg s22  }
0x11: {  	s20 =	sadd.s32 $0x54300, s1;
	s26 =	sshrl.u32 s25, $0x3;
	[dreg:$0x6] =	wrdreg s23  }
0x12: {  	s16 =	sadd.s32 $0xA, s13;
	[dreg:$0x7] =	wrdreg s24;
	s21 =	sadd.s32 $0x54800, s1  }
0x13: {  	s22 =	sadd.s32 $0x54D00, s1;
	s23 =	smax.u32 s14, $0x1;
	s24 =	sadd.s32 $0xA0, s0  }
0x14: {  	s25 =	sadd.s32 s26, s4;
	s26 =	sadd.s32 $0x4D8, s13;
	s1 =	simm.s32 $0x1  }
0x15: {  	v0 =	vimm.f32 $0.0e+00;
	v1 =	vimm.f32 $1.000000000e+00;
	s0 =	simm.s32 $0x2;
	s14 =	simm.s32 $0x0;
	[dreg:$0x3] =	wrdreg s16  }
.LBB2_1:
0x16: {  	s15 =	simm.s32 $0x0;
	s16 =	simm.s32 $0x200  }
.LBB2_2:
0x17: {  	p0 =	sne.s32 s16, $0x9E00;
	[tilespmem:s15+$0x170] =	vst v0  }
0x18: {  	[tilespmem:s15+$0x100] =	vst v0  }
0x19: {  	[tilespmem:s15+$0x110] =	vst v0  }
.Ltmp0:
0x1a: {  	[tilespmem:s15+$0x120] =	vst v0;
	(pc) =	sbr.rel @p0 .LBB2_2-.Ltmp0, $4  }
0x1b: {  	[tilespmem:s15+$0x130] =	vst v0  }
0x1c: {  	[tilespmem:s15+$0x140] =	vst v0  }
0x1d: {  	[tilespmem:s15+$0x150] =	vst v0  }
0x1e: {  	[tilespmem:s15+$0x160] =	vst v0;
	s15 =	sshra.s32 s16, $0x2;
	s16 =	sadd.s32 $0x200, s16  }
0x1f: {  	[tilespmem:s15+$0x170] =	vst v0  }
0x20: {  	[tilespmem:s15+$0x100] =	vst v0  }
0x21: {  	[tilespmem:s15+$0x110] =	vst v0  }
0x22: {  	[tilespmem:s15+$0x120] =	vst v0  }
0x23: {  	[tilespmem:s15+$0x130] =	vst v0  }
0x24: {  	[tilespmem:s15+$0x140] =	vst v0  }
0x25: {  	[tilespmem:s15+$0x150] =	vst v0  }
0x26: {  	[tilespmem:s15+$0x160] =	vst v0  }
0x27: {  	[spmem:s5] =	stream.linear.scatter [tilespmem:s28], [sflag:$0x3], $0x2800, $0x38;
	[tilespmem:$0x16900] =	vst v63  }
0x28: {  	_ =	swait.ge [sflag:s29], $0x2800  }
0x29: {  	[sflag:s29] =	ssyncset.done $0x0  }
0x2a: {  	[sflag:s29] =	ssyncadd.s32 $0xFFFFD800  }
0x2b: {  	[spmem:s6] =	stream.linear.scatter [tilespmem:s28], [sflag:$0x3], $0x2800, $0x38;
	[tilespmem:$0x16900] =	vst v63  }
0x2c: {  	_ =	swait.ge [sflag:s29], $0x2800  }
0x2d: {  	[sflag:s29] =	ssyncset.done $0x0  }
0x2e: {  	[sflag:s29] =	ssyncadd.s32 $0xFFFFD800  }
0x2f: {  	[spmem:s7] =	stream.linear.scatter [tilespmem:s28], [sflag:$0x3], $0x2800, $0x38;
	[tilespmem:$0x16900] =	vst v63  }
0x30: {  	_ =	swait.ge [sflag:s29], $0x2800  }
0x31: {  	[sflag:s29] =	ssyncset.done $0x0  }
0x32: {  	[sflag:s29] =	ssyncadd.s32 $0xFFFFD800  }
0x33: {  	[spmem:s8] =	stream.linear.scatter [tilespmem:s28], [sflag:$0x3], $0x2800, $0x38;
	[tilespmem:$0x16900] =	vst v63  }
0x34: {  	_ =	swait.ge [sflag:s29], $0x2800  }
0x35: {  	[sflag:s29] =	ssyncset.done $0x0  }
0x36: {  	[sflag:s29] =	ssyncadd.s32 $0xFFFFD800  }
0x37: {  	[spmem:s9] =	stream.linear.scatter [tilespmem:s28], [sflag:$0x3], $0x2800, $0x38;
	[tilespmem:$0x16900] =	vst v63  }
0x38: {  	_ =	swait.ge [sflag:s29], $0x2800  }
0x39: {  	[sflag:s29] =	ssyncset.done $0x0  }
0x3a: {  	[sflag:s29] =	ssyncadd.s32 $0xFFFFD800  }
0x3b: {  	[spmem:s10] =	stream.linear.scatter [tilespmem:s28], [sflag:$0x3], $0x2800, $0x38;
	[tilespmem:$0x16900] =	vst v63  }
0x3c: {  	_ =	swait.ge [sflag:s29], $0x2800  }
0x3d: {  	[sflag:s29] =	ssyncset.done $0x0  }
0x3e: {  	[sflag:s29] =	ssyncadd.s32 $0xFFFFD800  }
0x3f: {  	[spmem:s11] =	stream.linear.scatter [tilespmem:s28], [sflag:$0x3], $0x2800, $0x38;
	[tilespmem:$0x16900] =	vst v63  }
0x40: {  	_ =	swait.ge [sflag:s29], $0x2800  }
0x41: {  	[sflag:s29] =	ssyncset.done $0x0  }
0x42: {  	[sflag:s29] =	ssyncadd.s32 $0xFFFFD800  }
0x43: {  	[spmem:s12] =	stream.linear.scatter [tilespmem:s28], [sflag:$0x3], $0x2800, $0x38;
	[tilespmem:$0x16900] =	vst v63  }
0x44: {  	_ =	swait.ge [sflag:s29], $0x2800  }
0x45: {  	[sflag:s29] =	ssyncset.done $0x0  }
0x46: {  	s15 =	simm.s32 $0x0;
	s16 =	simm.s32 $0x200;
	[sflag:s29] =	ssyncadd.s32 $0xFFFFD800  }
.LBB2_4:
0x47: {  	p0 =	sne.s32 s16, $0x9E00;
	[tilespmem:s15+$0x170] =	vst v1  }
0x48: {  	[tilespmem:s15+$0x100] =	vst v1  }
0x49: {  	[tilespmem:s15+$0x110] =	vst v1  }
.Ltmp1:
0x4a: {  	[tilespmem:s15+$0x120] =	vst v1;
	(pc) =	sbr.rel @p0 .LBB2_4-.Ltmp1, $4  }
0x4b: {  	[tilespmem:s15+$0x130] =	vst v1  }
0x4c: {  	[tilespmem:s15+$0x140] =	vst v1  }
0x4d: {  	[tilespmem:s15+$0x150] =	vst v1  }
0x4e: {  	[tilespmem:s15+$0x160] =	vst v1;
	s15 =	sshra.s32 s16, $0x2;
	s16 =	sadd.s32 $0x200, s16  }
0x4f: {  	[tilespmem:s15+$0x170] =	vst v1  }
0x50: {  	[tilespmem:s15+$0x100] =	vst v1  }
0x51: {  	[tilespmem:s15+$0x110] =	vst v1  }
0x52: {  	[tilespmem:s15+$0x120] =	vst v1  }
0x53: {  	[tilespmem:s15+$0x130] =	vst v1  }
0x54: {  	[tilespmem:s15+$0x140] =	vst v1  }
0x55: {  	[tilespmem:s15+$0x150] =	vst v1  }
0x56: {  	[tilespmem:s15+$0x160] =	vst v1  }
0x57: {  	s18 =	simm.s32 $0x0;
	[bflag:$0x0] =	sbarrier.arrive $0xFFFF  }
0x58: {  	[tilespmem:s18], [sflag:$0x3] =	stream.linear.gather [hbm4b:s13+s18], $0x50, $0x38;
	[tilespmem:$0x16900] =	vst v63  }
0x59: {  	_ =	swait.ge [sflag:s29], $0x50  }
0x5a: {  	[sflag:s29] =	ssyncset.done $0x0  }
0x5b: {  	[sflag:s29] =	ssyncadd.s32 $0xFFFFFFB0  }
0x5c: {  	[spmem:s2] =	stream.indirect.scatter.add.f32 [tilespmem:s28], [sflag:$0x1], $0x80, s18, s30, $0xb8;
	[tilespmem:$0x16900] =	vst v63  }
0x5d: {  	s16 =	rddreg [dreg:$0x3]  }
0x5e: {  	[tilespmem:s31], [sflag:$0x3] =	stream.linear.gather [hbm4b:s16+s18], $0x50, $0x38;
	[tilespmem:$0x16900] =	vst v63  }
0x5f: {  	_ =	swait.ge [sflag:s29], $0x50  }
0x60: {  	[sflag:s29] =	ssyncset.done $0x0  }
0x61: {  	[sflag:s29] =	ssyncadd.s32 $0xFFFFFFB0  }
0x62: {  	[spmem:s2] =	stream.indirect.scatter.add.f32 [tilespmem:s28], [sflag:$0x2], $0x80, s31, s30, $0xb8;
	[tilespmem:$0x16900] =	vst v63  }
0x63: {  	_ =	swait.ge [sflag:s1], $0x2800  }
0x64: {  	s17 =	sshrl.u32 s24, $0x3;
	[sflag:s1] =	ssyncset.done $0x0  }
0x65: {  	s15 =	sadd.s32 s4, s17;
	[sflag:s1] =	ssyncadd.s32 $0xFFFFD800  }
0x66: {  	[tilespmem:s3], [sflag:$0x3] =	stream.linear.gather [hbm4b:s15+s3], $0x50, $0x38;
	[tilespmem:$0x16900] =	vst v63  }
0x67: {  	_ =	swait.ge [sflag:s29], $0x50  }
0x68: {  	[sflag:s29] =	ssyncset.done $0x0  }
0x69: {  	[sflag:s29] =	ssyncadd.s32 $0xFFFFFFB0  }
0x6a: {  	[spmem:s2] =	stream.indirect.scatter.add.f32 [tilespmem:s28], [sflag:$0x1], $0x80, s3, s30, $0xb8;
	[tilespmem:$0x16900] =	vst v63  }
0x6b: {  	_ =	swait.ge [sflag:s0], $0x2800  }
0x6c: {  	[sflag:s0] =	ssyncset.done $0x0  }
0x6d: {  	s18 =	sadd.s32 $0x0, s25;
	[sflag:s0] =	ssyncadd.s32 $0xFFFFD800  }
0x6e: {  	[tilespmem:s31], [sflag:$0x3] =	stream.linear.gather [hbm4b:s18+s3], $0x50, $0x38;
	[tilespmem:$0x16900] =	vst v63  }
0x6f: {  	_ =	swait.ge [sflag:s29], $0x50  }
0x70: {  	[sflag:s29] =	ssyncset.done $0x0  }
0x71: {  	s16 =	sadd.s32 $0xA0, s24;
	s15 =	simm.s32 $0x14;
	[sflag:s29] =	ssyncadd.s32 $0xFFFFFFB0  }
.LBB2_6:
0x72: {  	[spmem:s2] =	stream.indirect.scatter.add.f32 [tilespmem:s28], [sflag:$0x2], $0x80, s31, s30, $0xb8;
	[tilespmem:$0x16900] =	vst v63  }
0x73: {  	s17 =	smov.u32 s15  }
0x74: {  	p0 =	sne.s32 s15, $0x4B0;
	s15 =	sadd.s32 $0x14, s15;
	_ =	swait.ge [sflag:s1], $0x2800  }
0x75: {  	s18 =	sshrl.u32 s16, $0x3;
	[sflag:s1] =	ssyncset.done $0x0  }
0x76: {  	s18 =	sadd.s32 s4, s18;
	[sflag:s1] =	ssyncadd.s32 $0xFFFFD800  }
0x77: {  	[tilespmem:s3], [sflag:$0x3] =	stream.linear.gather [hbm4b:s18+s3], $0x50, $0x38;
	[tilespmem:$0x16900] =	vst v63  }
0x78: {  	_ =	swait.ge [sflag:s29], $0x50  }
0x79: {  	[sflag:s29] =	ssyncset.done $0x0  }
0x7a: {  	[sflag:s29] =	ssyncadd.s32 $0xFFFFFFB0  }
0x7b: {  	[spmem:s2] =	stream.indirect.scatter.add.f32 [tilespmem:s28], [sflag:$0x1], $0x80, s3, s30, $0xb8;
	[tilespmem:$0x16900] =	vst v63  }
0x7c: {  	_ =	swait.ge [sflag:s0], $0x2800  }
0x7d: {  	[sflag:s0] =	ssyncset.done $0x0  }
.Ltmp2:
0x7e: {  	s17 =	sadd.s32 s17, s25;
	[sflag:s0] =	ssyncadd.s32 $0xFFFFD800;
	(pc) =	sbr.rel @p0 .LBB2_6-.Ltmp2, $4  }
0x7f: {  	[tilespmem:s31], [sflag:$0x3] =	stream.linear.gather [hbm4b:s17+s3], $0x50, $0x38;
	[tilespmem:$0x16900] =	vst v63  }
0x80: {  	_ =	swait.ge [sflag:s29], $0x50  }
0x81: {  	[sflag:s29] =	ssyncset.done $0x0  }
0x82: {  	s16 =	sadd.s32 $0xA0, s16;
	[sflag:s29] =	ssyncadd.s32 $0xFFFFFFB0  }
0x83: {  	[spmem:s2] =	stream.indirect.scatter.add.f32 [tilespmem:s28], [sflag:$0x2], $0x80, s31, s30, $0xb8;
	[tilespmem:$0x16900] =	vst v63  }
0x84: {  	_ =	swait.ge [sflag:s1], $0x2800  }
0x85: {  	[sflag:s1] =	ssyncset.done $0x0  }
0x86: {  	[sflag:s1] =	ssyncadd.s32 $0xFFFFD800  }
0x87: {  	[tilespmem:s3], [sflag:$0x3] =	stream.linear.gather [hbm4b:s26+s3], $0x50, $0x38;
	[tilespmem:$0x16900] =	vst v63  }
0x88: {  	_ =	swait.ge [sflag:s29], $0x50  }
0x89: {  	[sflag:s29] =	ssyncset.done $0x0  }
0x8a: {  	[sflag:s29] =	ssyncadd.s32 $0xFFFFFFB0  }
0x8b: {  	[spmem:s2] =	stream.indirect.scatter.add.f32 [tilespmem:s28], [sflag:$0x1], $0x80, s3, s30, $0xb8;
	[tilespmem:$0x16900] =	vst v63  }
0x8c: {  	_ =	swait.ge [sflag:s1], $0x2800  }
0x8d: {  	[sflag:s1] =	ssyncset.done $0x0  }
0x8e: {  	[sflag:s1] =	ssyncadd.s32 $0xFFFFD800  }
0x8f: {  	_ =	swait.ge [sflag:s0], $0x2800  }
0x90: {  	[sflag:s0] =	ssyncset.done $0x0  }
0x91: {  	s15 =	stileid.u32;
	[sflag:s0] =	ssyncadd.s32 $0xFFFFD800  }
0x92: {  	s15 =	sshll.u32 s15, $0x6;
	[bflag:$0x0] =	sbarrier.arrive $0xFFFF  }
0x93: {  	s16 =	sshrl.u32 s5, $0x3;
	s15 =	sor.u32 $0x1C03, s15;
	s17 =	rddreg [dreg:$0x4]  }
0x94: {  	[hbm:s17], [sflag:s15] =	dma.local [spmem:s16], $0x500  }
0x95: {  	_ =	swait.ge [sflag:s29], $0x500  }
0x96: {  	[sflag:s29] =	ssyncset.done $0x0  }
0x97: {  	s17 =	sshrl.u32 s6, $0x3;
	s18 =	rddreg [dreg:$0x5];
	[sflag:s29] =	ssyncadd.s32 $0xFFFFFB00  }
0x98: {  	[hbm:s18], [sflag:s15] =	dma.local [spmem:s17], $0x500  }
0x99: {  	_ =	swait.ge [sflag:s29], $0x500  }
0x9a: {  	[sflag:s29] =	ssyncset.done $0x0  }
0x9b: {  	s17 =	sshrl.u32 s7, $0x3;
	s18 =	rddreg [dreg:$0x6];
	[sflag:s29] =	ssyncadd.s32 $0xFFFFFB00  }
0x9c: {  	[hbm:s18], [sflag:s15] =	dma.local [spmem:s17], $0x500  }
0x9d: {  	_ =	swait.ge [sflag:s29], $0x500  }
0x9e: {  	[sflag:s29] =	ssyncset.done $0x0  }
0x9f: {  	s17 =	sshrl.u32 s8, $0x3;
	s18 =	rddreg [dreg:$0x7];
	[sflag:s29] =	ssyncadd.s32 $0xFFFFFB00  }
0xa0: {  	[hbm:s18], [sflag:s15] =	dma.local [spmem:s17], $0x500  }
0xa1: {  	_ =	swait.ge [sflag:s29], $0x500  }
0xa2: {  	[sflag:s29] =	ssyncset.done $0x0  }
0xa3: {  	s17 =	sshrl.u32 s9, $0x3;
	[sflag:s29] =	ssyncadd.s32 $0xFFFFFB00  }
0xa4: {  	[hbm:s19], [sflag:s15] =	dma.local [spmem:s17], $0x500  }
0xa5: {  	_ =	swait.ge [sflag:s29], $0x500  }
0xa6: {  	[sflag:s29] =	ssyncset.done $0x0  }
0xa7: {  	s18 =	sshrl.u32 s10, $0x3;
	[sflag:s29] =	ssyncadd.s32 $0xFFFFFB00  }
0xa8: {  	[hbm:s20], [sflag:s15] =	dma.local [spmem:s18], $0x500  }
0xa9: {  	_ =	swait.ge [sflag:s29], $0x500  }
0xaa: {  	[sflag:s29] =	ssyncset.done $0x0  }
0xab: {  	s17 =	sshrl.u32 s11, $0x3;
	[sflag:s29] =	ssyncadd.s32 $0xFFFFFB00  }
0xac: {  	[hbm:s21], [sflag:s15] =	dma.local [spmem:s17], $0x500  }
0xad: {  	s14 =	sadd.s32 $0x1, s14;
	_ =	swait.ge [sflag:s29], $0x500  }
0xae: {  	p0 =	sne.s32 s14, s23;
	[sflag:s29] =	ssyncset.done $0x0  }
.Ltmp3:
0xaf: {  	s18 =	sshrl.u32 s12, $0x3;
	[sflag:s29] =	ssyncadd.s32 $0xFFFFFB00;
	(pc) =	sbr.rel @p0 .LBB2_1-.Ltmp3, $4  }
0xb0: {  	[hbm:s22], [sflag:s15] =	dma.local [spmem:s18], $0x500  }
0xb1: {  	_ =	swait.ge [sflag:s29], $0x500  }
0xb2: {  	[sflag:s29] =	ssyncset.done $0x0  }
0xb3: {  	[sflag:s29] =	ssyncadd.s32 $0xFFFFFB00  }
0xb4: {  	_ =	sfence.sel $0x180000  }
0xb5: {  	[bflag:$0x0] =	sbarrier.arrive $0xFFFF  }
0xb6: {  	_ =	strace $0x9000004A  }
0xb7: {  	s0 =	stileid.u32;
	[bflag:$0x2] =	sbarrier.arrive $0xFFFF  }
0xb8: {  	p0 =	sne.s32 s0, $0x0;
	s0 =	rddreg [dreg:$0x2]  }
0xb9: {  	s0 =	sadd.s32 @!p0 $0x100000, s0  }
0xba: {  	[sflag:s0] =	ssyncadd.tile.s32 @!p0 $0x1;
	_ =	shalt  }
.Lfunc_end2:
_tile_overlayer_lowered:
.L_overlay_start_2:
0xbb: {  	(tag) =	ssettag $0x2  }
0xbc: {  	s0 =	rddreg [dreg:$0x0];
	s2 =	stileid.u32  }
0xbd: {  	s1 =	rddreg [dreg:$0x1];
	p0 =	sne.s32 s2, $0x0  }
0xbe: {  	s3 =	rddreg [dreg:$0x2];
	[bflag:$0x3] =	sbarrier.arrive $0xFFFF;
	s2 =	simm.s32 @!p0 $0x1C03  }
0xbf: {  	[timem:s3], [sflag:s2] =	dma.local @!p0 [hbm:s0], s1  }
0xc0: {  	s0 =	simm.s32 @!p0 $0x3  }
0xc1: {  	_ =	swait.ge @!p0 [sflag:s0], s1  }
0xc2: {  	s1 =	ssub.s32 @!p0 $0x0, s1;
	[sflag:s0] =	ssyncset.done @!p0 $0x0  }
0xc3: {  	[sflag:s0] =	ssyncadd.s32 @!p0 s1  }
0xc4: {  	[bflag:$0x3] =	sbarrier.arrive $0xFFFF  }
0xc5: {  	_ =	shalt  }

// kernel: kernel.7.cloned.1.call-start
scs
__scs_entry_jumppad:
0x0: {  	(pc) =	sbr.rel $0x88, $3  }
0x1: {  	(tag) =	ssettag $0x0;
	lr =	simm.s32 $0x1  }
0x2: {  	[smem:$0x3F94] =	sst lr;
	_ =	strace $0xD0000000  }
0x3: {  	_ = 	snop  }
0x4: {  	_ = 	snop  }
0x5: {  	_ = 	snop  }
0x6: {  	_ = 	snop  }
0x7: {  	_ = 	snop  }
__scs_overlays_trampoline_lowered:
0x8: {  	[smem:$0x3FA3] =	sst s0  }
0x9: {  	[smem:$0x3FA4] =	sst s1  }
0xa: {  	[smem:$0x3FA5] =	sst s2  }
0xb: {  	[smem:$0x3FA6] =	sst s3  }
0xc: {  	[smem:$0x3FA7] =	sst s4  }
0xd: {  	[smem:$0x3FA8] =	sst s5  }
0xe: {  	[smem:$0x3FA9] =	sst s6  }
0xf: {  	[smem:$0x3FAA] =	sst s7  }
0x10: {  	[smem:$0x3FAB] =	sst s8  }
0x11: {  	[smem:$0x3FAC] =	sst s9;
	s0 =	simm.s32 @!p0 $0x0  }
0x12: {  	s1 =	sld [smem:$0x3F92];
	s0 =	simm.s32 @p0 $0x1  }
0x13: {  	[smem:$0x3FAD] =	sst s0;
	s0 =	simm.s32 @!p1 $0x0  }
0x14: {  	s2 =	sld [smem:$0x3F91];
	s0 =	simm.s32 @p1 $0x1  }
0x15: {  	[smem:$0x3FAE] =	sst s0;
	s0 =	simm.s32 @!p2 $0x0  }
0x16: {  	s3 =	sld [smem:$0x3FDB];
	s0 =	simm.s32 @p2 $0x1  }
0x17: {  	s4 =	simm.s32 $0x1BF5;
	[smem:$0x3FB0] =	sst s0  }
0x18: {  	s0 =	sld [smem:$0x3F93];
	_ =	swait.ge [sflag:s4], $0x0  }
0x19: {  	s7 =	sld [smem:$0x3F94]  }
0x1a: {  	s8 =	sadd.s32 $0xFFFFE003, lr  }
0x1b: {  	s9 =	sadd.s32 $0xFFFFFEF7, lr;
	s5 =	simm.s32 $0xFFFFFFFF;
	p2 =	slt.u32 s8, $0xFFFFF086  }
0x1c: {  	p1 =	slt.u32 s9, $0xF7A;
	s5 =	simm.s32 @!p2 $0x0  }
0x1d: {  	s5 =	simm.s32 @p1 $0x1;
	p0 =	seq.s32 s7, s2  }
0x1e: {  	s7 =	smul.u32 @!p0 $0xF7A, s2;
	p2 =	seq.s32 @!p0 s5, $0x0  }
0x1f: {  	s9 =	smul.u32 $0xF7A, s1;
	s8 =	simm.s32 @!p0 $0x1BF5;
	p2 =	por !p2, p0  }
0x20: {  	[sflag:s8] =	ssyncset.s32 @!p0 $0xFFFFF086;
	s6 =	sadd.s32 @!p0 s3, s7;
	s7 =	simm.s32 @!p0 $0x108  }
0x21: {  	s3 =	sadd.s32 s3, s9;
	s6 =	sadd.s32 @!p0 $0x88, s6;
	s7 =	simm.s32 @p2 $0x1082  }
0x22: {  	[simem:s7], [sflag:s8] =	dma.local @!p0 [hbm:s6], $0xF7A  }
0x23: {  	s9 =	sor.u32 $0xD0000000, s2;
	s6 =	simm.s32 $0x108;
	_ =	swait.ge @!p0 [sflag:s8], $0x0  }
0x24: {  	s3 =	sadd.s32 $0x88, s3;
	s6 =	simm.s32 @!p1 $0x1082;
	[sflag:s4] =	ssyncset.s32 $0xFFFFF086  }
0x25: {  	[simem:s6], [sflag:s4] =	dma.local [hbm:s3], $0xF7A  }
0x26: {  	[smem:$0x3F94] =	sst s1;
	(tag) =	ssettag s2;
	_ =	strace s9  }
0x27: {  	s1 =	sld [smem:$0x3FA4]  }
0x28: {  	s2 =	sld [smem:$0x3FA5]  }
0x29: {  	s4 =	sld [smem:$0x3FA7]  }
0x2a: {  	p0 =	seq.s32 s5, $0x0;
	s5 =	sld [smem:$0x3FA8]  }
0x2b: {  	s6 =	sld [smem:$0x3FA9]  }
0x2c: {  	s7 =	sld [smem:$0x3FAA]  }
0x2d: {  	s3 =	simm.s32 $0x108;
	s8 =	sld [smem:$0x3FAB]  }
0x2e: {  	s3 =	simm.s32 @!p0 $0x1082;
	s9 =	sld [smem:$0x3FAC]  }
0x2f: {  	lr =	sadd.s32 s0, s3;
	s0 =	sld [smem:$0x3FA3]  }
0x30: {  	s3 =	sld [smem:$0x3FA6]  }
0x31: {  	[smem:$0x3FAF] =	sst s10  }
0x32: {  	s10 =	sld [smem:$0x3FAD];
	_ =	sdelay $0x3  }
0x33: {  	p0 =	seq.s32 s10, $0x1;
	s10 =	sld [smem:$0x3FAF];
	_ =	sdelay $0x3  }
0x34: {  	[smem:$0x3FAF] =	sst s10  }
0x35: {  	s10 =	sld [smem:$0x3FAE];
	_ =	sdelay $0x3  }
0x36: {  	p1 =	seq.s32 s10, $0x1;
	s10 =	sld [smem:$0x3FAF];
	_ =	sdelay $0x3  }
0x37: {  	[smem:$0x3FAF] =	sst s10  }
0x38: {  	s10 =	sld [smem:$0x3FB0]  }
0x39: {  	_ = 	snop;
	(pc) =	sbr.ind lr, $3  }
0x3a: {  	_ = 	snop  }
0x3b: {  	_ = 	snop  }
0x3c: {  	p2 =	seq.s32 s10, $0x1;
	s10 =	sld [smem:$0x3FAF]  }
0x3d: {  	_ =	shalt  }
0x3e: {  	_ =	shalt  }
0x3f: {  	_ =	shalt  }
0x40: {  	_ =	shalt  }
0x41: {  	_ =	shalt  }
0x42: {  	_ =	shalt  }
0x43: {  	_ =	shalt  }
0x44: {  	_ =	shalt  }
0x45: {  	_ =	shalt  }
0x46: {  	_ =	shalt  }
0x47: {  	_ =	shalt  }
0x48: {  	_ =	shalt  }
0x49: {  	_ =	shalt  }
0x4a: {  	_ =	shalt  }
0x4b: {  	_ =	shalt  }
0x4c: {  	_ =	shalt  }
0x4d: {  	_ =	shalt  }
0x4e: {  	_ =	shalt  }
0x4f: {  	_ =	shalt  }
0x50: {  	_ =	shalt  }
0x51: {  	_ =	shalt  }
0x52: {  	_ =	shalt  }
0x53: {  	_ =	shalt  }
0x54: {  	_ =	shalt  }
0x55: {  	_ =	shalt  }
0x56: {  	_ =	shalt  }
0x57: {  	_ =	shalt  }
0x58: {  	_ =	shalt  }
0x59: {  	_ =	shalt  }
0x5a: {  	_ =	shalt  }
0x5b: {  	_ =	shalt  }
0x5c: {  	_ =	shalt  }
0x5d: {  	_ =	shalt  }
0x5e: {  	_ =	shalt  }
0x5f: {  	_ =	shalt  }
0x60: {  	_ =	shalt  }
0x61: {  	_ =	shalt  }
0x62: {  	_ =	shalt  }
0x63: {  	_ =	shalt  }
0x64: {  	_ =	shalt  }
0x65: {  	_ =	shalt  }
0x66: {  	_ =	shalt  }
0x67: {  	_ =	shalt  }
0x68: {  	_ =	shalt  }
0x69: {  	_ =	shalt  }
0x6a: {  	_ =	shalt  }
0x6b: {  	_ =	shalt  }
0x6c: {  	_ =	shalt  }
0x6d: {  	_ =	shalt  }
0x6e: {  	_ =	shalt  }
0x6f: {  	_ =	shalt  }
0x70: {  	_ =	shalt  }
0x71: {  	_ =	shalt  }
0x72: {  	_ =	shalt  }
0x73: {  	_ =	shalt  }
0x74: {  	_ =	shalt  }
0x75: {  	_ =	shalt  }
0x76: {  	_ =	shalt  }
0x77: {  	_ =	shalt  }
0x78: {  	_ =	shalt  }
0x79: {  	_ =	shalt  }
0x7a: {  	_ =	shalt  }
0x7b: {  	_ =	shalt  }
0x7c: {  	_ =	shalt  }
0x7d: {  	_ =	shalt  }
0x7e: {  	_ =	shalt  }
0x7f: {  	_ =	shalt  }
0x80: {  	_ =	shalt  }
0x81: {  	_ =	shalt  }
0x82: {  	_ =	shalt  }
0x83: {  	_ =	shalt  }
0x84: {  	_ =	shalt  }
0x85: {  	_ =	shalt  }
0x86: {  	_ =	shalt  }
0x87: {  	_ =	shalt  }
.Lfunc_end0:
.L_simem_size_0:
called_computation_lowered:
.L_overlay_start_0:
0x88: {  	s2 =	sld [smem:$0x3FD9]  }
0x89: {  	s3 =	sld [smem:$0x3FFE];
	_ =	sdelay $0x1  }
0x8a: {  	s1 =	srdreg.scid  }
0x8b: {  	s0 =	sand.u32 $0x1, s1  }
0x8c: {  	s17 =	sshll.u32 s0, $0xA;
	s2 =	sadd.s32 s3, s2  }
0x8d: {  	s2 =	sadd.s32 s2, s17  }
0x8e: {  	[smem:$0x3FBB] =	sst s2  }
0x8f: {  	_ = 	snop  }
0x90: {  	s2 =	sld [smem:$0x3FD0];
	(tm) =	ssettm $0x1  }
0x91: {  	s18 =	sld [smem:$0x3FFB];
	_ =	sdelay $0x3  }
0x92: {  	_ =	strace s18  }
0x93: {  	s3 =	sld [smem:$0x3FFC];
	_ =	sdelay $0x3  }
0x94: {  	_ =	strace s3  }
0x95: {  	s3 =	sld [smem:$0x3FFD];
	_ =	sdelay $0x3  }
0x96: {  	_ =	strace s3  }
0x97: {  	_ =	strace $0x8FFFFFFF  }
0x98: {  	s19 =	sld [smem:$0x3FDB];
	_ =	sdelay $0x1  }
0x99: {  	s4 =	simm.s32 $_scs_section_size  }
0x9a: {  	s5 =	simm.s32 $_size__tile_overlayer_lowered;
	s6 =	simm.s32 $_tile_overlayer_lowered  }
0x9b: {  	s22 =	simm.s32 $0x1BFF;
	s21 =	sshll.u32 s6, $0x1;
	s3 =	sadd.s32 s4, s19  }
0x9c: {  	s7 =	simm.s32 $0x0;
	s20 =	sshll.u32 s5, $0x1;
	s5 =	sadd.s32 s21, s3  }
0x9d: {  	[timem:s7], [sflag:s22] =	dma.local [hbm:s5], s20  }
0x9e: {  	_ =	swait.ge [sflag:s22], s20  }
0x9f: {  	s4 =	ssub.s32 $0x0, s20;
	[sflag:s22] =	ssyncset.done $0x0  }
0xa0: {  	[sflag:s22] =	ssyncadd.s32 s4;
	_ =	sdelay $0x1  }
0xa1: {  	s23 =	simm.s32 $0x1B8B  }
0xa2: {  	_ =	swait.ge [sflag:s23], $0x1  }
0xa3: {  	[sflag:s23] =	ssyncset.done $0x0  }
0xa4: {  	s25 =	simm.s32 $0x1B8E;
	s24 =	sld [smem:$0x3FFE];
	[sflag:s23] =	ssyncadd.s32 $0xFFFFFFFF  }
0xa5: {  	s26 =	simm.s32 $execute0_lowered;
	[smem:$0x3FD2] =	sst s25  }
0xa6: {  	s5 =	sshll.u32 s26, $0x1;
	_ =	strace $0x80000046;
	[dreg:$0x1] =	wrdreg $0xFFFFFFFF  }
0xa7: {  	s28 =	simm.s32 $_size_execute0_lowered;
	s3 =	sadd.s32 s3, s5;
	[dreg:$0x0] =	wrdreg $0x0  }
0xa8: {  	s5 =	sshll.u32 s28, $0x1;
	[dreg:$0x2] =	wrdreg s3  }
0xa9: {  	[dreg:$0x3] =	wrdreg s5  }
0xaa: {  	[dreg:$0x4] =	wrdreg $0xC0  }
0xab: {  	_ =	task [dreg:s7], $0x5FFFF  }
0xac: {  	[dreg:$0x1] =	wrdreg $0xFFFFFFFF  }
0xad: {  	[dreg:$0x0] =	wrdreg $0x60  }
0xae: {  	[dreg:$0x2] =	wrdreg s2  }
0xaf: {  	[dreg:$0x3] =	wrdreg s24  }
0xb0: {  	[dreg:$0x4] =	wrdreg $0x7A000  }
0xb1: {  	[dreg:$0x5] =	wrdreg $0x9  }
0xb2: {  	_ =	task.clear_ibuf [dreg:s7], $0x6FFFF;
	_ =	strace $0x90000046  }
0xb3: {  	s29 =	simm.s32 $0x9;
	_ =	strace $0x80000048  }
0xb4: {  	_ =	swait.ge [sflag:s29], $0x1  }
0xb5: {  	[sflag:s29] =	ssyncadd.s32 $0xFFFFFFFF  }
0xb6: {  	_ =	strace $0x90000048  }
0xb7: {  	_ =	sfence  }
0xb8: {  	s30 =	sld [smem:$0x0];
	_ =	sdelay $0x2  }
0xb9: {  	s31 =	sshll.u32 s1, $0xD;
	s1 =	sshrl.u32 s1, $0x2  }
0xba: {  	s3 =	sand.u32 $0x4000, s31;
	s1 =	sadd.s32 s1, s30  }
0xbb: {  	s0 =	sor.u32 s3, s0;
	s1 =	sshll.u32 s1, $0x11  }
0xbc: {  	s0 =	sor.u32 s1, s0  }
0xbd: {  	s0 =	sadd.s32 $0x8F2B, s0  }
0xbe: {  	[sflag:s0] =	ssyncadd.remote.s32 $0x1  }
0xbf: {  	_ =	sfence.sel $0xFFFF  }
0xc0: {  	[dreg:$0x0] =	wrdreg $0xFFFFFFFF;
	(pc) =	sbr.abs _section_cstart, $3  }
0xc1: {  	[dreg:$0x1] =	wrdreg $0xFFFFFFFF  }
0xc2: {  	_ =	task.clear_ibuf [dreg:s7], $0x2FFFF;
	_ =	strace $0x9FFFFFFF  }
0xc3: {  	(tm) =	ssettm $0x7FFFFFFF  }
tec
execute0_lowered:
.L_overlay_start_1:
0x0: {  	(tag) =	ssettag $0x1  }
0x1: {  	s1 =	rddreg [dreg:$0x0]  }
0x2: {  	s0 =	rddreg [dreg:$0x1]  }
0x3: {  	s2 =	rddreg [dreg:$0x2];
	s4 =	simm.s32 $0x0;
	s13 =	stileid.u32  }
0x4: {  	[smem:$0x7FF] =	sst s4;
	s8 =	smul.u32 $0x280, s13  }
0x5: {  	s3 =	srdreg.scid;
	s5 =	sadd.s32 $0x4F8600, s0;
	s6 =	sadd.s32 $0xA11200, s0  }
0x6: {  	s3 =	sand.u32 $0x1, s3;
	s7 =	sadd.s32 $0x4E4A00, s0;
	s11 =	smul.u32 $0x50000, s13  }
0x7: {  	_ =	strace $0x80000047;
	s9 =	smul.u32 $0x2800, s3;
	s10 =	sshll.u32 s3, $0x4  }
0x8: {  	s3 =	ssub.s32 $0x2, s3;
	s13 =	sor.u32 s13, s10;
	s23 =	sshrl.u32 s11, $0x2  }
0x9: {  	s24 =	sshrl.u32 s3, $0x1;
	s9 =	sadd.s32 s8, s9;
	s8 =	sadd.s32 $0x4EE800, s0  }
0xa: {  	s10 =	sadd.s32 s23, s2;
	s12 =	sshll.u32 s9, $0x4;
	s9 =	smul.u32 $0x2710, s13  }
0xb: {  	s3 =	ssub.s32 s3, s24;
	s30 =	sadd.s32 $0x2800, s10;
	s13 =	smul.u32 $0x27100, s13  }
0xc: {  	s23 =	smax.u32 s3, $0x1;
	s31 =	sadd.s32 $0x5000, s10;
	[dreg:$0x12] =	wrdreg s10  }
0xd: {  	s24 =	sadd.s32 $0x7800, s10;
	s3 =	simm.s32 $0x200;
	[dreg:$0x11] =	wrdreg s23  }
0xe: {  	s0 =	sadd.s32 s12, s0;
	[dreg:$0x13] =	wrdreg s24;
	s15 =	sadd.s32 s6, s13  }
0xf: {  	s12 =	simm.s32 $0x6;
	s16 =	sadd.s32 $0x2A00, s0;
	[dreg:$0x8] =	wrdreg s15  }
0x10: {  	s23 =	simm.s32 $0x1;
	s17 =	sadd.s32 $0x2F00, s0;
	[dreg:$0x9] =	wrdreg s16  }
0x11: {  	s24 =	simm.s32 $0x2;
	s18 =	sadd.s32 $0x3400, s0;
	[dreg:$0xa] =	wrdreg s17  }
0x12: {  	s25 =	sshrl.u32 s9, $0x3;
	s19 =	sadd.s32 $0x3900, s0;
	[dreg:$0xb] =	wrdreg s18  }
0x13: {  	s20 =	sadd.s32 $0x3E00, s0;
	s21 =	sadd.s32 $0x4300, s0;
	[dreg:$0xc] =	wrdreg s19  }
0x14: {  	s22 =	sadd.s32 $0x4800, s0;
	s0 =	sadd.s32 $0x4D00, s0;
	[dreg:$0xd] =	wrdreg s20  }
0x15: {  	s13 =	simm.s32 $0x80;
	s26 =	sadd.s32 s7, s25;
	[dreg:$0xe] =	wrdreg s21  }
0x16: {  	s28 =	sadd.s32 $0x6, s25;
	s11 =	sadd.s32 s8, s25;
	[dreg:$0xf] =	wrdreg s22  }
0x17: {  	[dreg:$0x10] =	wrdreg s0;
	s25 =	sadd.s32 $0xA000, s10;
	s15 =	simm.s32 $0x180  }
0x18: {  	s16 =	simm.s32 $0x30;
	s17 =	simm.s32 $0x2A00;
	[dreg:$0x4] =	wrdreg s26  }
0x19: {  	s18 =	simm.s32 $0x20;
	s19 =	simm.s32 $0x1A00;
	[dreg:$0x5] =	wrdreg s11  }
0x1a: {  	s20 =	simm.s32 $0x4200;
	s29 =	sadd.s32 s7, s28;
	[dreg:$0x14] =	wrdreg s25  }
0x1b: {  	s21 =	simm.s32 $0x5200;
	s14 =	sadd.s32 s8, s28;
	[dreg:$0x6] =	wrdreg s29  }
0x1c: {  	s22 =	simm.s32 $0x3;
	s26 =	sadd.s32 $0xC800, s10;
	[dreg:$0x7] =	wrdreg s14  }
0x1d: {  	s28 =	sadd.s32 $0xF000, s10;
	s25 =	simm.s32 $0x4;
	[dreg:$0x15] =	wrdreg s26  }
0x1e: {  	s11 =	simm.s32 $0x5;
	[dreg:$0x16] =	wrdreg s28;
	s29 =	sadd.s32 $0x11800, s10  }
0x1f: {  	v0 =	vimm.f32 $0.0e+00;
	s14 =	simm.s32 $0x100;
	s26 =	simm.s32 $0x0;
	[dreg:$0x17] =	wrdreg s29  }
.LBB2_1:
0x20: {  	s28 =	simm.s32 $0x0;
	s29 =	simm.s32 $0x200  }
.LBB2_2:
0x21: {  	p0 =	sne.s32 s29, $0x9E00;
	[tilespmem:s28+$0x270] =	vst v0  }
0x22: {  	[tilespmem:s28+$0x200] =	vst v0  }
0x23: {  	[tilespmem:s28+$0x210] =	vst v0  }
.Ltmp0:
0x24: {  	[tilespmem:s28+$0x220] =	vst v0;
	(pc) =	sbr.rel @p0 .LBB2_2-.Ltmp0, $4  }
0x25: {  	[tilespmem:s28+$0x230] =	vst v0  }
0x26: {  	[tilespmem:s28+$0x240] =	vst v0  }
0x27: {  	[tilespmem:s28+$0x250] =	vst v0  }
0x28: {  	[tilespmem:s28+$0x260] =	vst v0;
	s28 =	sshra.s32 s29, $0x2;
	s29 =	sadd.s32 $0x200, s29  }
0x29: {  	[tilespmem:s28+$0x270] =	vst v0  }
0x2a: {  	[tilespmem:s28+$0x200] =	vst v0  }
0x2b: {  	[tilespmem:s28+$0x210] =	vst v0  }
0x2c: {  	[tilespmem:s28+$0x220] =	vst v0  }
0x2d: {  	[tilespmem:s28+$0x230] =	vst v0  }
0x2e: {  	[tilespmem:s28+$0x240] =	vst v0  }
0x2f: {  	[tilespmem:s28+$0x250] =	vst v0  }
0x30: {  	[tilespmem:s28+$0x260] =	vst v0;
	s0 =	rddreg [dreg:$0x12]  }
0x31: {  	[spmem:s0] =	stream.linear.scatter [tilespmem:s3], [sflag:$0x6], $0x2800, $0x38;
	[tilespmem:$0x1BA00] =	vst v63  }
0x32: {  	_ =	swait.ge [sflag:s12], $0x2800  }
0x33: {  	[sflag:s12] =	ssyncset.done $0x0  }
0x34: {  	[sflag:s12] =	ssyncadd.s32 $0xFFFFD800  }
0x35: {  	[spmem:s30] =	stream.linear.scatter [tilespmem:s3], [sflag:$0x6], $0x2800, $0x38;
	[tilespmem:$0x1BA00] =	vst v63  }
0x36: {  	_ =	swait.ge [sflag:s12], $0x2800  }
0x37: {  	[sflag:s12] =	ssyncset.done $0x0  }
0x38: {  	[sflag:s12] =	ssyncadd.s32 $0xFFFFD800  }
0x39: {  	[spmem:s31] =	stream.linear.scatter [tilespmem:s3], [sflag:$0x6], $0x2800, $0x38;
	[tilespmem:$0x1BA00] =	vst v63  }
0x3a: {  	_ =	swait.ge [sflag:s12], $0x2800  }
0x3b: {  	[sflag:s12] =	ssyncset.done $0x0  }
0x3c: {  	s28 =	rddreg [dreg:$0x13];
	[sflag:s12] =	ssyncadd.s32 $0xFFFFD800  }
0x3d: {  	[spmem:s28] =	stream.linear.scatter [tilespmem:s3], [sflag:$0x6], $0x2800, $0x38;
	[tilespmem:$0x1BA00] =	vst v63  }
0x3e: {  	_ =	swait.ge [sflag:s12], $0x2800  }
0x3f: {  	[sflag:s12] =	ssyncset.done $0x0  }
0x40: {  	s28 =	rddreg [dreg:$0x14];
	[sflag:s12] =	ssyncadd.s32 $0xFFFFD800  }
0x41: {  	[spmem:s28] =	stream.linear.scatter [tilespmem:s3], [sflag:$0x6], $0x2800, $0x38;
	[tilespmem:$0x1BA00] =	vst v63  }
0x42: {  	_ =	swait.ge [sflag:s12], $0x2800  }
0x43: {  	[sflag:s12] =	ssyncset.done $0x0  }
0x44: {  	s28 =	rddreg [dreg:$0x15];
	[sflag:s12] =	ssyncadd.s32 $0xFFFFD800  }
0x45: {  	[spmem:s28] =	stream.linear.scatter [tilespmem:s3], [sflag:$0x6], $0x2800, $0x38;
	[tilespmem:$0x1BA00] =	vst v63  }
0x46: {  	_ =	swait.ge [sflag:s12], $0x2800  }
0x47: {  	[sflag:s12] =	ssyncset.done $0x0  }
0x48: {  	s28 =	rddreg [dreg:$0x16];
	[sflag:s12] =	ssyncadd.s32 $0xFFFFD800  }
0x49: {  	[spmem:s28] =	stream.linear.scatter [tilespmem:s3], [sflag:$0x6], $0x2800, $0x38;
	[tilespmem:$0x1BA00] =	vst v63  }
0x4a: {  	_ =	swait.ge [sflag:s12], $0x2800  }
0x4b: {  	[sflag:s12] =	ssyncset.done $0x0  }
0x4c: {  	s28 =	rddreg [dreg:$0x17];
	[sflag:s12] =	ssyncadd.s32 $0xFFFFD800  }
0x4d: {  	[spmem:s28] =	stream.linear.scatter [tilespmem:s3], [sflag:$0x6], $0x2800, $0x38;
	[tilespmem:$0x1BA00] =	vst v63  }
0x4e: {  	_ =	swait.ge [sflag:s12], $0x2800  }
0x4f: {  	[sflag:s12] =	ssyncset.done $0x0  }
0x50: {  	[sflag:s12] =	ssyncadd.s32 $0xFFFFD800  }
0x51: {  	[bflag:$0x0] =	sbarrier.arrive $0xFFFF  }
0x52: {  	s28 =	simm.s32 $0x0;
	s29 =	rddreg [dreg:$0x4]  }
0x53: {  	[tilespmem:s28], [sflag:$0x6] =	stream.linear.gather [hbm4b:s29+s28], $0x30, $0x38;
	[tilespmem:$0x1BA00] =	vst v63  }
0x54: {  	_ =	swait.ge [sflag:s12], $0x30  }
0x55: {  	[sflag:s12] =	ssyncset.done $0x0  }
0x56: {  	s0 =	smov.u32 s30;
	s30 =	rddreg [dreg:$0x5];
	[sflag:s12] =	ssyncadd.s32 $0xFFFFFFD0  }
0x57: {  	[tilespmem:s13], [sflag:$0x6] =	stream.linear.gather [hbm4b:s30+s28], $0x30, $0x38;
	[tilespmem:$0x1BA00] =	vst v63  }
0x58: {  	_ =	swait.ge [sflag:s12], $0x30  }
0x59: {  	[sflag:s12] =	ssyncset.done $0x0  }
0x5a: {  	s10 =	smov.u32 s31;
	s31 =	rddreg [dreg:$0x6];
	[sflag:s12] =	ssyncadd.s32 $0xFFFFFFD0  }
0x5b: {  	[tilespmem:s14], [sflag:$0x6] =	stream.linear.gather [hbm4b:s31+s28], $0x20, $0x38;
	[tilespmem:$0x1BA00] =	vst v63  }
0x5c: {  	_ =	swait.ge [sflag:s12], $0x20  }
0x5d: {  	[sflag:s12] =	ssyncset.done $0x0  }
0x5e: {  	s30 =	rddreg [dreg:$0x7];
	[sflag:s12] =	ssyncadd.s32 $0xFFFFFFE0  }
0x5f: {  	[tilespmem:s15], [sflag:$0x6] =	stream.linear.gather [hbm4b:s30+s28], $0x20, $0x38;
	[tilespmem:$0x1BA00] =	vst v63  }
0x60: {  	_ =	swait.ge [sflag:s12], $0x20  }
0x61: {  	[sflag:s12] =	ssyncset.done $0x0  }
0x62: {  	[sflag:s12] =	ssyncadd.s32 $0xFFFFFFE0  }
0x63: {  	[tilespmem:s3], [sflag:$0x1] =	stream.indirect.gather [hbm4b:s1+s16], $0x80, s28, s16, $0xb8;
	[tilespmem:$0x1BA00] =	vst v63  }
0x64: {  	_ = 	snop  }
0x65: {  	[tilespmem:s17], [sflag:$0x1] =	stream.indirect.gather [hbm4b:s5+s16], $0x80, s13, s16, $0xb8;
	[tilespmem:$0x1BA00] =	vst v63  }
0x66: {  	_ = 	snop  }
0x67: {  	[tilespmem:s19], [sflag:$0x2] =	stream.indirect.gather [hbm4b:s1+s18], $0x80, s14, s18, $0xb8;
	[tilespmem:$0x1BA00] =	vst v63  }
0x68: {  	_ = 	snop  }
0x69: {  	[tilespmem:s20], [sflag:$0x2] =	stream.indirect.gather [hbm4b:s5+s18], $0x80, s15, s18, $0xb8;
	[tilespmem:$0x1BA00] =	vst v63  }
0x6a: {  	s31 =	rddreg [dreg:$0x8]  }
0x6b: {  	[tilespmem:s21], [sflag:$0x3] =	stream.linear.gather [hbm4b:s31+s28], $0x2800, $0x38;
	[tilespmem:$0x1BA00] =	vst v63  }
.LBB2_4:
0x6c: {  	_ =	swait.ge [sflag:s22], $0x2800  }
0x6d: {  	[sflag:s22] =	ssyncset.done $0x0  }
0x6e: {  	[sflag:s22] =	ssyncadd.s32 $0xFFFFD800  }
0x6f: {  	_ =	swait.ge [sflag:s23], $0x1800  }
0x70: {  	[sflag:s23] =	ssyncset.done $0x0  }
0x71: {  	[sflag:s23] =	ssyncadd.s32 $0xFFFFE800  }
0x72: {  	_ =	swait.ge [sflag:s23], $0x1800  }
0x73: {  	[sflag:s23] =	ssyncset.done $0x0  }
0x74: {  	s29 =	simm.s32 $0x0;
	[sflag:s23] =	ssyncadd.s32 $0xFFFFE800  }
0x75: {  	v1 =	vld [tilespmem:s29+$0x2A50]  }
0x76: {  	v2 =	vld [tilespmem:s29+$0x250]  }
0x77: {  	v3 =	vld [tilespmem:s29+$0x2A70]  }
0x78: {  	v4 =	vld [tilespmem:s29+$0x5250]  }
0x79: {  	v5 =	vld [tilespmem:s29+$0x2A60]  }
0x7a: {  	v6 =	vld [tilespmem:s29+$0x2A00]  }
0x7b: {  	v1 =	vadd.f32 v1, v2;
	v2 =	vld [tilespmem:s29+$0x270]  }
0x7c: {  	v7 =	vld [tilespmem:s29+$0x200]  }
0x7d: {  	v8 =	vld [tilespmem:s29+$0x5270];
	v1 =	vadd.f32 v4, v1  }
0x7e: {  	v4 =	vld [tilespmem:s29+$0x5200]  }
0x7f: {  	v9 =	vld [tilespmem:s29+$0x2A40];
	v10 =	vmul.f32 v1, v1  }
0x80: {  	v11 =	vld [tilespmem:s29+$0x5260];
	v2 =	vadd.f32 v3, v2  }
0x81: {  	v6 =	vadd.f32 v6, v7;
	v7 =	vld [tilespmem:s29+$0x260];
	v3 =	vmul.f32 v10, v1  }
0x82: {  	v2 =	vadd.f32 v8, v2;
	v8 =	vld [tilespmem:s29+$0x2A20]  }
0x83: {  	v10 =	vmul.f32 $4.471499850e-02, v3;
	v3 =	vadd.f32 v4, v6;
	v4 =	vld [tilespmem:s29+$0x220]  }
0x84: {  	v14 =	vld [tilespmem:s29+$0x5220];
	v12 =	vmul.f32 v2, v2  }
0x85: {  	v15 =	vld [tilespmem:s29+$0x240];
	v10 =	vadd.f32 v10, v1;
	v13 =	vmul.f32 v3, v3  }
0x86: {  	v55 =	vld [tilespmem:s29+$0x2A10];
	v5 =	vadd.f32 v5, v7;
	v7 =	vmul.f32 v12, v2  }
0x87: {  	v16 =	vld [tilespmem:s29+$0x2A30];
	v13 =	vmul.f32 v13, v3;
	v10 =	vmul.f32 $-1.595769170e+00, v10  }
0x88: {  	v6 =	vld [tilespmem:s29+$0x5240];
	v8 =	vadd.f32 v8, v4;
	v4 =	vadd.f32 v11, v5;
	v7 =	vmul.f32 $4.471499850e-02, v7  }
0x89: {  	v11 =	vld [tilespmem:s29+$0x230];
	v13 =	vmul.f32 $4.471499850e-02, v13;
	v10 =	vmul.f32 $1.442695020e+00, v10  }
0x8a: {  	v17 =	vld [tilespmem:s29+$0x210];
	v5 =	vadd.f32 v14, v8;
	v8 =	vmul.f32 v4, v4;
	v7 =	vadd.f32 v7, v2  }
0x8b: {  	v56 =	vld [tilespmem:s29+$0x5230];
	v9 =	vadd.f32 v9, v15;
	v13 =	vadd.f32 v13, v3;
	(erf) = vpow2.f32 v10  }
0x8c: {  	v10 =	vld [tilespmem:s29+$0x5210];
	v57 =	vmul.f32 v8, v4;
	v7 =	vmul.f32 $-1.595769170e+00, v7  }
0x8d: {  	v18 =	vmul.f32 v5, v5;
	v8 =	vadd.f32 v6, v9;
	v13 =	vmul.f32 $-1.595769170e+00, v13  }
0x8e: {  	v6 =	vadd.f32 v16, v11;
	v9 =	vmul.f32 $4.471499850e-02, v57;
	v11 =	vmul.f32 $1.442695020e+00, v7  }
0x8f: {  	v12 =	vadd.f32 v55, v17;
	v58 =	vmul.f32 v18, v5;
	v59 =	vmul.f32 v8, v8  }
0x90: {  	v7 =	vadd.f32 v56, v6;
	v13 =	vmul.f32 $1.442695020e+00, v13;
	(erf) = vpow2.f32 v11  }
0x91: {  	v6 =	vadd.f32 v10, v12;
	v10 =	vmul.f32 $4.471499850e-02, v58;
	v11 =	vmul.f32 v59, v8  }
0x92: {  	v9 =	vadd.f32 v9, v4;
	v60 =	vmul.f32 v7, v7  }
0x93: {  	(erf) = vpow2.f32 v13;
	v10 =	vadd.f32 v10, v5;
	v11 =	vmul.f32 $4.471499850e-02, v11  }
0x94: {  	v61 =	vmul.f32 v6, v6;
	v9 =	vmul.f32 $-1.595769170e+00, v9  }
0x95: {  	v12 =	vmul.f32 v60, v7;
	v62 =	vpop (erf);
	v10 =	vmul.f32 $-1.595769170e+00, v10;
	v11 =	vadd.f32 v11, v8  }
0x96: {  	v13 =	vmul.f32 v61, v6;
	v9 =	vmul.f32 $1.442695020e+00, v9;
	v14 =	vadd.f32 $1.000000000e+00, v62  }
0x97: {  	v12 =	vmul.f32 $4.471499850e-02, v12;
	v11 =	vmul.f32 $-1.595769170e+00, v11  }
0x98: {  	v10 =	vmul.f32 $1.442695020e+00, v10;
	(erf) = vrcp.f32 v14  }
0x99: {  	v13 =	vmul.f32 $4.471499850e-02, v13;
	(erf) = vpow2.f32 v9  }
0x9a: {  	v12 =	vadd.f32 v12, v7;
	v9 =	vmul.f32 $1.442695020e+00, v11;
	v63 =	vpop (erf);
	(erf) = vpow2.f32 v10  }
0x9b: {  	v11 =	vadd.f32 v13, v6  }
0x9c: {  	v12 =	vmul.f32 $-1.595769170e+00, v12;
	v13 =	vadd.f32 $1.000000000e+00, v63;
	v10 =	vpop (erf);
	(erf) = vpow2.f32 v9  }
0x9d: {  	v11 =	vmul.f32 $-1.595769170e+00, v11;
	v10 =	vadd.f32 $1.000000000e+00, v10  }
0x9e: {  	s30 =	simm.s32 $0x200;
	v9 =	vmul.f32 $1.442695020e+00, v12;
	(erf) = vrcp.f32 v13  }
.LBB2_5:
0x9f: {  	p0 =	sne.s32 s30, $0x5E00;
	v11 =	vmul.f32 $1.442695020e+00, v11;
	(erf) = vrcp.f32 v10;
	s31 =	smov.u32 s30;
	s30 =	sadd.s32 $0x200, s30  }
0xa0: {  	(erf) = vpow2.f32 v9  }
0xa1: {  	(erf) = vpow2.f32 v11;
	v9 =	vpop (erf)  }
0xa2: {  	s31 =	sshra.s32 s31, $0x2;
	v1 =	vmul.f32 v9, v1;
	v9 =	vpop (erf)  }
0xa3: {  	v10 =	vld [tilespmem:s31+$0x2A70];
	v9 =	vadd.f32 $1.000000000e+00, v9;
	v11 =	vpop (erf)  }
0xa4: {  	v12 =	vld [tilespmem:s31+$0x2A60];
	v11 =	vadd.f32 $1.000000000e+00, v11;
	[tilespmem:s29+$0x250] =	vst v1  }
0xa5: {  	v1 =	vld [tilespmem:s31+$0x2A50];
	v13 =	vpop (erf);
	(erf) = vrcp.f32 v9  }
0xa6: {  	v9 =	vld [tilespmem:s31+$0x250];
	v16 =	vadd.f32 $1.000000000e+00, v13;
	(erf) = vrcp.f32 v11  }
0xa7: {  	v11 =	vld [tilespmem:s31+$0x5250];
	v14 =	vpop (erf)  }
0xa8: {  	v15 =	vld [tilespmem:s31+$0x2A00];
	v17 =	vmul.f32 v14, v2;
	v14 =	vpop (erf);
	(erf) = vrcp.f32 v16  }
0xa9: {  	v3 =	vmul.f32 v14, v3;
	v13 =	vpop (erf)  }
0xaa: {  	v13 =	vadd.f32 $1.000000000e+00, v13;
	[tilespmem:s29+$0x270] =	vst v17;
	v2 =	vpop (erf)  }
0xab: {  	v1 =	vadd.f32 v1, v9;
	v9 =	vld [tilespmem:s31+$0x270];
	[tilespmem:s29+$0x200] =	vst v3;
	v14 =	vadd.f32 $1.000000000e+00, v2  }
0xac: {  	v3 =	vld [tilespmem:s31+$0x5270];
	(erf) = vrcp.f32 v13  }
0xad: {  	v13 =	vld [tilespmem:s31+$0x200];
	v1 =	vadd.f32 v11, v1;
	(erf) = vrcp.f32 v14  }
0xae: {  	v11 =	vld [tilespmem:s31+$0x2A40];
	v2 =	vpop (erf)  }
0xaf: {  	v14 =	vld [tilespmem:s31+$0x5200];
	v18 =	vmul.f32 v1, v1;
	v2 =	vmul.f32 v2, v4;
	v4 =	vpop (erf)  }
0xb0: {  	v17 =	vld [tilespmem:s31+$0x5240];
	v9 =	vadd.f32 v10, v9;
	v4 =	vmul.f32 v4, v5  }
0xb1: {  	v5 =	vmul.f32 v18, v1;
	v10 =	vld [tilespmem:s31+$0x5260];
	[tilespmem:s29+$0x260] =	vst v2;
	v16 =	vpop (erf)  }
0xb2: {  	v13 =	vadd.f32 v15, v13;
	v15 =	vld [tilespmem:s31+$0x260];
	v2 =	vadd.f32 v3, v9;
	[tilespmem:s29+$0x220] =	vst v4;
	v4 =	vmul.f32 v16, v8  }
0xb3: {  	v8 =	vld [tilespmem:s31+$0x2A20];
	v16 =	vmul.f32 $4.471499850e-02, v5  }
0xb4: {  	v3 =	vadd.f32 v14, v13;
	v9 =	vld [tilespmem:s31+$0x220];
	v13 =	vmul.f32 v2, v2;
	[tilespmem:s29+$0x240] =	vst v4  }
0xb5: {  	v14 =	vld [tilespmem:s31+$0x2A10];
	v4 =	vadd.f32 v16, v1;
	v5 =	vpop (erf)  }
0xb6: {  	v16 =	vmul.f32 v3, v3;
	v18 =	vld [tilespmem:s31+$0x5220];
	v5 =	vmul.f32 v5, v7;
	v7 =	vpop (erf)  }
0xb7: {  	v13 =	vmul.f32 v13, v2;
	v19 =	vld [tilespmem:s31+$0x240];
	v12 =	vadd.f32 v12, v15;
	v6 =	vmul.f32 v7, v6  }
0xb8: {  	v7 =	vmul.f32 v16, v3;
	v15 =	vld [tilespmem:s31+$0x2A30];
	v16 =	vmul.f32 $-1.595769170e+00, v4;
	[tilespmem:s29+$0x230] =	vst v5  }
0xb9: {  	v5 =	vadd.f32 v8, v9;
	v8 =	vld [tilespmem:s31+$0x230];
	v4 =	vadd.f32 v10, v12;
	v9 =	vmul.f32 $4.471499850e-02, v13;
	[tilespmem:s29+$0x210] =	vst v6;
	s29 =	smov.u32 s31  }
0xba: {  	v6 =	vmul.f32 $4.471499850e-02, v7;
	v7 =	vld [tilespmem:s29+$0x210];
	v10 =	vmul.f32 $1.442695020e+00, v16  }
0xbb: {  	v5 =	vadd.f32 v18, v5;
	v12 =	vld [tilespmem:s29+$0x5230];
	v13 =	vmul.f32 v4, v4;
	v9 =	vadd.f32 v9, v2  }
0xbc: {  	v6 =	vadd.f32 v6, v3;
	v16 =	vld [tilespmem:s29+$0x5210];
	v11 =	vadd.f32 v11, v19;
	(erf) = vpow2.f32 v10  }
0xbd: {  	v10 =	vmul.f32 v5, v5;
	v13 =	vmul.f32 v13, v4  }
0xbe: {  	v9 =	vmul.f32 $-1.595769170e+00, v9;
	v6 =	vmul.f32 $-1.595769170e+00, v6;
	v15 =	vadd.f32 v15, v8  }
0xbf: {  	v8 =	vadd.f32 v17, v11;
	v14 =	vadd.f32 v14, v7;
	v11 =	vmul.f32 $4.471499850e-02, v13  }
0xc0: {  	v10 =	vmul.f32 v10, v5;
	v9 =	vmul.f32 $1.442695020e+00, v9;
	v7 =	vadd.f32 v12, v15  }
0xc1: {  	v12 =	vmul.f32 $1.442695020e+00, v6;
	v13 =	vmul.f32 v8, v8;
	v6 =	vadd.f32 v16, v14  }
0xc2: {  	v10 =	vmul.f32 $4.471499850e-02, v10;
	v11 =	vadd.f32 v11, v4;
	v14 =	vmul.f32 v7, v7  }
0xc3: {  	v15 =	vmul.f32 v13, v8;
	(erf) = vpow2.f32 v9  }
0xc4: {  	v9 =	vmul.f32 v6, v6;
	v10 =	vadd.f32 v10, v5;
	(erf) = vpow2.f32 v12  }
0xc5: {  	v11 =	vmul.f32 $-1.595769170e+00, v11;
	v12 =	vmul.f32 $4.471499850e-02, v15;
	v13 =	vpop (erf)  }
0xc6: {  	v14 =	vmul.f32 v14, v7;
	v10 =	vmul.f32 $-1.595769170e+00, v10;
	v13 =	vadd.f32 $1.000000000e+00, v13  }
0xc7: {  	v9 =	vmul.f32 v9, v6;
	v11 =	vmul.f32 $1.442695020e+00, v11;
	v12 =	vadd.f32 v12, v8  }
0xc8: {  	v14 =	vmul.f32 $4.471499850e-02, v14;
	v10 =	vmul.f32 $1.442695020e+00, v10  }
0xc9: {  	v12 =	vmul.f32 $-1.595769170e+00, v12;
	(erf) = vrcp.f32 v13  }
0xca: {  	v9 =	vmul.f32 $4.471499850e-02, v9;
	v13 =	vadd.f32 v14, v7;
	(erf) = vpow2.f32 v11  }
.Ltmp1:
0xcb: {  	v11 =	vmul.f32 $1.442695020e+00, v12;
	(erf) = vpow2.f32 v10;
	(pc) =	sbr.rel @p0 .LBB2_5-.Ltmp1, $4  }
0xcc: {  	v9 =	vadd.f32 v9, v6;
	v12 =	vmul.f32 $-1.595769170e+00, v13;
	v10 =	vpop (erf)  }
0xcd: {  	v13 =	vadd.f32 $1.000000000e+00, v10;
	v10 =	vpop (erf);
	(erf) = vpow2.f32 v11  }
0xce: {  	v11 =	vmul.f32 $-1.595769170e+00, v9;
	v9 =	vmul.f32 $1.442695020e+00, v12;
	v10 =	vadd.f32 $1.000000000e+00, v10  }
0xcf: {  	(erf) = vrcp.f32 v13  }
0xd0: {  	v11 =	vmul.f32 $1.442695020e+00, v11;
	(erf) = vrcp.f32 v10  }
0xd1: {  	(erf) = vpow2.f32 v9  }
0xd2: {  	(erf) = vpow2.f32 v11;
	_ =	sdelay $0x1  }
0xd3: {  	v9 =	vpop (erf)  }
0xd4: {  	v10 =	vpop (erf)  }
0xd5: {  	v11 =	vpop (erf)  }
0xd6: {  	v12 =	vpop (erf)  }
0xd7: {  	v10 =	vadd.f32 $1.000000000e+00, v10;
	v13 =	vpop (erf)  }
0xd8: {  	v11 =	vadd.f32 $1.000000000e+00, v11;
	v14 =	vpop (erf)  }
0xd9: {  	(erf) = vrcp.f32 v10;
	v10 =	vadd.f32 $1.000000000e+00, v12;
	v50 =	vpop (erf)  }
0xda: {  	(erf) = vrcp.f32 v11;
	v11 =	vadd.f32 $1.000000000e+00, v50;
	v51 =	vpop (erf)  }
0xdb: {  	(erf) = vrcp.f32 v10;
	v10 =	vadd.f32 $1.000000000e+00, v51  }
0xdc: {  	(erf) = vrcp.f32 v11  }
0xdd: {  	(erf) = vrcp.f32 v10;
	_ =	sdelay $0x2  }
0xde: {  	v1 =	vmul.f32 v9, v1  }
0xdf: {  	v2 =	vmul.f32 v13, v2  }
0xe0: {  	[tilespmem:s29+$0x250] =	vst v1;
	v1 =	vmul.f32 v14, v3;
	v3 =	vpop (erf)  }
0xe1: {  	[tilespmem:s29+$0x270] =	vst v2;
	v2 =	vmul.f32 v3, v4;
	v3 =	vpop (erf)  }
0xe2: {  	[tilespmem:s29+$0x200] =	vst v1;
	v1 =	vmul.f32 v3, v5;
	v3 =	vpop (erf)  }
0xe3: {  	[tilespmem:s29+$0x260] =	vst v2;
	v2 =	vmul.f32 v3, v8;
	v3 =	vpop (erf)  }
0xe4: {  	[tilespmem:s29+$0x220] =	vst v1;
	v1 =	vmul.f32 v3, v7;
	v3 =	vpop (erf)  }
0xe5: {  	[tilespmem:s29+$0x240] =	vst v2;
	v2 =	vmul.f32 v3, v6  }
0xe6: {  	[tilespmem:s29+$0x230] =	vst v1  }
0xe7: {  	[tilespmem:s29+$0x210] =	vst v2  }
0xe8: {  	[spmem:s2] =	stream.indirect.scatter.add.f32 [tilespmem:s3], [sflag:$0x4], $0x80, s13, s16, $0xb8;
	[tilespmem:$0x1BA00] =	vst v63  }
0xe9: {  	_ =	swait.ge [sflag:s24], $0x1000  }
0xea: {  	[sflag:s24] =	ssyncset.done $0x0  }
0xeb: {  	[sflag:s24] =	ssyncadd.s32 $0xFFFFF000  }
0xec: {  	_ =	swait.ge [sflag:s24], $0x1000  }
0xed: {  	[sflag:s24] =	ssyncset.done $0x0  }
0xee: {  	s29 =	simm.s32 $0x0;
	[sflag:s24] =	ssyncadd.s32 $0xFFFFF000  }
0xef: {  	v1 =	vld [tilespmem:s29+$0x4250]  }
0xf0: {  	v2 =	vld [tilespmem:s29+$0x1A50]  }
0xf1: {  	v3 =	vld [tilespmem:s29+$0x4270]  }
0xf2: {  	v4 =	vld [tilespmem:s29+$0x6A50]  }
0xf3: {  	v5 =	vld [tilespmem:s29+$0x4260]  }
0xf4: {  	v6 =	vld [tilespmem:s29+$0x4200]  }
0xf5: {  	v1 =	vadd.f32 v1, v2;
	v2 =	vld [tilespmem:s29+$0x1A70]  }
0xf6: {  	v7 =	vld [tilespmem:s29+$0x1A00]  }
0xf7: {  	v8 =	vld [tilespmem:s29+$0x6A70];
	v1 =	vadd.f32 v4, v1  }
0xf8: {  	v4 =	vld [tilespmem:s29+$0x6A00]  }
0xf9: {  	v9 =	vld [tilespmem:s29+$0x4240];
	v10 =	vmul.f32 v1, v1  }
0xfa: {  	v11 =	vld [tilespmem:s29+$0x6A60];
	v2 =	vadd.f32 v3, v2  }
0xfb: {  	v6 =	vadd.f32 v6, v7;
	v7 =	vld [tilespmem:s29+$0x1A60];
	v3 =	vmul.f32 v10, v1  }
0xfc: {  	v2 =	vadd.f32 v8, v2;
	v8 =	vld [tilespmem:s29+$0x4220]  }
0xfd: {  	v10 =	vmul.f32 $4.471499850e-02, v3;
	v3 =	vadd.f32 v4, v6;
	v4 =	vld [tilespmem:s29+$0x1A20]  }
0xfe: {  	v54 =	vld [tilespmem:s29+$0x6A20];
	v52 =	vmul.f32 v2, v2  }
0xff: {  	v15 =	vld [tilespmem:s29+$0x1A40];
	v10 =	vadd.f32 v10, v1;
	v53 =	vmul.f32 v3, v3  }
0x100: {  	v55 =	vld [tilespmem:s29+$0x4210];
	v5 =	vadd.f32 v5, v7;
	v7 =	vmul.f32 v52, v2  }
0x101: {  	v16 =	vld [tilespmem:s29+$0x4230];
	v13 =	vmul.f32 v53, v3;
	v10 =	vmul.f32 $-1.595769170e+00, v10  }
0x102: {  	v6 =	vld [tilespmem:s29+$0x6A40];
	v8 =	vadd.f32 v8, v4;
	v4 =	vadd.f32 v11, v5;
	v7 =	vmul.f32 $4.471499850e-02, v7  }
0x103: {  	v11 =	vld [tilespmem:s29+$0x1A30];
	v13 =	vmul.f32 $4.471499850e-02, v13;
	v10 =	vmul.f32 $1.442695020e+00, v10  }
0x104: {  	v17 =	vld [tilespmem:s29+$0x1A10];
	v5 =	vadd.f32 v54, v8;
	v8 =	vmul.f32 v4, v4;
	v7 =	vadd.f32 v7, v2  }
0x105: {  	v56 =	vld [tilespmem:s29+$0x6A30];
	v9 =	vadd.f32 v9, v15;
	v13 =	vadd.f32 v13, v3;
	(erf) = vpow2.f32 v10  }
0x106: {  	v10 =	vld [tilespmem:s29+$0x6A10];
	v57 =	vmul.f32 v8, v4;
	v7 =	vmul.f32 $-1.595769170e+00, v7  }
0x107: {  	v18 =	vmul.f32 v5, v5;
	v8 =	vadd.f32 v6, v9;
	v13 =	vmul.f32 $-1.595769170e+00, v13  }
0x108: {  	v6 =	vadd.f32 v16, v11;
	v9 =	vmul.f32 $4.471499850e-02, v57;
	v11 =	vmul.f32 $1.442695020e+00, v7  }
0x109: {  	v12 =	vadd.f32 v55, v17;
	v58 =	vmul.f32 v18, v5;
	v59 =	vmul.f32 v8, v8  }
0x10a: {  	v7 =	vadd.f32 v56, v6;
	v13 =	vmul.f32 $1.442695020e+00, v13;
	(erf) = vpow2.f32 v11  }
0x10b: {  	v6 =	vadd.f32 v10, v12;
	v10 =	vmul.f32 $4.471499850e-02, v58;
	v11 =	vmul.f32 v59, v8  }
0x10c: {  	v9 =	vadd.f32 v9, v4;
	v60 =	vmul.f32 v7, v7  }
0x10d: {  	(erf) = vpow2.f32 v13;
	v10 =	vadd.f32 v10, v5;
	v11 =	vmul.f32 $4.471499850e-02, v11  }
0x10e: {  	v61 =	vmul.f32 v6, v6;
	v9 =	vmul.f32 $-1.595769170e+00, v9  }
0x10f: {  	v12 =	vmul.f32 v60, v7;
	v62 =	vpop (erf);
	v10 =	vmul.f32 $-1.595769170e+00, v10;
	v11 =	vadd.f32 v11, v8  }
0x110: {  	v13 =	vmul.f32 v61, v6;
	v9 =	vmul.f32 $1.442695020e+00, v9;
	v14 =	vadd.f32 $1.000000000e+00, v62  }
0x111: {  	v12 =	vmul.f32 $4.471499850e-02, v12;
	v11 =	vmul.f32 $-1.595769170e+00, v11  }
0x112: {  	v10 =	vmul.f32 $1.442695020e+00, v10;
	(erf) = vrcp.f32 v14  }
0x113: {  	v13 =	vmul.f32 $4.471499850e-02, v13;
	(erf) = vpow2.f32 v9  }
0x114: {  	v12 =	vadd.f32 v12, v7;
	v9 =	vmul.f32 $1.442695020e+00, v11;
	(erf) = vpow2.f32 v10  }
0x115: {  	v11 =	vadd.f32 v13, v6;
	v63 =	vpop (erf)  }
0x116: {  	v12 =	vmul.f32 $-1.595769170e+00, v12;
	v13 =	vadd.f32 $1.000000000e+00, v63;
	v10 =	vpop (erf);
	(erf) = vpow2.f32 v9  }
0x117: {  	v11 =	vmul.f32 $-1.595769170e+00, v11;
	v10 =	vadd.f32 $1.000000000e+00, v10  }
0x118: {  	s30 =	simm.s32 $0x200;
	v9 =	vmul.f32 $1.442695020e+00, v12;
	(erf) = vrcp.f32 v13  }
.LBB2_7:
0x119: {  	p0 =	sne.s32 s30, $0x3E00;
	v11 =	vmul.f32 $1.442695020e+00, v11;
	(erf) = vrcp.f32 v10;
	s31 =	smov.u32 s30;
	s30 =	sadd.s32 $0x200, s30  }
0x11a: {  	(erf) = vpow2.f32 v9  }
0x11b: {  	(erf) = vpow2.f32 v11;
	v9 =	vpop (erf)  }
0x11c: {  	s31 =	sshra.s32 s31, $0x2;
	v1 =	vmul.f32 v9, v1;
	v9 =	vpop (erf)  }
0x11d: {  	v10 =	vld [tilespmem:s31+$0x4270];
	v9 =	vadd.f32 $1.000000000e+00, v9;
	v11 =	vpop (erf)  }
0x11e: {  	v12 =	vld [tilespmem:s31+$0x4260];
	v11 =	vadd.f32 $1.000000000e+00, v11;
	[tilespmem:s29+$0x1A50] =	vst v1  }
0x11f: {  	v1 =	vld [tilespmem:s31+$0x4250];
	v13 =	vpop (erf);
	(erf) = vrcp.f32 v9  }
0x120: {  	v9 =	vld [tilespmem:s31+$0x1A50];
	v16 =	vadd.f32 $1.000000000e+00, v13;
	(erf) = vrcp.f32 v11  }
0x121: {  	v11 =	vld [tilespmem:s31+$0x6A50];
	v14 =	vpop (erf)  }
0x122: {  	v15 =	vld [tilespmem:s31+$0x4200];
	v17 =	vmul.f32 v14, v2;
	v14 =	vpop (erf);
	(erf) = vrcp.f32 v16  }
0x123: {  	v3 =	vmul.f32 v14, v3;
	v13 =	vpop (erf)  }
0x124: {  	v13 =	vadd.f32 $1.000000000e+00, v13;
	[tilespmem:s29+$0x1A70] =	vst v17;
	v2 =	vpop (erf)  }
0x125: {  	v1 =	vadd.f32 v1, v9;
	v9 =	vld [tilespmem:s31+$0x1A70];
	[tilespmem:s29+$0x1A00] =	vst v3;
	v14 =	vadd.f32 $1.000000000e+00, v2  }
0x126: {  	v3 =	vld [tilespmem:s31+$0x6A70];
	(erf) = vrcp.f32 v13  }
0x127: {  	v13 =	vld [tilespmem:s31+$0x1A00];
	v1 =	vadd.f32 v11, v1;
	(erf) = vrcp.f32 v14  }
0x128: {  	v11 =	vld [tilespmem:s31+$0x4240];
	v2 =	vpop (erf)  }
0x129: {  	v14 =	vld [tilespmem:s31+$0x6A00];
	v18 =	vmul.f32 v1, v1;
	v2 =	vmul.f32 v2, v4;
	v4 =	vpop (erf)  }
0x12a: {  	v17 =	vld [tilespmem:s31+$0x6A40];
	v9 =	vadd.f32 v10, v9;
	v4 =	vmul.f32 v4, v5  }
0x12b: {  	v5 =	vmul.f32 v18, v1;
	v10 =	vld [tilespmem:s31+$0x6A60];
	[tilespmem:s29+$0x1A60] =	vst v2;
	v16 =	vpop (erf)  }
0x12c: {  	v13 =	vadd.f32 v15, v13;
	v15 =	vld [tilespmem:s31+$0x1A60];
	v2 =	vadd.f32 v3, v9;
	[tilespmem:s29+$0x1A20] =	vst v4;
	v4 =	vmul.f32 v16, v8  }
0x12d: {  	v8 =	vld [tilespmem:s31+$0x4220];
	v16 =	vmul.f32 $4.471499850e-02, v5  }
0x12e: {  	v3 =	vadd.f32 v14, v13;
	v9 =	vld [tilespmem:s31+$0x1A20];
	v13 =	vmul.f32 v2, v2;
	[tilespmem:s29+$0x1A40] =	vst v4  }
0x12f: {  	v14 =	vld [tilespmem:s31+$0x4210];
	v4 =	vadd.f32 v16, v1;
	v5 =	vpop (erf)  }
0x130: {  	v16 =	vmul.f32 v3, v3;
	v18 =	vld [tilespmem:s31+$0x6A20];
	v5 =	vmul.f32 v5, v7;
	v7 =	vpop (erf)  }
0x131: {  	v13 =	vmul.f32 v13, v2;
	v19 =	vld [tilespmem:s31+$0x1A40];
	v12 =	vadd.f32 v12, v15;
	v6 =	vmul.f32 v7, v6  }
0x132: {  	v7 =	vmul.f32 v16, v3;
	v15 =	vld [tilespmem:s31+$0x4230];
	v16 =	vmul.f32 $-1.595769170e+00, v4;
	[tilespmem:s29+$0x1A30] =	vst v5  }
0x133: {  	v5 =	vadd.f32 v8, v9;
	v8 =	vld [tilespmem:s31+$0x1A30];
	v4 =	vadd.f32 v10, v12;
	v9 =	vmul.f32 $4.471499850e-02, v13;
	[tilespmem:s29+$0x1A10] =	vst v6;
	s29 =	smov.u32 s31  }
0x134: {  	v6 =	vmul.f32 $4.471499850e-02, v7;
	v7 =	vld [tilespmem:s29+$0x1A10];
	v10 =	vmul.f32 $1.442695020e+00, v16  }
0x135: {  	v5 =	vadd.f32 v18, v5;
	v12 =	vld [tilespmem:s29+$0x6A30];
	v13 =	vmul.f32 v4, v4;
	v9 =	vadd.f32 v9, v2  }
0x136: {  	v6 =	vadd.f32 v6, v3;
	v16 =	vld [tilespmem:s29+$0x6A10];
	v11 =	vadd.f32 v11, v19;
	(erf) = vpow2.f32 v10  }
0x137: {  	v10 =	vmul.f32 v5, v5;
	v13 =	vmul.f32 v13, v4  }
0x138: {  	v9 =	vmul.f32 $-1.595769170e+00, v9;
	v6 =	vmul.f32 $-1.595769170e+00, v6;
	v15 =	vadd.f32 v15, v8  }
0x139: {  	v8 =	vadd.f32 v17, v11;
	v14 =	vadd.f32 v14, v7;
	v11 =	vmul.f32 $4.471499850e-02, v13  }
0x13a: {  	v10 =	vmul.f32 v10, v5;
	v9 =	vmul.f32 $1.442695020e+00, v9;
	v7 =	vadd.f32 v12, v15  }
0x13b: {  	v12 =	vmul.f32 $1.442695020e+00, v6;
	v13 =	vmul.f32 v8, v8;
	v6 =	vadd.f32 v16, v14  }
0x13c: {  	v10 =	vmul.f32 $4.471499850e-02, v10;
	v11 =	vadd.f32 v11, v4;
	v14 =	vmul.f32 v7, v7  }
0x13d: {  	v15 =	vmul.f32 v13, v8;
	(erf) = vpow2.f32 v9  }
0x13e: {  	v9 =	vmul.f32 v6, v6;
	v10 =	vadd.f32 v10, v5;
	(erf) = vpow2.f32 v12  }
0x13f: {  	v11 =	vmul.f32 $-1.595769170e+00, v11;
	v12 =	vmul.f32 $4.471499850e-02, v15;
	v13 =	vpop (erf)  }
0x140: {  	v14 =	vmul.f32 v14, v7;
	v10 =	vmul.f32 $-1.595769170e+00, v10;
	v13 =	vadd.f32 $1.000000000e+00, v13  }
0x141: {  	v9 =	vmul.f32 v9, v6;
	v11 =	vmul.f32 $1.442695020e+00, v11;
	v12 =	vadd.f32 v12, v8  }
0x142: {  	v14 =	vmul.f32 $4.471499850e-02, v14;
	v10 =	vmul.f32 $1.442695020e+00, v10  }
0x143: {  	v12 =	vmul.f32 $-1.595769170e+00, v12;
	(erf) = vrcp.f32 v13  }
0x144: {  	v9 =	vmul.f32 $4.471499850e-02, v9;
	v13 =	vadd.f32 v14, v7;
	(erf) = vpow2.f32 v11  }
.Ltmp2:
0x145: {  	v11 =	vmul.f32 $1.442695020e+00, v12;
	(erf) = vpow2.f32 v10;
	(pc) =	sbr.rel @p0 .LBB2_7-.Ltmp2, $4  }
0x146: {  	v9 =	vadd.f32 v9, v6;
	v12 =	vmul.f32 $-1.595769170e+00, v13;
	v10 =	vpop (erf)  }
0x147: {  	v13 =	vadd.f32 $1.000000000e+00, v10;
	v10 =	vpop (erf);
	(erf) = vpow2.f32 v11  }
0x148: {  	v11 =	vmul.f32 $-1.595769170e+00, v9;
	v9 =	vmul.f32 $1.442695020e+00, v12;
	v10 =	vadd.f32 $1.000000000e+00, v10  }
0x149: {  	(erf) = vrcp.f32 v13  }
0x14a: {  	v11 =	vmul.f32 $1.442695020e+00, v11;
	(erf) = vrcp.f32 v10  }
0x14b: {  	(erf) = vpow2.f32 v9  }
0x14c: {  	(erf) = vpow2.f32 v11;
	_ =	sdelay $0x1  }
0x14d: {  	v56 =	vpop (erf)  }
0x14e: {  	v57 =	vpop (erf)  }
0x14f: {  	v58 =	vpop (erf)  }
0x150: {  	v12 =	vpop (erf)  }
0x151: {  	v10 =	vadd.f32 $1.000000000e+00, v57;
	v13 =	vpop (erf)  }
0x152: {  	v11 =	vadd.f32 $1.000000000e+00, v58;
	v14 =	vpop (erf)  }
0x153: {  	(erf) = vrcp.f32 v10;
	v59 =	vadd.f32 $1.000000000e+00, v12;
	v60 =	vpop (erf)  }
0x154: {  	(erf) = vrcp.f32 v11;
	v61 =	vadd.f32 $1.000000000e+00, v60;
	v62 =	vpop (erf)  }
0x155: {  	(erf) = vrcp.f32 v59;
	v63 =	vadd.f32 $1.000000000e+00, v62  }
0x156: {  	(erf) = vrcp.f32 v61  }
0x157: {  	(erf) = vrcp.f32 v63;
	_ =	sdelay $0x2  }
0x158: {  	v1 =	vmul.f32 v56, v1  }
0x159: {  	v2 =	vmul.f32 v13, v2  }
0x15a: {  	[tilespmem:s29+$0x1A50] =	vst v1;
	v1 =	vmul.f32 v14, v3;
	v3 =	vpop (erf)  }
0x15b: {  	[tilespmem:s29+$0x1A70] =	vst v2;
	v2 =	vmul.f32 v3, v4;
	v3 =	vpop (erf)  }
0x15c: {  	[tilespmem:s29+$0x1A00] =	vst v1;
	v1 =	vmul.f32 v3, v5;
	v3 =	vpop (erf)  }
0x15d: {  	[tilespmem:s29+$0x1A60] =	vst v2;
	v2 =	vmul.f32 v3, v8;
	v3 =	vpop (erf)  }
0x15e: {  	s30 =	smul.u32 $0x50, s28;
	[tilespmem:s29+$0x1A20] =	vst v1;
	v1 =	vmul.f32 v3, v7;
	v3 =	vpop (erf)  }
0x15f: {  	[tilespmem:s29+$0x1A40] =	vst v2;
	v2 =	vmul.f32 v3, v6  }
0x160: {  	s30 =	sadd.s32 s9, s30;
	[tilespmem:s29+$0x1A30] =	vst v1  }
0x161: {  	[tilespmem:s29+$0x1A10] =	vst v2;
	s29 =	sadd.s32 $0x50, s30  }
0x162: {  	[spmem:s2] =	stream.indirect.scatter.add.f32 [tilespmem:s19], [sflag:$0x5], $0x80, s15, s18, $0xb8;
	[tilespmem:$0x1BA00] =	vst v63  }
0x163: {  	s31 =	sshll.u32 s29, $0x4  }
0x164: {  	s31 =	sadd.s32 s6, s31  }
0x165: {  	[tilespmem:s21], [sflag:$0x3] =	stream.linear.gather [hbm4b:s31+s4], $0x2800, $0x38;
	[tilespmem:$0x1BA00] =	vst v63  }
0x166: {  	_ =	swait.ge [sflag:s25], $0x1800  }
0x167: {  	s29 =	sshrl.u32 s29, $0x3;
	[sflag:s25] =	ssyncset.done $0x0  }
0x168: {  	s31 =	sadd.s32 s7, s29;
	[sflag:s25] =	ssyncadd.s32 $0xFFFFE800  }
0x169: {  	[tilespmem:s4], [sflag:$0x6] =	stream.linear.gather [hbm4b:s31+s4], $0x30, $0x38;
	[tilespmem:$0x1BA00] =	vst v63  }
0x16a: {  	_ =	swait.ge [sflag:s12], $0x30  }
0x16b: {  	[sflag:s12] =	ssyncset.done $0x0  }
0x16c: {  	s29 =	sadd.s32 s8, s29;
	[sflag:s12] =	ssyncadd.s32 $0xFFFFFFD0  }
0x16d: {  	[tilespmem:s13], [sflag:$0x6] =	stream.linear.gather [hbm4b:s29+s4], $0x30, $0x38;
	[tilespmem:$0x1BA00] =	vst v63  }
0x16e: {  	_ =	swait.ge [sflag:s12], $0x30  }
0x16f: {  	[sflag:s12] =	ssyncset.done $0x0  }
0x170: {  	[sflag:s12] =	ssyncadd.s32 $0xFFFFFFD0  }
0x171: {  	[tilespmem:s3], [sflag:$0x1] =	stream.indirect.gather [hbm4b:s1+s16], $0x80, s4, s16, $0xb8;
	[tilespmem:$0x1BA00] =	vst v63  }
0x172: {  	_ = 	snop  }
0x173: {  	[tilespmem:s17], [sflag:$0x1] =	stream.indirect.gather [hbm4b:s5+s16], $0x80, s13, s16, $0xb8;
	[tilespmem:$0x1BA00] =	vst v63  }
0x174: {  	s30 =	sshrl.u32 s30, $0x3;
	_ =	swait.ge [sflag:s11], $0x1000  }
0x175: {  	s29 =	sadd.s32 $0x10, s30;
	[sflag:s11] =	ssyncset.done $0x0  }
0x176: {  	s31 =	sadd.s32 s7, s29;
	[sflag:s11] =	ssyncadd.s32 $0xFFFFF000  }
0x177: {  	[tilespmem:s14], [sflag:$0x6] =	stream.linear.gather [hbm4b:s31+s4], $0x20, $0x38;
	[tilespmem:$0x1BA00] =	vst v63  }
0x178: {  	_ =	swait.ge [sflag:s12], $0x20  }
0x179: {  	[sflag:s12] =	ssyncset.done $0x0  }
0x17a: {  	s28 =	sadd.s32 $0x1, s28;
	s29 =	sadd.s32 s8, s29;
	[sflag:s12] =	ssyncadd.s32 $0xFFFFFFE0  }
0x17b: {  	[tilespmem:s15], [sflag:$0x6] =	stream.linear.gather [hbm4b:s29+s4], $0x20, $0x38;
	[tilespmem:$0x1BA00] =	vst v63  }
0x17c: {  	p0 =	sne.s32 s28, $0x7D;
	_ =	swait.ge [sflag:s12], $0x20  }
.Ltmp3:
0x17d: {  	[sflag:s12] =	ssyncset.done $0x0;
	(pc) =	sbr.rel @p0 .LBB2_4-.Ltmp3, $4  }
0x17e: {  	[sflag:s12] =	ssyncadd.s32 $0xFFFFFFE0  }
0x17f: {  	[tilespmem:s19], [sflag:$0x2] =	stream.indirect.gather [hbm4b:s1+s18], $0x80, s14, s18, $0xb8;
	[tilespmem:$0x1BA00] =	vst v63  }
0x180: {  	_ = 	snop  }
0x181: {  	[tilespmem:s20], [sflag:$0x2] =	stream.indirect.gather [hbm4b:s5+s18], $0x80, s15, s18, $0xb8;
	[tilespmem:$0x1BA00] =	vst v63  }
0x182: {  	_ =	swait.ge [sflag:s23], $0x1800  }
0x183: {  	[sflag:s23] =	ssyncset.done $0x0  }
0x184: {  	[sflag:s23] =	ssyncadd.s32 $0xFFFFE800  }
0x185: {  	_ =	swait.ge [sflag:s23], $0x1800  }
0x186: {  	[sflag:s23] =	ssyncset.done $0x0  }
0x187: {  	[sflag:s23] =	ssyncadd.s32 $0xFFFFE800  }
0x188: {  	_ =	swait.ge [sflag:s24], $0x1000  }
0x189: {  	[sflag:s24] =	ssyncset.done $0x0  }
0x18a: {  	[sflag:s24] =	ssyncadd.s32 $0xFFFFF000  }
0x18b: {  	_ =	swait.ge [sflag:s24], $0x1000  }
0x18c: {  	[sflag:s24] =	ssyncset.done $0x0  }
0x18d: {  	[sflag:s24] =	ssyncadd.s32 $0xFFFFF000  }
0x18e: {  	_ =	swait.ge [sflag:s22], $0x2800  }
0x18f: {  	[sflag:s22] =	ssyncset.done $0x0  }
0x190: {  	[sflag:s22] =	ssyncadd.s32 $0xFFFFD800  }
0x191: {  	s28 =	stileid.u32;
	[bflag:$0x0] =	sbarrier.arrive $0xFFFF  }
0x192: {  	s28 =	sshll.u32 s28, $0x6;
	s29 =	rddreg [dreg:$0x12]  }
0x193: {  	s28 =	sor.u32 $0x1C06, s28;
	s30 =	rddreg [dreg:$0x9];
	s29 =	sshrl.u32 s29, $0x3  }
0x194: {  	[hbm:s30], [sflag:s28] =	dma.local [spmem:s29], $0x500  }
0x195: {  	_ =	swait.ge [sflag:s12], $0x500  }
0x196: {  	s30 =	smov.u32 s0;
	[sflag:s12] =	ssyncset.done $0x0  }
0x197: {  	s29 =	sshrl.u32 s0, $0x3;
	s0 =	rddreg [dreg:$0xa];
	[sflag:s12] =	ssyncadd.s32 $0xFFFFFB00  }
0x198: {  	[hbm:s0], [sflag:s28] =	dma.local [spmem:s29], $0x500  }
0x199: {  	_ =	swait.ge [sflag:s12], $0x500  }
0x19a: {  	s31 =	smov.u32 s10;
	[sflag:s12] =	ssyncset.done $0x0  }
0x19b: {  	s0 =	sshrl.u32 s10, $0x3;
	s10 =	rddreg [dreg:$0xb];
	[sflag:s12] =	ssyncadd.s32 $0xFFFFFB00  }
0x19c: {  	[hbm:s10], [sflag:s28] =	dma.local [spmem:s0], $0x500  }
0x19d: {  	_ =	swait.ge [sflag:s12], $0x500  }
0x19e: {  	[sflag:s12] =	ssyncset.done $0x0;
	s29 =	rddreg [dreg:$0x13]  }
0x19f: {  	s10 =	rddreg [dreg:$0xc];
	[sflag:s12] =	ssyncadd.s32 $0xFFFFFB00;
	s0 =	sshrl.u32 s29, $0x3  }
0x1a0: {  	[hbm:s10], [sflag:s28] =	dma.local [spmem:s0], $0x500  }
0x1a1: {  	_ =	swait.ge [sflag:s12], $0x500  }
0x1a2: {  	[sflag:s12] =	ssyncset.done $0x0;
	s29 =	rddreg [dreg:$0x14]  }
0x1a3: {  	s10 =	rddreg [dreg:$0xd];
	[sflag:s12] =	ssyncadd.s32 $0xFFFFFB00;
	s0 =	sshrl.u32 s29, $0x3  }
0x1a4: {  	[hbm:s10], [sflag:s28] =	dma.local [spmem:s0], $0x500  }
0x1a5: {  	_ =	swait.ge [sflag:s12], $0x500  }
0x1a6: {  	[sflag:s12] =	ssyncset.done $0x0;
	s29 =	rddreg [dreg:$0x15]  }
0x1a7: {  	s10 =	rddreg [dreg:$0xe];
	[sflag:s12] =	ssyncadd.s32 $0xFFFFFB00;
	s0 =	sshrl.u32 s29, $0x3  }
0x1a8: {  	[hbm:s10], [sflag:s28] =	dma.local [spmem:s0], $0x500  }
0x1a9: {  	_ =	swait.ge [sflag:s12], $0x500  }
0x1aa: {  	[sflag:s12] =	ssyncset.done $0x0;
	s29 =	rddreg [dreg:$0x16]  }
0x1ab: {  	s10 =	rddreg [dreg:$0xf];
	[sflag:s12] =	ssyncadd.s32 $0xFFFFFB00;
	s0 =	sshrl.u32 s29, $0x3  }
0x1ac: {  	[hbm:s10], [sflag:s28] =	dma.local [spmem:s0], $0x500  }
0x1ad: {  	_ =	swait.ge [sflag:s12], $0x500  }
0x1ae: {  	[sflag:s12] =	ssyncset.done $0x0;
	s29 =	rddreg [dreg:$0x17]  }
0x1af: {  	s10 =	rddreg [dreg:$0x10];
	[sflag:s12] =	ssyncadd.s32 $0xFFFFFB00;
	s0 =	sshrl.u32 s29, $0x3  }
0x1b0: {  	[hbm:s10], [sflag:s28] =	dma.local [spmem:s0], $0x500  }
0x1b1: {  	_ =	swait.ge [sflag:s12], $0x500  }
0x1b2: {  	s26 =	sadd.s32 $0x1, s26;
	s29 =	rddreg [dreg:$0x11]  }
0x1b3: {  	p0 =	sne.s32 s26, s29  }
.Ltmp4:
0x1b4: {  	_ = 	snop;
	(pc) =	sbr.rel @p0 .LBB2_1-.Ltmp4, $3  }
0x1b5: {  	_ =	sdelay $0x1  }
0x1b6: {  	[sflag:s12] =	ssyncset.done $0x0  }
0x1b7: {  	[sflag:s12] =	ssyncadd.s32 $0xFFFFFB00  }
0x1b8: {  	_ =	sfence.sel $0x180000  }
0x1b9: {  	[bflag:$0x0] =	sbarrier.arrive $0xFFFF  }
0x1ba: {  	_ =	strace $0x90000047  }
0x1bb: {  	s0 =	stileid.u32;
	[bflag:$0x2] =	sbarrier.arrive $0xFFFF  }
0x1bc: {  	p0 =	sne.s32 s0, $0x0;
	s0 =	rddreg [dreg:$0x3]  }
0x1bd: {  	s0 =	sadd.s32 @!p0 $0x100000, s0  }
0x1be: {  	[sflag:s0] =	ssyncadd.tile.s32 @!p0 $0x1;
	_ =	shalt  }
.Lfunc_end2:
_tile_overlayer_lowered:
.L_overlay_start_2:
0x1bf: {  	(tag) =	ssettag $0x2  }
0x1c0: {  	s0 =	rddreg [dreg:$0x0];
	s2 =	stileid.u32  }
0x1c1: {  	s1 =	rddreg [dreg:$0x1];
	p0 =	sne.s32 s2, $0x0  }
0x1c2: {  	s3 =	rddreg [dreg:$0x2];
	[bflag:$0x3] =	sbarrier.arrive $0xFFFF;
	s2 =	simm.s32 @!p0 $0x1C06  }
0x1c3: {  	[timem:s3], [sflag:s2] =	dma.local @!p0 [hbm:s0], s1  }
0x1c4: {  	s0 =	simm.s32 @!p0 $0x6  }
0x1c5: {  	_ =	swait.ge @!p0 [sflag:s0], s1  }
0x1c6: {  	s1 =	ssub.s32 @!p0 $0x0, s1;
	[sflag:s0] =	ssyncset.done @!p0 $0x0  }
0x1c7: {  	[sflag:s0] =	ssyncadd.s32 @!p0 s1  }
0x1c8: {  	[bflag:$0x3] =	sbarrier.arrive $0xFFFF  }
0x1c9: {  	_ =	shalt  }

</sc_bundles>
